<compile_context>
chip_gen: v7x
topology: tpu7x:2x2x1
jax: 0.10.2.dev20260603
libtpu: 0.0.44.dev20260713+nightly
codegen_flags: <defaults>
</compile_context>

<pallas_src>
import jax
import jax.numpy as jnp
from jax import lax
from jax.experimental import pallas as pl
from jax.experimental.pallas import tpu as pltpu
from jax.experimental.pallas import tpu_sc as plsc

B, S, D, H, E = 1, 2048, 1024, 4096, 8
T = B * S
THRESHOLD = 0.5

HC = 4
HB = H // HC
TBS = 256
NTB = T // TBS

NC, NS = 2, 16
NW = NC * NS
TPW = T // NW

_mesh = plsc.VectorSubcoreMesh(core_axis_name="c", subcore_axis_name="s")



def _sc_scatter_kernel(xb_hbm, posa_hbm, xg_hbm, rows_v, idx_v):
    wid = lax.axis_index("s") * NC + lax.axis_index("c")
    tok0 = wid * TPW
    pltpu.sync_copy(xb_hbm.at[pl.ds(tok0, TPW)], rows_v)
    for e in range(E):
        pltpu.sync_copy(posa_hbm.at[e, pl.ds(tok0, TPW)], idx_v)
        pltpu.sync_copy(rows_v, xg_hbm.at[idx_v])


def _sc_scatter(xb3, posa):
    return pl.kernel(
        _sc_scatter_kernel,
        out_type=jax.ShapeDtypeStruct((E * T, 4, 128), jnp.int32),
        mesh=_mesh,
        scratch_types=[
            pltpu.VMEM((TPW, 4, 128), jnp.int32),
            pltpu.VMEM((TPW,), jnp.int32),
        ],
    )(xb3, posa)



def _sc_gather_kernel(yg_hbm, posb_hbm, yd_hbm, rows_v, idx_v):
    wid = lax.axis_index("s") * NC + lax.axis_index("c")
    tok0 = wid * TPW
    for e in range(E):
        pltpu.sync_copy(posb_hbm.at[e, pl.ds(tok0, TPW)], idx_v)
        pltpu.sync_copy(yg_hbm.at[idx_v], rows_v)
        pltpu.sync_copy(rows_v, yd_hbm.at[pl.ds(e * T + tok0, TPW)])


def _sc_gather(yg3, posb):
    return pl.kernel(
        _sc_gather_kernel,
        out_type=jax.ShapeDtypeStruct((E * T, 4, 128), jnp.int32),
        mesh=_mesh,
        scratch_types=[
            pltpu.VMEM((TPW, 4, 128), jnp.int32),
            pltpu.VMEM((TPW,), jnp.int32),
        ],
    )(yg3, posb)



def _ffn_kernel(cnt_ref, xg_ref, w1_ref, b1_ref, w2_ref, b2_ref, yg_ref,
                wc1_ref, wc2_ref, yacc_ref):
    e = pl.program_id(0)
    hc = pl.program_id(1)
    tb = pl.program_id(2)

    @pl.when(tb == 0)
    def _cache_weights():
        wc1_ref[...] = w1_ref[0].astype(jnp.bfloat16)
        wc2_ref[...] = w2_ref[0].astype(jnp.bfloat16)

    @pl.when(tb * TBS < cnt_ref[e])
    def _compute():
        xb = xg_ref[0]
        h = jax.lax.dot_general(xb, wc1_ref[...], (((1,), (0,)), ((), ())),
                                preferred_element_type=jnp.float32)
        hb = jnp.maximum(h + b1_ref[0], 0.0).astype(jnp.bfloat16)
        y = jax.lax.dot_general(hb, wc2_ref[...], (((1,), (0,)), ((), ())),
                                preferred_element_type=jnp.float32)
        y = y + jnp.where(hc == 0, 1.0, 0.0) * b2_ref[0]

        @pl.when(hc == 0)
        def _first():
            yacc_ref[...] = y

        @pl.when(hc != 0)
        def _rest():
            yacc_ref[...] += y

        @pl.when(hc == HC - 1)
        def _emit():
            yg_ref[0] = yacc_ref[...].astype(jnp.bfloat16)


def _ffn(counts, xg, W1, b1r, W2, b2r):
    return pl.pallas_call(
        _ffn_kernel,
        grid=(E, HC, NTB),
        in_specs=[
            pl.BlockSpec(memory_space=pltpu.SMEM),
            pl.BlockSpec((1, TBS, D), lambda e, hc, tb: (e, tb, 0)),
            pl.BlockSpec((1, D, HB), lambda e, hc, tb: (e, 0, hc)),
            pl.BlockSpec((1, 1, HB), lambda e, hc, tb: (e, 0, hc)),
            pl.BlockSpec((1, HB, D), lambda e, hc, tb: (e, hc, 0)),
            pl.BlockSpec((1, 1, D), lambda e, hc, tb: (e, 0, 0)),
        ],
        out_specs=pl.BlockSpec((1, TBS, D), lambda e, hc, tb: (e, tb, 0)),
        out_shape=jax.ShapeDtypeStruct((E, T, D), jnp.bfloat16),
        scratch_shapes=[
            pltpu.VMEM((D, HB), jnp.bfloat16),
            pltpu.VMEM((HB, D), jnp.bfloat16),
            pltpu.VMEM((TBS, D), jnp.float32),
        ],
        compiler_params=pltpu.CompilerParams(
            dimension_semantics=("arbitrary", "arbitrary", "arbitrary")),
    )(counts, xg, W1, b1r, W2, b2r)



def _combine_kernel(ew_ref, yd_ref, out_ref):
    e = pl.program_id(0)

    @pl.when(e == 0)
    def _init():
        out_ref[...] = jnp.zeros((T, D), jnp.float32)

    ewb = ew_ref[...]
    lane = jax.lax.broadcasted_iota(jnp.int32, (T, E), 1)
    w = jnp.sum(jnp.where(lane == e, ewb, 0.0), axis=1, keepdims=True)
    y = yd_ref[0].astype(jnp.float32)
    out_ref[...] += jnp.where(w > 0.0, w * y, 0.0)


def _combine(ew, yd):
    return pl.pallas_call(
        _combine_kernel,
        grid=(E,),
        in_specs=[
            pl.BlockSpec((T, E), lambda e: (0, 0)),
            pl.BlockSpec((1, T, D), lambda e: (e, 0, 0)),
        ],
        out_specs=pl.BlockSpec((T, D), lambda e: (0, 0)),
        out_shape=jax.ShapeDtypeStruct((T, D), jnp.float32),
        compiler_params=pltpu.CompilerParams(
            dimension_semantics=("arbitrary",)),
    )(ew, yd)


def kernel(x, Wg, bg, W1, b1, W2, b2):
    x_flat = x.reshape(T, D)
    logits = x_flat @ Wg + bg
    probs = jax.nn.sigmoid(logits)
    ew = probs * (probs > THRESHOLD).astype(x_flat.dtype)
    mask = ew > 0.0
    pos = jnp.cumsum(mask.astype(jnp.int32), axis=0) - 1
    counts = jnp.sum(mask.astype(jnp.int32), axis=0)
    base = (jnp.arange(E, dtype=jnp.int32) * T)[None, :]
    posa = jnp.where(mask, pos, T - 1) + base
    posb = jnp.maximum(pos, 0) + base
    xb = x_flat.astype(jnp.bfloat16)
    xb3 = jax.lax.bitcast_convert_type(
        xb.reshape(T, D // 2, 2), jnp.int32).reshape(T, 4, 128)

    xg_i = _sc_scatter(xb3, posa.T)
    xg = jax.lax.bitcast_convert_type(
        xg_i.reshape(E, T, D // 2), jnp.bfloat16).reshape(E, T, D)
    yg = _ffn(counts, xg, W1,
              b1.reshape(E, 1, H), W2, b2.reshape(E, 1, D))
    yg3 = jax.lax.bitcast_convert_type(
        yg.reshape(E * T, D // 2, 2), jnp.int32).reshape(E * T, 4, 128)
    yd_i = _sc_gather(yg3, posb.T)
    yd = jax.lax.bitcast_convert_type(
        yd_i.reshape(E, T, D // 2), jnp.bfloat16).reshape(E, T, D)
    out = _combine(ew, yd)
    return out.reshape(B, S, D)

# --- scband reference (transcript-rebuilt; emitter-appended) ---
"""Pipeline reference for scband-dynamic-mo-e-22239340659019 (READ-ONLY COPY).

The authoritative reference and input builder live on the scoring server;
editing this copy changes nothing except your own understanding.
"""

import jax, jax.numpy as jnp
import numpy as np

B, S, D, H, E = 1, 2048, 1024, 4096, 8
THRESHOLD = 0.5

def setup_inputs(seed: int = 0) -> dict:
    key = jax.random.key(seed)
    ks = jax.random.split(key, 6)
    x = jax.random.normal(ks[0], (B, S, D), dtype=jnp.float32)
    Wg = jax.random.normal(ks[1], (D, E), dtype=jnp.float32) * 0.02
    bg = jnp.zeros((E,), dtype=jnp.float32)
    W1 = jax.random.normal(ks[2], (E, D, H), dtype=jnp.float32) * 0.02
    b1 = jnp.zeros((E, H), dtype=jnp.float32)
    W2 = jax.random.normal(ks[3], (E, H, D), dtype=jnp.float32) * 0.02
    b2 = jnp.zeros((E, D), dtype=jnp.float32)
    return {"x": x, "Wg": Wg, "bg": bg, "W1": W1, "b1": b1, "W2": W2, "b2": b2}

def reference(x, Wg, bg, W1, b1, W2, b2):
    b, s, d = x.shape
    x_flat = x.reshape(-1, d)                     # [T, D]
    # TopAnyGating
    logits = x_flat @ Wg + bg                     # [T, E]
    probs = jax.nn.sigmoid(logits)
    mask = (probs > THRESHOLD).astype(x_flat.dtype)
    expert_weights = probs * mask                 # [T, E]
    # Each expert processes all tokens (faithful to the torch loop: inactive
    # experts contribute zero via zero weights, same math).
    h = jax.nn.relu(jnp.einsum('td,edh->eth', x_flat, W1) + b1[:, None, :])  # [E, T, H]
    expert_out = jnp.einsum('eth,ehd->etd', h, W2) + b2[:, None, :]          # [E, T, D]
    combined = jnp.einsum('te,etd->td', expert_weights, expert_out)          # [T, D]
    return combined.reshape(b, s, d)

if __name__ == "__main__":
    import jax
    _d = setup_inputs()
    print(jax.jit(kernel)(*tuple(_d.values())))

</pallas_src>

<mosaic_0001>
#map = affine_map<(d0, d1) -> (0, 0, 0)>
#map1 = affine_map<(d0, d1) -> (0, 0)>
module attributes {stable_mosaic.version = 14 : i64} {
  func.func @_sc_scatter_kernel(%arg0: i32, %arg1: i32, %arg2: memref<2048x4x128xi32, #tpu.memory_space<hbm>>, %arg3: memref<8x2048xi32, #tpu.memory_space<hbm>>, %arg4: memref<16384x4x128xi32, #tpu.memory_space<hbm>>, %arg5: memref<64x4x128xi32, #tpu.memory_space<vmem>>, %arg6: memref<64xi32, #tpu.memory_space<vmem>>) attributes {dimension_semantics = [#tpu.dimension_semantics<core_parallel>, #tpu.dimension_semantics<subcore_parallel>], iteration_bounds = array<i64: 2, 16>, scalar_prefetch = 0 : i64, scratch_operands = 2 : i64, tpu.core_type = #tpu.core_type<sc_vector_subcore>, window_params = [{transform_indices = #map}, {transform_indices = #map1}, {transform_indices = #map}]} {
    %mul3A = arith.constant 2 : i32
    %mul3A_0 = arith.muli %arg1, %mul3A : i32
    %add3A = arith.addi %mul3A_0, %arg0 : i32
    %mul3A_1 = arith.constant 64 : i32
    %mul3A_2 = arith.muli %add3A, %mul3A_1 : i32
    "tpu.region"() ({
      %run_scoped3A_10 = tpu.sem_alloc : memref<!tpu.dma_semaphore, #tpu.memory_space<semaphore_mem>>
      %dma_start3A = arith.constant 0 : i32
      %dma_start3A_11 = arith.constant 0 : i32
      %dma_start3A_12 = tpu.memref_slice %arg2[%mul3A_2, %dma_start3A, %dma_start3A_11] : memref<2048x4x128xi32, #tpu.memory_space<hbm>> -> memref<64x4x128xi32, #tpu.memory_space<hbm>>
      %dma_start3A_13 = arith.constant 0 : i32
      %dma_start3A_14 = arith.constant 0 : i32
      %dma_start3A_15 = tpu.memref_slice %arg2[%mul3A_2, %dma_start3A_13, %dma_start3A_14] : memref<2048x4x128xi32, #tpu.memory_space<hbm>> -> memref<64x4x128xi32, #tpu.memory_space<hbm>>
      tpu.enqueue_dma source(%dma_start3A_15 : memref<64x4x128xi32, #tpu.memory_space<hbm>>) target(%arg5 : memref<64x4x128xi32, #tpu.memory_space<vmem>>) target_semaphore(%run_scoped3A_10 : memref<!tpu.dma_semaphore, #tpu.memory_space<semaphore_mem>>)
      %dma_wait3A = arith.constant 0 : i32
      %dma_wait3A_16 = arith.constant 0 : i32
      %dma_wait3A_17 = tpu.memref_slice %arg2[%mul3A_2, %dma_wait3A, %dma_wait3A_16] : memref<2048x4x128xi32, #tpu.memory_space<hbm>> -> memref<64x4x128xi32, #tpu.memory_space<hbm>>
      %dma_wait3A_18 = arith.constant 0 : i32
      %dma_wait3A_19 = arith.constant 0 : i32
      %dma_wait3A_20 = tpu.memref_slice %arg2[%mul3A_2, %dma_wait3A_18, %dma_wait3A_19] : memref<2048x4x128xi32, #tpu.memory_space<hbm>> -> memref<64x4x128xi32, #tpu.memory_space<hbm>>
      tpu.wait_dma2 semaphore(%run_scoped3A_10 : memref<!tpu.dma_semaphore, #tpu.memory_space<semaphore_mem>>) src(%dma_wait3A_20 : memref<64x4x128xi32, #tpu.memory_space<hbm>>) dst(%arg5 : memref<64x4x128xi32, #tpu.memory_space<vmem>>)
      tpu.yield
    }) : () -> ()
    %run_scoped3A = arith.constant 0 : i32
    "tpu.region"() ({
      %run_scoped3A_10 = tpu.sem_alloc : memref<!tpu.dma_semaphore, #tpu.memory_space<semaphore_mem>>
      %dma_start3A = tpu.memref_slice %arg3[%run_scoped3A, %mul3A_2] : memref<8x2048xi32, #tpu.memory_space<hbm>> -> memref<1x64xi32, #tpu.memory_space<hbm>>
      %dma_start3A_11 = tpu.memref_squeeze %dma_start3A : memref<1x64xi32, #tpu.memory_space<hbm>> -> memref<64xi32, #tpu.memory_space<hbm>>
      %dma_start3A_12 = tpu.memref_slice %arg3[%run_scoped3A, %mul3A_2] : memref<8x2048xi32, #tpu.memory_space<hbm>> -> memref<1x64xi32, #tpu.memory_space<hbm>>
      %dma_start3A_13 = tpu.memref_squeeze %dma_start3A_12 : memref<1x64xi32, #tpu.memory_space<hbm>> -> memref<64xi32, #tpu.memory_space<hbm>>
      tpu.enqueue_dma source(%dma_start3A_13 : memref<64xi32, #tpu.memory_space<hbm>>) target(%arg6 : memref<64xi32, #tpu.memory_space<vmem>>) target_semaphore(%run_scoped3A_10 : memref<!tpu.dma_semaphore, #tpu.memory_space<semaphore_mem>>)
      %dma_wait3A = tpu.memref_slice %arg3[%run_scoped3A, %mul3A_2] : memref<8x2048xi32, #tpu.memory_space<hbm>> -> memref<1x64xi32, #tpu.memory_space<hbm>>
      %dma_wait3A_14 = tpu.memref_squeeze %dma_wait3A : memref<1x64xi32, #tpu.memory_space<hbm>> -> memref<64xi32, #tpu.memory_space<hbm>>
      %dma_wait3A_15 = tpu.memref_slice %arg3[%run_scoped3A, %mul3A_2] : memref<8x2048xi32, #tpu.memory_space<hbm>> -> memref<1x64xi32, #tpu.memory_space<hbm>>
      %dma_wait3A_16 = tpu.memref_squeeze %dma_wait3A_15 : memref<1x64xi32, #tpu.memory_space<hbm>> -> memref<64xi32, #tpu.memory_space<hbm>>
      tpu.wait_dma2 semaphore(%run_scoped3A_10 : memref<!tpu.dma_semaphore, #tpu.memory_space<semaphore_mem>>) src(%dma_wait3A_16 : memref<64xi32, #tpu.memory_space<hbm>>) dst(%arg6 : memref<64xi32, #tpu.memory_space<vmem>>)
      tpu.yield
    }) : () -> ()
    "tpu.region"() ({
      %run_scoped3A_10 = tpu.sem_alloc : memref<!tpu.dma_semaphore, #tpu.memory_space<semaphore_mem>>
      %dma_start3A = arith.constant 0 : i32
      %dma_start3A_11 = arith.constant 0 : i32
      %dma_start3A_12 = arith.constant 0 : i32
      %dma_start3A_13 = tpu.memref_slice %arg4[%dma_start3A, %dma_start3A_11, %dma_start3A_12] : memref<16384x4x128xi32, #tpu.memory_space<hbm>> -> memref<16384x4x128xi32, #tpu.memory_space<hbm>>
      tpu.enqueue_indirect_dma source(%arg5 : memref<64x4x128xi32, #tpu.memory_space<vmem>>) target(%dma_start3A_13 : memref<16384x4x128xi32, #tpu.memory_space<hbm>>) offsets(%arg6 : memref<64xi32, #tpu.memory_space<vmem>>) semaphore(%run_scoped3A_10 : memref<!tpu.dma_semaphore, #tpu.memory_space<semaphore_mem>>)
      %dma_wait3A = arith.constant 0 : i32
      %dma_wait3A_14 = arith.constant 0 : i32
      %dma_wait3A_15 = arith.constant 0 : i32
      %dma_wait3A_16 = tpu.memref_slice %arg4[%dma_wait3A, %dma_wait3A_14, %dma_wait3A_15] : memref<16384x4x128xi32, #tpu.memory_space<hbm>> -> memref<16384x4x128xi32, #tpu.memory_space<hbm>>
      tpu.wait_indirect_dma semaphore(%run_scoped3A_10 : memref<!tpu.dma_semaphore, #tpu.memory_space<semaphore_mem>>) src(%arg5 : memref<64x4x128xi32, #tpu.memory_space<vmem>>) dst(%dma_wait3A_16 : memref<16384x4x128xi32, #tpu.memory_space<hbm>>)
      tpu.yield
    }) : () -> ()
    %run_scoped3A_3 = arith.constant 1 : i32
    "tpu.region"() ({
      %run_scoped3A_10 = tpu.sem_alloc : memref<!tpu.dma_semaphore, #tpu.memory_space<semaphore_mem>>
      %dma_start3A = tpu.memref_slice %arg3[%run_scoped3A_3, %mul3A_2] : memref<8x2048xi32, #tpu.memory_space<hbm>> -> memref<1x64xi32, #tpu.memory_space<hbm>>
      %dma_start3A_11 = tpu.memref_squeeze %dma_start3A : memref<1x64xi32, #tpu.memory_space<hbm>> -> memref<64xi32, #tpu.memory_space<hbm>>
      %dma_start3A_12 = tpu.memref_slice %arg3[%run_scoped3A_3, %mul3A_2] : memref<8x2048xi32, #tpu.memory_space<hbm>> -> memref<1x64xi32, #tpu.memory_space<hbm>>
      %dma_start3A_13 = tpu.memref_squeeze %dma_start3A_12 : memref<1x64xi32, #tpu.memory_space<hbm>> -> memref<64xi32, #tpu.memory_space<hbm>>
      tpu.enqueue_dma source(%dma_start3A_13 : memref<64xi32, #tpu.memory_space<hbm>>) target(%arg6 : memref<64xi32, #tpu.memory_space<vmem>>) target_semaphore(%run_scoped3A_10 : memref<!tpu.dma_semaphore, #tpu.memory_space<semaphore_mem>>)
      %dma_wait3A = tpu.memref_slice %arg3[%run_scoped3A_3, %mul3A_2] : memref<8x2048xi32, #tpu.memory_space<hbm>> -> memref<1x64xi32, #tpu.memory_space<hbm>>
      %dma_wait3A_14 = tpu.memref_squeeze %dma_wait3A : memref<1x64xi32, #tpu.memory_space<hbm>> -> memref<64xi32, #tpu.memory_space<hbm>>
      %dma_wait3A_15 = tpu.memref_slice %arg3[%run_scoped3A_3, %mul3A_2] : memref<8x2048xi32, #tpu.memory_space<hbm>> -> memref<1x64xi32, #tpu.memory_space<hbm>>
      %dma_wait3A_16 = tpu.memref_squeeze %dma_wait3A_15 : memref<1x64xi32, #tpu.memory_space<hbm>> -> memref<64xi32, #tpu.memory_space<hbm>>
      tpu.wait_dma2 semaphore(%run_scoped3A_10 : memref<!tpu.dma_semaphore, #tpu.memory_space<semaphore_mem>>) src(%dma_wait3A_16 : memref<64xi32, #tpu.memory_space<hbm>>) dst(%arg6 : memref<64xi32, #tpu.memory_space<vmem>>)
      tpu.yield
    }) : () -> ()
    "tpu.region"() ({
      %run_scoped3A_10 = tpu.sem_alloc : memref<!tpu.dma_semaphore, #tpu.memory_space<semaphore_mem>>
      %dma_start3A = arith.constant 0 : i32
      %dma_start3A_11 = arith.constant 0 : i32
      %dma_start3A_12 = arith.constant 0 : i32
      %dma_start3A_13 = tpu.memref_slice %arg4[%dma_start3A, %dma_start3A_11, %dma_start3A_12] : memref<16384x4x128xi32, #tpu.memory_space<hbm>> -> memref<16384x4x128xi32, #tpu.memory_space<hbm>>
      tpu.enqueue_indirect_dma source(%arg5 : memref<64x4x128xi32, #tpu.memory_space<vmem>>) target(%dma_start3A_13 : memref<16384x4x128xi32, #tpu.memory_space<hbm>>) offsets(%arg6 : memref<64xi32, #tpu.memory_space<vmem>>) semaphore(%run_scoped3A_10 : memref<!tpu.dma_semaphore, #tpu.memory_space<semaphore_mem>>)
      %dma_wait3A = arith.constant 0 : i32
      %dma_wait3A_14 = arith.constant 0 : i32
      %dma_wait3A_15 = arith.constant 0 : i32
      %dma_wait3A_16 = tpu.memref_slice %arg4[%dma_wait3A, %dma_wait3A_14, %dma_wait3A_15] : memref<16384x4x128xi32, #tpu.memory_space<hbm>> -> memref<16384x4x128xi32, #tpu.memory_space<hbm>>
      tpu.wait_indirect_dma semaphore(%run_scoped3A_10 : memref<!tpu.dma_semaphore, #tpu.memory_space<semaphore_mem>>) src(%arg5 : memref<64x4x128xi32, #tpu.memory_space<vmem>>) dst(%dma_wait3A_16 : memref<16384x4x128xi32, #tpu.memory_space<hbm>>)
      tpu.yield
    }) : () -> ()
    %run_scoped3A_4 = arith.constant 2 : i32
    "tpu.region"() ({
      %run_scoped3A_10 = tpu.sem_alloc : memref<!tpu.dma_semaphore, #tpu.memory_space<semaphore_mem>>
      %dma_start3A = tpu.memref_slice %arg3[%run_scoped3A_4, %mul3A_2] : memref<8x2048xi32, #tpu.memory_space<hbm>> -> memref<1x64xi32, #tpu.memory_space<hbm>>
      %dma_start3A_11 = tpu.memref_squeeze %dma_start3A : memref<1x64xi32, #tpu.memory_space<hbm>> -> memref<64xi32, #tpu.memory_space<hbm>>
      %dma_start3A_12 = tpu.memref_slice %arg3[%run_scoped3A_4, %mul3A_2] : memref<8x2048xi32, #tpu.memory_space<hbm>> -> memref<1x64xi32, #tpu.memory_space<hbm>>
      %dma_start3A_13 = tpu.memref_squeeze %dma_start3A_12 : memref<1x64xi32, #tpu.memory_space<hbm>> -> memref<64xi32, #tpu.memory_space<hbm>>
      tpu.enqueue_dma source(%dma_start3A_13 : memref<64xi32, #tpu.memory_space<hbm>>) target(%arg6 : memref<64xi32, #tpu.memory_space<vmem>>) target_semaphore(%run_scoped3A_10 : memref<!tpu.dma_semaphore, #tpu.memory_space<semaphore_mem>>)
      %dma_wait3A = tpu.memref_slice %arg3[%run_scoped3A_4, %mul3A_2] : memref<8x2048xi32, #tpu.memory_space<hbm>> -> memref<1x64xi32, #tpu.memory_space<hbm>>
      %dma_wait3A_14 = tpu.memref_squeeze %dma_wait3A : memref<1x64xi32, #tpu.memory_space<hbm>> -> memref<64xi32, #tpu.memory_space<hbm>>
      %dma_wait3A_15 = tpu.memref_slice %arg3[%run_scoped3A_4, %mul3A_2] : memref<8x2048xi32, #tpu.memory_space<hbm>> -> memref<1x64xi32, #tpu.memory_space<hbm>>
      %dma_wait3A_16 = tpu.memref_squeeze %dma_wait3A_15 : memref<1x64xi32, #tpu.memory_space<hbm>> -> memref<64xi32, #tpu.memory_space<hbm>>
      tpu.wait_dma2 semaphore(%run_scoped3A_10 : memref<!tpu.dma_semaphore, #tpu.memory_space<semaphore_mem>>) src(%dma_wait3A_16 : memref<64xi32, #tpu.memory_space<hbm>>) dst(%arg6 : memref<64xi32, #tpu.memory_space<vmem>>)
      tpu.yield
    }) : () -> ()
    "tpu.region"() ({
      %run_scoped3A_10 = tpu.sem_alloc : memref<!tpu.dma_semaphore, #tpu.memory_space<semaphore_mem>>
      %dma_start3A = arith.constant 0 : i32
      %dma_start3A_11 = arith.constant 0 : i32
      %dma_start3A_12 = arith.constant 0 : i32
      %dma_start3A_13 = tpu.memref_slice %arg4[%dma_start3A, %dma_start3A_11, %dma_start3A_12] : memref<16384x4x128xi32, #tpu.memory_space<hbm>> -> memref<16384x4x128xi32, #tpu.memory_space<hbm>>
      tpu.enqueue_indirect_dma source(%arg5 : memref<64x4x128xi32, #tpu.memory_space<vmem>>) target(%dma_start3A_13 : memref<16384x4x128xi32, #tpu.memory_space<hbm>>) offsets(%arg6 : memref<64xi32, #tpu.memory_space<vmem>>) semaphore(%run_scoped3A_10 : memref<!tpu.dma_semaphore, #tpu.memory_space<semaphore_mem>>)
      %dma_wait3A = arith.constant 0 : i32
      %dma_wait3A_14 = arith.constant 0 : i32
      %dma_wait3A_15 = arith.constant 0 : i32
      %dma_wait3A_16 = tpu.memref_slice %arg4[%dma_wait3A, %dma_wait3A_14, %dma_wait3A_15] : memref<16384x4x128xi32, #tpu.memory_space<hbm>> -> memref<16384x4x128xi32, #tpu.memory_space<hbm>>
      tpu.wait_indirect_dma semaphore(%run_scoped3A_10 : memref<!tpu.dma_semaphore, #tpu.memory_space<semaphore_mem>>) src(%arg5 : memref<64x4x128xi32, #tpu.memory_space<vmem>>) dst(%dma_wait3A_16 : memref<16384x4x128xi32, #tpu.memory_space<hbm>>)
      tpu.yield
    }) : () -> ()
    %run_scoped3A_5 = arith.constant 3 : i32
    "tpu.region"() ({
      %run_scoped3A_10 = tpu.sem_alloc : memref<!tpu.dma_semaphore, #tpu.memory_space<semaphore_mem>>
      %dma_start3A = tpu.memref_slice %arg3[%run_scoped3A_5, %mul3A_2] : memref<8x2048xi32, #tpu.memory_space<hbm>> -> memref<1x64xi32, #tpu.memory_space<hbm>>
      %dma_start3A_11 = tpu.memref_squeeze %dma_start3A : memref<1x64xi32, #tpu.memory_space<hbm>> -> memref<64xi32, #tpu.memory_space<hbm>>
      %dma_start3A_12 = tpu.memref_slice %arg3[%run_scoped3A_5, %mul3A_2] : memref<8x2048xi32, #tpu.memory_space<hbm>> -> memref<1x64xi32, #tpu.memory_space<hbm>>
      %dma_start3A_13 = tpu.memref_squeeze %dma_start3A_12 : memref<1x64xi32, #tpu.memory_space<hbm>> -> memref<64xi32, #tpu.memory_space<hbm>>
      tpu.enqueue_dma source(%dma_start3A_13 : memref<64xi32, #tpu.memory_space<hbm>>) target(%arg6 : memref<64xi32, #tpu.memory_space<vmem>>) target_semaphore(%run_scoped3A_10 : memref<!tpu.dma_semaphore, #tpu.memory_space<semaphore_mem>>)
      %dma_wait3A = tpu.memref_slice %arg3[%run_scoped3A_5, %mul3A_2] : memref<8x2048xi32, #tpu.memory_space<hbm>> -> memref<1x64xi32, #tpu.memory_space<hbm>>
      %dma_wait3A_14 = tpu.memref_squeeze %dma_wait3A : memref<1x64xi32, #tpu.memory_space<hbm>> -> memref<64xi32, #tpu.memory_space<hbm>>
      %dma_wait3A_15 = tpu.memref_slice %arg3[%run_scoped3A_5, %mul3A_2] : memref<8x2048xi32, #tpu.memory_space<hbm>> -> memref<1x64xi32, #tpu.memory_space<hbm>>
      %dma_wait3A_16 = tpu.memref_squeeze %dma_wait3A_15 : memref<1x64xi32, #tpu.memory_space<hbm>> -> memref<64xi32, #tpu.memory_space<hbm>>
      tpu.wait_dma2 semaphore(%run_scoped3A_10 : memref<!tpu.dma_semaphore, #tpu.memory_space<semaphore_mem>>) src(%dma_wait3A_16 : memref<64xi32, #tpu.memory_space<hbm>>) dst(%arg6 : memref<64xi32, #tpu.memory_space<vmem>>)
      tpu.yield
    }) : () -> ()
    "tpu.region"() ({
      %run_scoped3A_10 = tpu.sem_alloc : memref<!tpu.dma_semaphore, #tpu.memory_space<semaphore_mem>>
      %dma_start3A = arith.constant 0 : i32
      %dma_start3A_11 = arith.constant 0 : i32
      %dma_start3A_12 = arith.constant 0 : i32
      %dma_start3A_13 = tpu.memref_slice %arg4[%dma_start3A, %dma_start3A_11, %dma_start3A_12] : memref<16384x4x128xi32, #tpu.memory_space<hbm>> -> memref<16384x4x128xi32, #tpu.memory_space<hbm>>
      tpu.enqueue_indirect_dma source(%arg5 : memref<64x4x128xi32, #tpu.memory_space<vmem>>) target(%dma_start3A_13 : memref<16384x4x128xi32, #tpu.memory_space<hbm>>) offsets(%arg6 : memref<64xi32, #tpu.memory_space<vmem>>) semaphore(%run_scoped3A_10 : memref<!tpu.dma_semaphore, #tpu.memory_space<semaphore_mem>>)
      %dma_wait3A = arith.constant 0 : i32
      %dma_wait3A_14 = arith.constant 0 : i32
      %dma_wait3A_15 = arith.constant 0 : i32
      %dma_wait3A_16 = tpu.memref_slice %arg4[%dma_wait3A, %dma_wait3A_14, %dma_wait3A_15] : memref<16384x4x128xi32, #tpu.memory_space<hbm>> -> memref<16384x4x128xi32, #tpu.memory_space<hbm>>
      tpu.wait_indirect_dma semaphore(%run_scoped3A_10 : memref<!tpu.dma_semaphore, #tpu.memory_space<semaphore_mem>>) src(%arg5 : memref<64x4x128xi32, #tpu.memory_space<vmem>>) dst(%dma_wait3A_16 : memref<16384x4x128xi32, #tpu.memory_space<hbm>>)
      tpu.yield
    }) : () -> ()
    %run_scoped3A_6 = arith.constant 4 : i32
    "tpu.region"() ({
      %run_scoped3A_10 = tpu.sem_alloc : memref<!tpu.dma_semaphore, #tpu.memory_space<semaphore_mem>>
      %dma_start3A = tpu.memref_slice %arg3[%run_scoped3A_6, %mul3A_2] : memref<8x2048xi32, #tpu.memory_space<hbm>> -> memref<1x64xi32, #tpu.memory_space<hbm>>
      %dma_start3A_11 = tpu.memref_squeeze %dma_start3A : memref<1x64xi32, #tpu.memory_space<hbm>> -> memref<64xi32, #tpu.memory_space<hbm>>
      %dma_start3A_12 = tpu.memref_slice %arg3[%run_scoped3A_6, %mul3A_2] : memref<8x2048xi32, #tpu.memory_space<hbm>> -> memref<1x64xi32, #tpu.memory_space<hbm>>
      %dma_start3A_13 = tpu.memref_squeeze %dma_start3A_12 : memref<1x64xi32, #tpu.memory_space<hbm>> -> memref<64xi32, #tpu.memory_space<hbm>>
      tpu.enqueue_dma source(%dma_start3A_13 : memref<64xi32, #tpu.memory_space<hbm>>) target(%arg6 : memref<64xi32, #tpu.memory_space<vmem>>) target_semaphore(%run_scoped3A_10 : memref<!tpu.dma_semaphore, #tpu.memory_space<semaphore_mem>>)
      %dma_wait3A = tpu.memref_slice %arg3[%run_scoped3A_6, %mul3A_2] : memref<8x2048xi32, #tpu.memory_space<hbm>> -> memref<1x64xi32, #tpu.memory_space<hbm>>
      %dma_wait3A_14 = tpu.memref_squeeze %dma_wait3A : memref<1x64xi32, #tpu.memory_space<hbm>> -> memref<64xi32, #tpu.memory_space<hbm>>
      %dma_wait3A_15 = tpu.memref_slice %arg3[%run_scoped3A_6, %mul3A_2] : memref<8x2048xi32, #tpu.memory_space<hbm>> -> memref<1x64xi32, #tpu.memory_space<hbm>>
      %dma_wait3A_16 = tpu.memref_squeeze %dma_wait3A_15 : memref<1x64xi32, #tpu.memory_space<hbm>> -> memref<64xi32, #tpu.memory_space<hbm>>
      tpu.wait_dma2 semaphore(%run_scoped3A_10 : memref<!tpu.dma_semaphore, #tpu.memory_space<semaphore_mem>>) src(%dma_wait3A_16 : memref<64xi32, #tpu.memory_space<hbm>>) dst(%arg6 : memref<64xi32, #tpu.memory_space<vmem>>)
      tpu.yield
    }) : () -> ()
    "tpu.region"() ({
      %run_scoped3A_10 = tpu.sem_alloc : memref<!tpu.dma_semaphore, #tpu.memory_space<semaphore_mem>>
      %dma_start3A = arith.constant 0 : i32
      %dma_start3A_11 = arith.constant 0 : i32
      %dma_start3A_12 = arith.constant 0 : i32
      %dma_start3A_13 = tpu.memref_slice %arg4[%dma_start3A, %dma_start3A_11, %dma_start3A_12] : memref<16384x4x128xi32, #tpu.memory_space<hbm>> -> memref<16384x4x128xi32, #tpu.memory_space<hbm>>
      tpu.enqueue_indirect_dma source(%arg5 : memref<64x4x128xi32, #tpu.memory_space<vmem>>) target(%dma_start3A_13 : memref<16384x4x128xi32, #tpu.memory_space<hbm>>) offsets(%arg6 : memref<64xi32, #tpu.memory_space<vmem>>) semaphore(%run_scoped3A_10 : memref<!tpu.dma_semaphore, #tpu.memory_space<semaphore_mem>>)
      %dma_wait3A = arith.constant 0 : i32
      %dma_wait3A_14 = arith.constant 0 : i32
      %dma_wait3A_15 = arith.constant 0 : i32
      %dma_wait3A_16 = tpu.memref_slice %arg4[%dma_wait3A, %dma_wait3A_14, %dma_wait3A_15] : memref<16384x4x128xi32, #tpu.memory_space<hbm>> -> memref<16384x4x128xi32, #tpu.memory_space<hbm>>
      tpu.wait_indirect_dma semaphore(%run_scoped3A_10 : memref<!tpu.dma_semaphore, #tpu.memory_space<semaphore_mem>>) src(%arg5 : memref<64x4x128xi32, #tpu.memory_space<vmem>>) dst(%dma_wait3A_16 : memref<16384x4x128xi32, #tpu.memory_space<hbm>>)
      tpu.yield
    }) : () -> ()
    %run_scoped3A_7 = arith.constant 5 : i32
    "tpu.region"() ({
      %run_scoped3A_10 = tpu.sem_alloc : memref<!tpu.dma_semaphore, #tpu.memory_space<semaphore_mem>>
      %dma_start3A = tpu.memref_slice %arg3[%run_scoped3A_7, %mul3A_2] : memref<8x2048xi32, #tpu.memory_space<hbm>> -> memref<1x64xi32, #tpu.memory_space<hbm>>
      %dma_start3A_11 = tpu.memref_squeeze %dma_start3A : memref<1x64xi32, #tpu.memory_space<hbm>> -> memref<64xi32, #tpu.memory_space<hbm>>
      %dma_start3A_12 = tpu.memref_slice %arg3[%run_scoped3A_7, %mul3A_2] : memref<8x2048xi32, #tpu.memory_space<hbm>> -> memref<1x64xi32, #tpu.memory_space<hbm>>
      %dma_start3A_13 = tpu.memref_squeeze %dma_start3A_12 : memref<1x64xi32, #tpu.memory_space<hbm>> -> memref<64xi32, #tpu.memory_space<hbm>>
      tpu.enqueue_dma source(%dma_start3A_13 : memref<64xi32, #tpu.memory_space<hbm>>) target(%arg6 : memref<64xi32, #tpu.memory_space<vmem>>) target_semaphore(%run_scoped3A_10 : memref<!tpu.dma_semaphore, #tpu.memory_space<semaphore_mem>>)
      %dma_wait3A = tpu.memref_slice %arg3[%run_scoped3A_7, %mul3A_2] : memref<8x2048xi32, #tpu.memory_space<hbm>> -> memref<1x64xi32, #tpu.memory_space<hbm>>
      %dma_wait3A_14 = tpu.memref_squeeze %dma_wait3A : memref<1x64xi32, #tpu.memory_space<hbm>> -> memref<64xi32, #tpu.memory_space<hbm>>
      %dma_wait3A_15 = tpu.memref_slice %arg3[%run_scoped3A_7, %mul3A_2] : memref<8x2048xi32, #tpu.memory_space<hbm>> -> memref<1x64xi32, #tpu.memory_space<hbm>>
      %dma_wait3A_16 = tpu.memref_squeeze %dma_wait3A_15 : memref<1x64xi32, #tpu.memory_space<hbm>> -> memref<64xi32, #tpu.memory_space<hbm>>
      tpu.wait_dma2 semaphore(%run_scoped3A_10 : memref<!tpu.dma_semaphore, #tpu.memory_space<semaphore_mem>>) src(%dma_wait3A_16 : memref<64xi32, #tpu.memory_space<hbm>>) dst(%arg6 : memref<64xi32, #tpu.memory_space<vmem>>)
      tpu.yield
    }) : () -> ()
    "tpu.region"() ({
      %run_scoped3A_10 = tpu.sem_alloc : memref<!tpu.dma_semaphore, #tpu.memory_space<semaphore_mem>>
      %dma_start3A = arith.constant 0 : i32
      %dma_start3A_11 = arith.constant 0 : i32
      %dma_start3A_12 = arith.constant 0 : i32
      %dma_start3A_13 = tpu.memref_slice %arg4[%dma_start3A, %dma_start3A_11, %dma_start3A_12] : memref<16384x4x128xi32, #tpu.memory_space<hbm>> -> memref<16384x4x128xi32, #tpu.memory_space<hbm>>
      tpu.enqueue_indirect_dma source(%arg5 : memref<64x4x128xi32, #tpu.memory_space<vmem>>) target(%dma_start3A_13 : memref<16384x4x128xi32, #tpu.memory_space<hbm>>) offsets(%arg6 : memref<64xi32, #tpu.memory_space<vmem>>) semaphore(%run_scoped3A_10 : memref<!tpu.dma_semaphore, #tpu.memory_space<semaphore_mem>>)
      %dma_wait3A = arith.constant 0 : i32
      %dma_wait3A_14 = arith.constant 0 : i32
      %dma_wait3A_15 = arith.constant 0 : i32
      %dma_wait3A_16 = tpu.memref_slice %arg4[%dma_wait3A, %dma_wait3A_14, %dma_wait3A_15] : memref<16384x4x128xi32, #tpu.memory_space<hbm>> -> memref<16384x4x128xi32, #tpu.memory_space<hbm>>
      tpu.wait_indirect_dma semaphore(%run_scoped3A_10 : memref<!tpu.dma_semaphore, #tpu.memory_space<semaphore_mem>>) src(%arg5 : memref<64x4x128xi32, #tpu.memory_space<vmem>>) dst(%dma_wait3A_16 : memref<16384x4x128xi32, #tpu.memory_space<hbm>>)
      tpu.yield
    }) : () -> ()
    %run_scoped3A_8 = arith.constant 6 : i32
    "tpu.region"() ({
      %run_scoped3A_10 = tpu.sem_alloc : memref<!tpu.dma_semaphore, #tpu.memory_space<semaphore_mem>>
      %dma_start3A = tpu.memref_slice %arg3[%run_scoped3A_8, %mul3A_2] : memref<8x2048xi32, #tpu.memory_space<hbm>> -> memref<1x64xi32, #tpu.memory_space<hbm>>
      %dma_start3A_11 = tpu.memref_squeeze %dma_start3A : memref<1x64xi32, #tpu.memory_space<hbm>> -> memref<64xi32, #tpu.memory_space<hbm>>
      %dma_start3A_12 = tpu.memref_slice %arg3[%run_scoped3A_8, %mul3A_2] : memref<8x2048xi32, #tpu.memory_space<hbm>> -> memref<1x64xi32, #tpu.memory_space<hbm>>
      %dma_start3A_13 = tpu.memref_squeeze %dma_start3A_12 : memref<1x64xi32, #tpu.memory_space<hbm>> -> memref<64xi32, #tpu.memory_space<hbm>>
      tpu.enqueue_dma source(%dma_start3A_13 : memref<64xi32, #tpu.memory_space<hbm>>) target(%arg6 : memref<64xi32, #tpu.memory_space<vmem>>) target_semaphore(%run_scoped3A_10 : memref<!tpu.dma_semaphore, #tpu.memory_space<semaphore_mem>>)
      %dma_wait3A = tpu.memref_slice %arg3[%run_scoped3A_8, %mul3A_2] : memref<8x2048xi32, #tpu.memory_space<hbm>> -> memref<1x64xi32, #tpu.memory_space<hbm>>
      %dma_wait3A_14 = tpu.memref_squeeze %dma_wait3A : memref<1x64xi32, #tpu.memory_space<hbm>> -> memref<64xi32, #tpu.memory_space<hbm>>
      %dma_wait3A_15 = tpu.memref_slice %arg3[%run_scoped3A_8, %mul3A_2] : memref<8x2048xi32, #tpu.memory_space<hbm>> -> memref<1x64xi32, #tpu.memory_space<hbm>>
      %dma_wait3A_16 = tpu.memref_squeeze %dma_wait3A_15 : memref<1x64xi32, #tpu.memory_space<hbm>> -> memref<64xi32, #tpu.memory_space<hbm>>
      tpu.wait_dma2 semaphore(%run_scoped3A_10 : memref<!tpu.dma_semaphore, #tpu.memory_space<semaphore_mem>>) src(%dma_wait3A_16 : memref<64xi32, #tpu.memory_space<hbm>>) dst(%arg6 : memref<64xi32, #tpu.memory_space<vmem>>)
      tpu.yield
    }) : () -> ()
    "tpu.region"() ({
      %run_scoped3A_10 = tpu.sem_alloc : memref<!tpu.dma_semaphore, #tpu.memory_space<semaphore_mem>>
      %dma_start3A = arith.constant 0 : i32
      %dma_start3A_11 = arith.constant 0 : i32
      %dma_start3A_12 = arith.constant 0 : i32
      %dma_start3A_13 = tpu.memref_slice %arg4[%dma_start3A, %dma_start3A_11, %dma_start3A_12] : memref<16384x4x128xi32, #tpu.memory_space<hbm>> -> memref<16384x4x128xi32, #tpu.memory_space<hbm>>
      tpu.enqueue_indirect_dma source(%arg5 : memref<64x4x128xi32, #tpu.memory_space<vmem>>) target(%dma_start3A_13 : memref<16384x4x128xi32, #tpu.memory_space<hbm>>) offsets(%arg6 : memref<64xi32, #tpu.memory_space<vmem>>) semaphore(%run_scoped3A_10 : memref<!tpu.dma_semaphore, #tpu.memory_space<semaphore_mem>>)
      %dma_wait3A = arith.constant 0 : i32
      %dma_wait3A_14 = arith.constant 0 : i32
      %dma_wait3A_15 = arith.constant 0 : i32
      %dma_wait3A_16 = tpu.memref_slice %arg4[%dma_wait3A, %dma_wait3A_14, %dma_wait3A_15] : memref<16384x4x128xi32, #tpu.memory_space<hbm>> -> memref<16384x4x128xi32, #tpu.memory_space<hbm>>
      tpu.wait_indirect_dma semaphore(%run_scoped3A_10 : memref<!tpu.dma_semaphore, #tpu.memory_space<semaphore_mem>>) src(%arg5 : memref<64x4x128xi32, #tpu.memory_space<vmem>>) dst(%dma_wait3A_16 : memref<16384x4x128xi32, #tpu.memory_space<hbm>>)
      tpu.yield
    }) : () -> ()
    %run_scoped3A_9 = arith.constant 7 : i32
    "tpu.region"() ({
      %run_scoped3A_10 = tpu.sem_alloc : memref<!tpu.dma_semaphore, #tpu.memory_space<semaphore_mem>>
      %dma_start3A = tpu.memref_slice %arg3[%run_scoped3A_9, %mul3A_2] : memref<8x2048xi32, #tpu.memory_space<hbm>> -> memref<1x64xi32, #tpu.memory_space<hbm>>
      %dma_start3A_11 = tpu.memref_squeeze %dma_start3A : memref<1x64xi32, #tpu.memory_space<hbm>> -> memref<64xi32, #tpu.memory_space<hbm>>
      %dma_start3A_12 = tpu.memref_slice %arg3[%run_scoped3A_9, %mul3A_2] : memref<8x2048xi32, #tpu.memory_space<hbm>> -> memref<1x64xi32, #tpu.memory_space<hbm>>
      %dma_start3A_13 = tpu.memref_squeeze %dma_start3A_12 : memref<1x64xi32, #tpu.memory_space<hbm>> -> memref<64xi32, #tpu.memory_space<hbm>>
      tpu.enqueue_dma source(%dma_start3A_13 : memref<64xi32, #tpu.memory_space<hbm>>) target(%arg6 : memref<64xi32, #tpu.memory_space<vmem>>) target_semaphore(%run_scoped3A_10 : memref<!tpu.dma_semaphore, #tpu.memory_space<semaphore_mem>>)
      %dma_wait3A = tpu.memref_slice %arg3[%run_scoped3A_9, %mul3A_2] : memref<8x2048xi32, #tpu.memory_space<hbm>> -> memref<1x64xi32, #tpu.memory_space<hbm>>
      %dma_wait3A_14 = tpu.memref_squeeze %dma_wait3A : memref<1x64xi32, #tpu.memory_space<hbm>> -> memref<64xi32, #tpu.memory_space<hbm>>
      %dma_wait3A_15 = tpu.memref_slice %arg3[%run_scoped3A_9, %mul3A_2] : memref<8x2048xi32, #tpu.memory_space<hbm>> -> memref<1x64xi32, #tpu.memory_space<hbm>>
      %dma_wait3A_16 = tpu.memref_squeeze %dma_wait3A_15 : memref<1x64xi32, #tpu.memory_space<hbm>> -> memref<64xi32, #tpu.memory_space<hbm>>
      tpu.wait_dma2 semaphore(%run_scoped3A_10 : memref<!tpu.dma_semaphore, #tpu.memory_space<semaphore_mem>>) src(%dma_wait3A_16 : memref<64xi32, #tpu.memory_space<hbm>>) dst(%arg6 : memref<64xi32, #tpu.memory_space<vmem>>)
      tpu.yield
    }) : () -> ()
    "tpu.region"() ({
      %run_scoped3A_10 = tpu.sem_alloc : memref<!tpu.dma_semaphore, #tpu.memory_space<semaphore_mem>>
      %dma_start3A = arith.constant 0 : i32
      %dma_start3A_11 = arith.constant 0 : i32
      %dma_start3A_12 = arith.constant 0 : i32
      %dma_start3A_13 = tpu.memref_slice %arg4[%dma_start3A, %dma_start3A_11, %dma_start3A_12] : memref<16384x4x128xi32, #tpu.memory_space<hbm>> -> memref<16384x4x128xi32, #tpu.memory_space<hbm>>
      tpu.enqueue_indirect_dma source(%arg5 : memref<64x4x128xi32, #tpu.memory_space<vmem>>) target(%dma_start3A_13 : memref<16384x4x128xi32, #tpu.memory_space<hbm>>) offsets(%arg6 : memref<64xi32, #tpu.memory_space<vmem>>) semaphore(%run_scoped3A_10 : memref<!tpu.dma_semaphore, #tpu.memory_space<semaphore_mem>>)
      %dma_wait3A = arith.constant 0 : i32
      %dma_wait3A_14 = arith.constant 0 : i32
      %dma_wait3A_15 = arith.constant 0 : i32
      %dma_wait3A_16 = tpu.memref_slice %arg4[%dma_wait3A, %dma_wait3A_14, %dma_wait3A_15] : memref<16384x4x128xi32, #tpu.memory_space<hbm>> -> memref<16384x4x128xi32, #tpu.memory_space<hbm>>
      tpu.wait_indirect_dma semaphore(%run_scoped3A_10 : memref<!tpu.dma_semaphore, #tpu.memory_space<semaphore_mem>>) src(%arg5 : memref<64x4x128xi32, #tpu.memory_space<vmem>>) dst(%dma_wait3A_16 : memref<16384x4x128xi32, #tpu.memory_space<hbm>>)
      tpu.yield
    }) : () -> ()
    return
  }
}

#map = affine_map<(d0, d1) -> (0, 0, 0)>
#map1 = affine_map<(d0, d1) -> (0, 0)>
module attributes {stable_mosaic.version = 14 : i64} {
  func.func @_sc_gather_kernel(%arg0: i32, %arg1: i32, %arg2: memref<16384x4x128xi32, #tpu.memory_space<hbm>>, %arg3: memref<8x2048xi32, #tpu.memory_space<hbm>>, %arg4: memref<16384x4x128xi32, #tpu.memory_space<hbm>>, %arg5: memref<64x4x128xi32, #tpu.memory_space<vmem>>, %arg6: memref<64xi32, #tpu.memory_space<vmem>>) attributes {dimension_semantics = [#tpu.dimension_semantics<core_parallel>, #tpu.dimension_semantics<subcore_parallel>], iteration_bounds = array<i64: 2, 16>, scalar_prefetch = 0 : i64, scratch_operands = 2 : i64, tpu.core_type = #tpu.core_type<sc_vector_subcore>, window_params = [{transform_indices = #map}, {transform_indices = #map1}, {transform_indices = #map}]} {
    %mul3A = arith.constant 2 : i32
    %mul3A_0 = arith.muli %arg1, %mul3A : i32
    %add3A = arith.addi %mul3A_0, %arg0 : i32
    %mul3A_1 = arith.constant 64 : i32
    %mul3A_2 = arith.muli %add3A, %mul3A_1 : i32
    %run_scoped3A = arith.constant 0 : i32
    "tpu.region"() ({
      %run_scoped3A_26 = tpu.sem_alloc : memref<!tpu.dma_semaphore, #tpu.memory_space<semaphore_mem>>
      %dma_start3A = tpu.memref_slice %arg3[%run_scoped3A, %mul3A_2] : memref<8x2048xi32, #tpu.memory_space<hbm>> -> memref<1x64xi32, #tpu.memory_space<hbm>>
      %dma_start3A_27 = tpu.memref_squeeze %dma_start3A : memref<1x64xi32, #tpu.memory_space<hbm>> -> memref<64xi32, #tpu.memory_space<hbm>>
      %dma_start3A_28 = tpu.memref_slice %arg3[%run_scoped3A, %mul3A_2] : memref<8x2048xi32, #tpu.memory_space<hbm>> -> memref<1x64xi32, #tpu.memory_space<hbm>>
      %dma_start3A_29 = tpu.memref_squeeze %dma_start3A_28 : memref<1x64xi32, #tpu.memory_space<hbm>> -> memref<64xi32, #tpu.memory_space<hbm>>
      tpu.enqueue_dma source(%dma_start3A_29 : memref<64xi32, #tpu.memory_space<hbm>>) target(%arg6 : memref<64xi32, #tpu.memory_space<vmem>>) target_semaphore(%run_scoped3A_26 : memref<!tpu.dma_semaphore, #tpu.memory_space<semaphore_mem>>)
      %dma_wait3A = tpu.memref_slice %arg3[%run_scoped3A, %mul3A_2] : memref<8x2048xi32, #tpu.memory_space<hbm>> -> memref<1x64xi32, #tpu.memory_space<hbm>>
      %dma_wait3A_30 = tpu.memref_squeeze %dma_wait3A : memref<1x64xi32, #tpu.memory_space<hbm>> -> memref<64xi32, #tpu.memory_space<hbm>>
      %dma_wait3A_31 = tpu.memref_slice %arg3[%run_scoped3A, %mul3A_2] : memref<8x2048xi32, #tpu.memory_space<hbm>> -> memref<1x64xi32, #tpu.memory_space<hbm>>
      %dma_wait3A_32 = tpu.memref_squeeze %dma_wait3A_31 : memref<1x64xi32, #tpu.memory_space<hbm>> -> memref<64xi32, #tpu.memory_space<hbm>>
      tpu.wait_dma2 semaphore(%run_scoped3A_26 : memref<!tpu.dma_semaphore, #tpu.memory_space<semaphore_mem>>) src(%dma_wait3A_32 : memref<64xi32, #tpu.memory_space<hbm>>) dst(%arg6 : memref<64xi32, #tpu.memory_space<vmem>>)
      tpu.yield
    }) : () -> ()
    "tpu.region"() ({
      %run_scoped3A_26 = tpu.sem_alloc : memref<!tpu.dma_semaphore, #tpu.memory_space<semaphore_mem>>
      %dma_start3A = arith.constant 0 : i32
      %dma_start3A_27 = arith.constant 0 : i32
      %dma_start3A_28 = arith.constant 0 : i32
      %dma_start3A_29 = tpu.memref_slice %arg2[%dma_start3A, %dma_start3A_27, %dma_start3A_28] : memref<16384x4x128xi32, #tpu.memory_space<hbm>> -> memref<16384x4x128xi32, #tpu.memory_space<hbm>>
      tpu.enqueue_indirect_dma source(%dma_start3A_29 : memref<16384x4x128xi32, #tpu.memory_space<hbm>>) target(%arg5 : memref<64x4x128xi32, #tpu.memory_space<vmem>>) offsets(%arg6 : memref<64xi32, #tpu.memory_space<vmem>>) semaphore(%run_scoped3A_26 : memref<!tpu.dma_semaphore, #tpu.memory_space<semaphore_mem>>)
      %dma_wait3A = arith.constant 0 : i32
      %dma_wait3A_30 = arith.constant 0 : i32
      %dma_wait3A_31 = arith.constant 0 : i32
      %dma_wait3A_32 = tpu.memref_slice %arg2[%dma_wait3A, %dma_wait3A_30, %dma_wait3A_31] : memref<16384x4x128xi32, #tpu.memory_space<hbm>> -> memref<16384x4x128xi32, #tpu.memory_space<hbm>>
      tpu.wait_indirect_dma semaphore(%run_scoped3A_26 : memref<!tpu.dma_semaphore, #tpu.memory_space<semaphore_mem>>) src(%dma_wait3A_32 : memref<16384x4x128xi32, #tpu.memory_space<hbm>>) dst(%arg5 : memref<64x4x128xi32, #tpu.memory_space<vmem>>)
      tpu.yield
    }) : () -> ()
    %add3A_3 = arith.constant 0 : i32
    %add3A_4 = arith.addi %add3A_3, %mul3A_2 : i32
    "tpu.region"() ({
      %run_scoped3A_26 = tpu.sem_alloc : memref<!tpu.dma_semaphore, #tpu.memory_space<semaphore_mem>>
      %dma_start3A = arith.constant 0 : i32
      %dma_start3A_27 = arith.constant 0 : i32
      %dma_start3A_28 = tpu.memref_slice %arg4[%add3A_4, %dma_start3A, %dma_start3A_27] : memref<16384x4x128xi32, #tpu.memory_space<hbm>> -> memref<64x4x128xi32, #tpu.memory_space<hbm>>
      %dma_start3A_29 = arith.constant 0 : i32
      %dma_start3A_30 = arith.constant 0 : i32
      %dma_start3A_31 = tpu.memref_slice %arg4[%add3A_4, %dma_start3A_29, %dma_start3A_30] : memref<16384x4x128xi32, #tpu.memory_space<hbm>> -> memref<64x4x128xi32, #tpu.memory_space<hbm>>
      tpu.enqueue_dma source(%arg5 : memref<64x4x128xi32, #tpu.memory_space<vmem>>) target(%dma_start3A_31 : memref<64x4x128xi32, #tpu.memory_space<hbm>>) target_semaphore(%run_scoped3A_26 : memref<!tpu.dma_semaphore, #tpu.memory_space<semaphore_mem>>)
      %dma_wait3A = arith.constant 0 : i32
      %dma_wait3A_32 = arith.constant 0 : i32
      %dma_wait3A_33 = tpu.memref_slice %arg4[%add3A_4, %dma_wait3A, %dma_wait3A_32] : memref<16384x4x128xi32, #tpu.memory_space<hbm>> -> memref<64x4x128xi32, #tpu.memory_space<hbm>>
      %dma_wait3A_34 = arith.constant 0 : i32
      %dma_wait3A_35 = arith.constant 0 : i32
      %dma_wait3A_36 = tpu.memref_slice %arg4[%add3A_4, %dma_wait3A_34, %dma_wait3A_35] : memref<16384x4x128xi32, #tpu.memory_space<hbm>> -> memref<64x4x128xi32, #tpu.memory_space<hbm>>
      tpu.wait_dma2 semaphore(%run_scoped3A_26 : memref<!tpu.dma_semaphore, #tpu.memory_space<semaphore_mem>>) src(%arg5 : memref<64x4x128xi32, #tpu.memory_space<vmem>>) dst(%dma_wait3A_36 : memref<64x4x128xi32, #tpu.memory_space<hbm>>)
      tpu.yield
    }) : () -> ()
    %run_scoped3A_5 = arith.constant 1 : i32
    "tpu.region"() ({
      %run_scoped3A_26 = tpu.sem_alloc : memref<!tpu.dma_semaphore, #tpu.memory_space<semaphore_mem>>
      %dma_start3A = tpu.memref_slice %arg3[%run_scoped3A_5, %mul3A_2] : memref<8x2048xi32, #tpu.memory_space<hbm>> -> memref<1x64xi32, #tpu.memory_space<hbm>>
      %dma_start3A_27 = tpu.memref_squeeze %dma_start3A : memref<1x64xi32, #tpu.memory_space<hbm>> -> memref<64xi32, #tpu.memory_space<hbm>>
      %dma_start3A_28 = tpu.memref_slice %arg3[%run_scoped3A_5, %mul3A_2] : memref<8x2048xi32, #tpu.memory_space<hbm>> -> memref<1x64xi32, #tpu.memory_space<hbm>>
      %dma_start3A_29 = tpu.memref_squeeze %dma_start3A_28 : memref<1x64xi32, #tpu.memory_space<hbm>> -> memref<64xi32, #tpu.memory_space<hbm>>
      tpu.enqueue_dma source(%dma_start3A_29 : memref<64xi32, #tpu.memory_space<hbm>>) target(%arg6 : memref<64xi32, #tpu.memory_space<vmem>>) target_semaphore(%run_scoped3A_26 : memref<!tpu.dma_semaphore, #tpu.memory_space<semaphore_mem>>)
      %dma_wait3A = tpu.memref_slice %arg3[%run_scoped3A_5, %mul3A_2] : memref<8x2048xi32, #tpu.memory_space<hbm>> -> memref<1x64xi32, #tpu.memory_space<hbm>>
      %dma_wait3A_30 = tpu.memref_squeeze %dma_wait3A : memref<1x64xi32, #tpu.memory_space<hbm>> -> memref<64xi32, #tpu.memory_space<hbm>>
      %dma_wait3A_31 = tpu.memref_slice %arg3[%run_scoped3A_5, %mul3A_2] : memref<8x2048xi32, #tpu.memory_space<hbm>> -> memref<1x64xi32, #tpu.memory_space<hbm>>
      %dma_wait3A_32 = tpu.memref_squeeze %dma_wait3A_31 : memref<1x64xi32, #tpu.memory_space<hbm>> -> memref<64xi32, #tpu.memory_space<hbm>>
      tpu.wait_dma2 semaphore(%run_scoped3A_26 : memref<!tpu.dma_semaphore, #tpu.memory_space<semaphore_mem>>) src(%dma_wait3A_32 : memref<64xi32, #tpu.memory_space<hbm>>) dst(%arg6 : memref<64xi32, #tpu.memory_space<vmem>>)
      tpu.yield
    }) : () -> ()
    "tpu.region"() ({
      %run_scoped3A_26 = tpu.sem_alloc : memref<!tpu.dma_semaphore, #tpu.memory_space<semaphore_mem>>
      %dma_start3A = arith.constant 0 : i32
      %dma_start3A_27 = arith.constant 0 : i32
      %dma_start3A_28 = arith.constant 0 : i32
      %dma_start3A_29 = tpu.memref_slice %arg2[%dma_start3A, %dma_start3A_27, %dma_start3A_28] : memref<16384x4x128xi32, #tpu.memory_space<hbm>> -> memref<16384x4x128xi32, #tpu.memory_space<hbm>>
      tpu.enqueue_indirect_dma source(%dma_start3A_29 : memref<16384x4x128xi32, #tpu.memory_space<hbm>>) target(%arg5 : memref<64x4x128xi32, #tpu.memory_space<vmem>>) offsets(%arg6 : memref<64xi32, #tpu.memory_space<vmem>>) semaphore(%run_scoped3A_26 : memref<!tpu.dma_semaphore, #tpu.memory_space<semaphore_mem>>)
      %dma_wait3A = arith.constant 0 : i32
      %dma_wait3A_30 = arith.constant 0 : i32
      %dma_wait3A_31 = arith.constant 0 : i32
      %dma_wait3A_32 = tpu.memref_slice %arg2[%dma_wait3A, %dma_wait3A_30, %dma_wait3A_31] : memref<16384x4x128xi32, #tpu.memory_space<hbm>> -> memref<16384x4x128xi32, #tpu.memory_space<hbm>>
      tpu.wait_indirect_dma semaphore(%run_scoped3A_26 : memref<!tpu.dma_semaphore, #tpu.memory_space<semaphore_mem>>) src(%dma_wait3A_32 : memref<16384x4x128xi32, #tpu.memory_space<hbm>>) dst(%arg5 : memref<64x4x128xi32, #tpu.memory_space<vmem>>)
      tpu.yield
    }) : () -> ()
    %add3A_6 = arith.constant 2048 : i32
    %add3A_7 = arith.addi %add3A_6, %mul3A_2 : i32
    "tpu.region"() ({
      %run_scoped3A_26 = tpu.sem_alloc : memref<!tpu.dma_semaphore, #tpu.memory_space<semaphore_mem>>
      %dma_start3A = arith.constant 0 : i32
      %dma_start3A_27 = arith.constant 0 : i32
      %dma_start3A_28 = tpu.memref_slice %arg4[%add3A_7, %dma_start3A, %dma_start3A_27] : memref<16384x4x128xi32, #tpu.memory_space<hbm>> -> memref<64x4x128xi32, #tpu.memory_space<hbm>>
      %dma_start3A_29 = arith.constant 0 : i32
      %dma_start3A_30 = arith.constant 0 : i32
      %dma_start3A_31 = tpu.memref_slice %arg4[%add3A_7, %dma_start3A_29, %dma_start3A_30] : memref<16384x4x128xi32, #tpu.memory_space<hbm>> -> memref<64x4x128xi32, #tpu.memory_space<hbm>>
      tpu.enqueue_dma source(%arg5 : memref<64x4x128xi32, #tpu.memory_space<vmem>>) target(%dma_start3A_31 : memref<64x4x128xi32, #tpu.memory_space<hbm>>) target_semaphore(%run_scoped3A_26 : memref<!tpu.dma_semaphore, #tpu.memory_space<semaphore_mem>>)
      %dma_wait3A = arith.constant 0 : i32
      %dma_wait3A_32 = arith.constant 0 : i32
      %dma_wait3A_33 = tpu.memref_slice %arg4[%add3A_7, %dma_wait3A, %dma_wait3A_32] : memref<16384x4x128xi32, #tpu.memory_space<hbm>> -> memref<64x4x128xi32, #tpu.memory_space<hbm>>
      %dma_wait3A_34 = arith.constant 0 : i32
      %dma_wait3A_35 = arith.constant 0 : i32
      %dma_wait3A_36 = tpu.memref_slice %arg4[%add3A_7, %dma_wait3A_34, %dma_wait3A_35] : memref<16384x4x128xi32, #tpu.memory_space<hbm>> -> memref<64x4x128xi32, #tpu.memory_space<hbm>>
      tpu.wait_dma2 semaphore(%run_scoped3A_26 : memref<!tpu.dma_semaphore, #tpu.memory_space<semaphore_mem>>) src(%arg5 : memref<64x4x128xi32, #tpu.memory_space<vmem>>) dst(%dma_wait3A_36 : memref<64x4x128xi32, #tpu.memory_space<hbm>>)
      tpu.yield
    }) : () -> ()
    %run_scoped3A_8 = arith.constant 2 : i32
    "tpu.region"() ({
      %run_scoped3A_26 = tpu.sem_alloc : memref<!tpu.dma_semaphore, #tpu.memory_space<semaphore_mem>>
      %dma_start3A = tpu.memref_slice %arg3[%run_scoped3A_8, %mul3A_2] : memref<8x2048xi32, #tpu.memory_space<hbm>> -> memref<1x64xi32, #tpu.memory_space<hbm>>
      %dma_start3A_27 = tpu.memref_squeeze %dma_start3A : memref<1x64xi32, #tpu.memory_space<hbm>> -> memref<64xi32, #tpu.memory_space<hbm>>
      %dma_start3A_28 = tpu.memref_slice %arg3[%run_scoped3A_8, %mul3A_2] : memref<8x2048xi32, #tpu.memory_space<hbm>> -> memref<1x64xi32, #tpu.memory_space<hbm>>
      %dma_start3A_29 = tpu.memref_squeeze %dma_start3A_28 : memref<1x64xi32, #tpu.memory_space<hbm>> -> memref<64xi32, #tpu.memory_space<hbm>>
      tpu.enqueue_dma source(%dma_start3A_29 : memref<64xi32, #tpu.memory_space<hbm>>) target(%arg6 : memref<64xi32, #tpu.memory_space<vmem>>) target_semaphore(%run_scoped3A_26 : memref<!tpu.dma_semaphore, #tpu.memory_space<semaphore_mem>>)
      %dma_wait3A = tpu.memref_slice %arg3[%run_scoped3A_8, %mul3A_2] : memref<8x2048xi32, #tpu.memory_space<hbm>> -> memref<1x64xi32, #tpu.memory_space<hbm>>
      %dma_wait3A_30 = tpu.memref_squeeze %dma_wait3A : memref<1x64xi32, #tpu.memory_space<hbm>> -> memref<64xi32, #tpu.memory_space<hbm>>
      %dma_wait3A_31 = tpu.memref_slice %arg3[%run_scoped3A_8, %mul3A_2] : memref<8x2048xi32, #tpu.memory_space<hbm>> -> memref<1x64xi32, #tpu.memory_space<hbm>>
      %dma_wait3A_32 = tpu.memref_squeeze %dma_wait3A_31 : memref<1x64xi32, #tpu.memory_space<hbm>> -> memref<64xi32, #tpu.memory_space<hbm>>
      tpu.wait_dma2 semaphore(%run_scoped3A_26 : memref<!tpu.dma_semaphore, #tpu.memory_space<semaphore_mem>>) src(%dma_wait3A_32 : memref<64xi32, #tpu.memory_space<hbm>>) dst(%arg6 : memref<64xi32, #tpu.memory_space<vmem>>)
      tpu.yield
    }) : () -> ()
    "tpu.region"() ({
      %run_scoped3A_26 = tpu.sem_alloc : memref<!tpu.dma_semaphore, #tpu.memory_space<semaphore_mem>>
      %dma_start3A = arith.constant 0 : i32
      %dma_start3A_27 = arith.constant 0 : i32
      %dma_start3A_28 = arith.constant 0 : i32
      %dma_start3A_29 = tpu.memref_slice %arg2[%dma_start3A, %dma_start3A_27, %dma_start3A_28] : memref<16384x4x128xi32, #tpu.memory_space<hbm>> -> memref<16384x4x128xi32, #tpu.memory_space<hbm>>
      tpu.enqueue_indirect_dma source(%dma_start3A_29 : memref<16384x4x128xi32, #tpu.memory_space<hbm>>) target(%arg5 : memref<64x4x128xi32, #tpu.memory_space<vmem>>) offsets(%arg6 : memref<64xi32, #tpu.memory_space<vmem>>) semaphore(%run_scoped3A_26 : memref<!tpu.dma_semaphore, #tpu.memory_space<semaphore_mem>>)
      %dma_wait3A = arith.constant 0 : i32
      %dma_wait3A_30 = arith.constant 0 : i32
      %dma_wait3A_31 = arith.constant 0 : i32
      %dma_wait3A_32 = tpu.memref_slice %arg2[%dma_wait3A, %dma_wait3A_30, %dma_wait3A_31] : memref<16384x4x128xi32, #tpu.memory_space<hbm>> -> memref<16384x4x128xi32, #tpu.memory_space<hbm>>
      tpu.wait_indirect_dma semaphore(%run_scoped3A_26 : memref<!tpu.dma_semaphore, #tpu.memory_space<semaphore_mem>>) src(%dma_wait3A_32 : memref<16384x4x128xi32, #tpu.memory_space<hbm>>) dst(%arg5 : memref<64x4x128xi32, #tpu.memory_space<vmem>>)
      tpu.yield
    }) : () -> ()
    %add3A_9 = arith.constant 4096 : i32
    %add3A_10 = arith.addi %add3A_9, %mul3A_2 : i32
    "tpu.region"() ({
      %run_scoped3A_26 = tpu.sem_alloc : memref<!tpu.dma_semaphore, #tpu.memory_space<semaphore_mem>>
      %dma_start3A = arith.constant 0 : i32
      %dma_start3A_27 = arith.constant 0 : i32
      %dma_start3A_28 = tpu.memref_slice %arg4[%add3A_10, %dma_start3A, %dma_start3A_27] : memref<16384x4x128xi32, #tpu.memory_space<hbm>> -> memref<64x4x128xi32, #tpu.memory_space<hbm>>
      %dma_start3A_29 = arith.constant 0 : i32
      %dma_start3A_30 = arith.constant 0 : i32
      %dma_start3A_31 = tpu.memref_slice %arg4[%add3A_10, %dma_start3A_29, %dma_start3A_30] : memref<16384x4x128xi32, #tpu.memory_space<hbm>> -> memref<64x4x128xi32, #tpu.memory_space<hbm>>
      tpu.enqueue_dma source(%arg5 : memref<64x4x128xi32, #tpu.memory_space<vmem>>) target(%dma_start3A_31 : memref<64x4x128xi32, #tpu.memory_space<hbm>>) target_semaphore(%run_scoped3A_26 : memref<!tpu.dma_semaphore, #tpu.memory_space<semaphore_mem>>)
      %dma_wait3A = arith.constant 0 : i32
      %dma_wait3A_32 = arith.constant 0 : i32
      %dma_wait3A_33 = tpu.memref_slice %arg4[%add3A_10, %dma_wait3A, %dma_wait3A_32] : memref<16384x4x128xi32, #tpu.memory_space<hbm>> -> memref<64x4x128xi32, #tpu.memory_space<hbm>>
      %dma_wait3A_34 = arith.constant 0 : i32
      %dma_wait3A_35 = arith.constant 0 : i32
      %dma_wait3A_36 = tpu.memref_slice %arg4[%add3A_10, %dma_wait3A_34, %dma_wait3A_35] : memref<16384x4x128xi32, #tpu.memory_space<hbm>> -> memref<64x4x128xi32, #tpu.memory_space<hbm>>
      tpu.wait_dma2 semaphore(%run_scoped3A_26 : memref<!tpu.dma_semaphore, #tpu.memory_space<semaphore_mem>>) src(%arg5 : memref<64x4x128xi32, #tpu.memory_space<vmem>>) dst(%dma_wait3A_36 : memref<64x4x128xi32, #tpu.memory_space<hbm>>)
      tpu.yield
    }) : () -> ()
    %run_scoped3A_11 = arith.constant 3 : i32
    "tpu.region"() ({
      %run_scoped3A_26 = tpu.sem_alloc : memref<!tpu.dma_semaphore, #tpu.memory_space<semaphore_mem>>
      %dma_start3A = tpu.memref_slice %arg3[%run_scoped3A_11, %mul3A_2] : memref<8x2048xi32, #tpu.memory_space<hbm>> -> memref<1x64xi32, #tpu.memory_space<hbm>>
      %dma_start3A_27 = tpu.memref_squeeze %dma_start3A : memref<1x64xi32, #tpu.memory_space<hbm>> -> memref<64xi32, #tpu.memory_space<hbm>>
      %dma_start3A_28 = tpu.memref_slice %arg3[%run_scoped3A_11, %mul3A_2] : memref<8x2048xi32, #tpu.memory_space<hbm>> -> memref<1x64xi32, #tpu.memory_space<hbm>>
      %dma_start3A_29 = tpu.memref_squeeze %dma_start3A_28 : memref<1x64xi32, #tpu.memory_space<hbm>> -> memref<64xi32, #tpu.memory_space<hbm>>
      tpu.enqueue_dma source(%dma_start3A_29 : memref<64xi32, #tpu.memory_space<hbm>>) target(%arg6 : memref<64xi32, #tpu.memory_space<vmem>>) target_semaphore(%run_scoped3A_26 : memref<!tpu.dma_semaphore, #tpu.memory_space<semaphore_mem>>)
      %dma_wait3A = tpu.memref_slice %arg3[%run_scoped3A_11, %mul3A_2] : memref<8x2048xi32, #tpu.memory_space<hbm>> -> memref<1x64xi32, #tpu.memory_space<hbm>>
      %dma_wait3A_30 = tpu.memref_squeeze %dma_wait3A : memref<1x64xi32, #tpu.memory_space<hbm>> -> memref<64xi32, #tpu.memory_space<hbm>>
      %dma_wait3A_31 = tpu.memref_slice %arg3[%run_scoped3A_11, %mul3A_2] : memref<8x2048xi32, #tpu.memory_space<hbm>> -> memref<1x64xi32, #tpu.memory_space<hbm>>
      %dma_wait3A_32 = tpu.memref_squeeze %dma_wait3A_31 : memref<1x64xi32, #tpu.memory_space<hbm>> -> memref<64xi32, #tpu.memory_space<hbm>>
      tpu.wait_dma2 semaphore(%run_scoped3A_26 : memref<!tpu.dma_semaphore, #tpu.memory_space<semaphore_mem>>) src(%dma_wait3A_32 : memref<64xi32, #tpu.memory_space<hbm>>) dst(%arg6 : memref<64xi32, #tpu.memory_space<vmem>>)
      tpu.yield
    }) : () -> ()
    "tpu.region"() ({
      %run_scoped3A_26 = tpu.sem_alloc : memref<!tpu.dma_semaphore, #tpu.memory_space<semaphore_mem>>
      %dma_start3A = arith.constant 0 : i32
      %dma_start3A_27 = arith.constant 0 : i32
      %dma_start3A_28 = arith.constant 0 : i32
      %dma_start3A_29 = tpu.memref_slice %arg2[%dma_start3A, %dma_start3A_27, %dma_start3A_28] : memref<16384x4x128xi32, #tpu.memory_space<hbm>> -> memref<16384x4x128xi32, #tpu.memory_space<hbm>>
      tpu.enqueue_indirect_dma source(%dma_start3A_29 : memref<16384x4x128xi32, #tpu.memory_space<hbm>>) target(%arg5 : memref<64x4x128xi32, #tpu.memory_space<vmem>>) offsets(%arg6 : memref<64xi32, #tpu.memory_space<vmem>>) semaphore(%run_scoped3A_26 : memref<!tpu.dma_semaphore, #tpu.memory_space<semaphore_mem>>)
      %dma_wait3A = arith.constant 0 : i32
      %dma_wait3A_30 = arith.constant 0 : i32
      %dma_wait3A_31 = arith.constant 0 : i32
      %dma_wait3A_32 = tpu.memref_slice %arg2[%dma_wait3A, %dma_wait3A_30, %dma_wait3A_31] : memref<16384x4x128xi32, #tpu.memory_space<hbm>> -> memref<16384x4x128xi32, #tpu.memory_space<hbm>>
      tpu.wait_indirect_dma semaphore(%run_scoped3A_26 : memref<!tpu.dma_semaphore, #tpu.memory_space<semaphore_mem>>) src(%dma_wait3A_32 : memref<16384x4x128xi32, #tpu.memory_space<hbm>>) dst(%arg5 : memref<64x4x128xi32, #tpu.memory_space<vmem>>)
      tpu.yield
    }) : () -> ()
    %add3A_12 = arith.constant 6144 : i32
    %add3A_13 = arith.addi %add3A_12, %mul3A_2 : i32
    "tpu.region"() ({
      %run_scoped3A_26 = tpu.sem_alloc : memref<!tpu.dma_semaphore, #tpu.memory_space<semaphore_mem>>
      %dma_start3A = arith.constant 0 : i32
      %dma_start3A_27 = arith.constant 0 : i32
      %dma_start3A_28 = tpu.memref_slice %arg4[%add3A_13, %dma_start3A, %dma_start3A_27] : memref<16384x4x128xi32, #tpu.memory_space<hbm>> -> memref<64x4x128xi32, #tpu.memory_space<hbm>>
      %dma_start3A_29 = arith.constant 0 : i32
      %dma_start3A_30 = arith.constant 0 : i32
      %dma_start3A_31 = tpu.memref_slice %arg4[%add3A_13, %dma_start3A_29, %dma_start3A_30] : memref<16384x4x128xi32, #tpu.memory_space<hbm>> -> memref<64x4x128xi32, #tpu.memory_space<hbm>>
      tpu.enqueue_dma source(%arg5 : memref<64x4x128xi32, #tpu.memory_space<vmem>>) target(%dma_start3A_31 : memref<64x4x128xi32, #tpu.memory_space<hbm>>) target_semaphore(%run_scoped3A_26 : memref<!tpu.dma_semaphore, #tpu.memory_space<semaphore_mem>>)
      %dma_wait3A = arith.constant 0 : i32
      %dma_wait3A_32 = arith.constant 0 : i32
      %dma_wait3A_33 = tpu.memref_slice %arg4[%add3A_13, %dma_wait3A, %dma_wait3A_32] : memref<16384x4x128xi32, #tpu.memory_space<hbm>> -> memref<64x4x128xi32, #tpu.memory_space<hbm>>
      %dma_wait3A_34 = arith.constant 0 : i32
      %dma_wait3A_35 = arith.constant 0 : i32
      %dma_wait3A_36 = tpu.memref_slice %arg4[%add3A_13, %dma_wait3A_34, %dma_wait3A_35] : memref<16384x4x128xi32, #tpu.memory_space<hbm>> -> memref<64x4x128xi32, #tpu.memory_space<hbm>>
      tpu.wait_dma2 semaphore(%run_scoped3A_26 : memref<!tpu.dma_semaphore, #tpu.memory_space<semaphore_mem>>) src(%arg5 : memref<64x4x128xi32, #tpu.memory_space<vmem>>) dst(%dma_wait3A_36 : memref<64x4x128xi32, #tpu.memory_space<hbm>>)
      tpu.yield
    }) : () -> ()
    %run_scoped3A_14 = arith.constant 4 : i32
    "tpu.region"() ({
      %run_scoped3A_26 = tpu.sem_alloc : memref<!tpu.dma_semaphore, #tpu.memory_space<semaphore_mem>>
      %dma_start3A = tpu.memref_slice %arg3[%run_scoped3A_14, %mul3A_2] : memref<8x2048xi32, #tpu.memory_space<hbm>> -> memref<1x64xi32, #tpu.memory_space<hbm>>
      %dma_start3A_27 = tpu.memref_squeeze %dma_start3A : memref<1x64xi32, #tpu.memory_space<hbm>> -> memref<64xi32, #tpu.memory_space<hbm>>
      %dma_start3A_28 = tpu.memref_slice %arg3[%run_scoped3A_14, %mul3A_2] : memref<8x2048xi32, #tpu.memory_space<hbm>> -> memref<1x64xi32, #tpu.memory_space<hbm>>
      %dma_start3A_29 = tpu.memref_squeeze %dma_start3A_28 : memref<1x64xi32, #tpu.memory_space<hbm>> -> memref<64xi32, #tpu.memory_space<hbm>>
      tpu.enqueue_dma source(%dma_start3A_29 : memref<64xi32, #tpu.memory_space<hbm>>) target(%arg6 : memref<64xi32, #tpu.memory_space<vmem>>) target_semaphore(%run_scoped3A_26 : memref<!tpu.dma_semaphore, #tpu.memory_space<semaphore_mem>>)
      %dma_wait3A = tpu.memref_slice %arg3[%run_scoped3A_14, %mul3A_2] : memref<8x2048xi32, #tpu.memory_space<hbm>> -> memref<1x64xi32, #tpu.memory_space<hbm>>
      %dma_wait3A_30 = tpu.memref_squeeze %dma_wait3A : memref<1x64xi32, #tpu.memory_space<hbm>> -> memref<64xi32, #tpu.memory_space<hbm>>
      %dma_wait3A_31 = tpu.memref_slice %arg3[%run_scoped3A_14, %mul3A_2] : memref<8x2048xi32, #tpu.memory_space<hbm>> -> memref<1x64xi32, #tpu.memory_space<hbm>>
      %dma_wait3A_32 = tpu.memref_squeeze %dma_wait3A_31 : memref<1x64xi32, #tpu.memory_space<hbm>> -> memref<64xi32, #tpu.memory_space<hbm>>
      tpu.wait_dma2 semaphore(%run_scoped3A_26 : memref<!tpu.dma_semaphore, #tpu.memory_space<semaphore_mem>>) src(%dma_wait3A_32 : memref<64xi32, #tpu.memory_space<hbm>>) dst(%arg6 : memref<64xi32, #tpu.memory_space<vmem>>)
      tpu.yield
    }) : () -> ()
    "tpu.region"() ({
      %run_scoped3A_26 = tpu.sem_alloc : memref<!tpu.dma_semaphore, #tpu.memory_space<semaphore_mem>>
      %dma_start3A = arith.constant 0 : i32
      %dma_start3A_27 = arith.constant 0 : i32
      %dma_start3A_28 = arith.constant 0 : i32
      %dma_start3A_29 = tpu.memref_slice %arg2[%dma_start3A, %dma_start3A_27, %dma_start3A_28] : memref<16384x4x128xi32, #tpu.memory_space<hbm>> -> memref<16384x4x128xi32, #tpu.memory_space<hbm>>
      tpu.enqueue_indirect_dma source(%dma_start3A_29 : memref<16384x4x128xi32, #tpu.memory_space<hbm>>) target(%arg5 : memref<64x4x128xi32, #tpu.memory_space<vmem>>) offsets(%arg6 : memref<64xi32, #tpu.memory_space<vmem>>) semaphore(%run_scoped3A_26 : memref<!tpu.dma_semaphore, #tpu.memory_space<semaphore_mem>>)
      %dma_wait3A = arith.constant 0 : i32
      %dma_wait3A_30 = arith.constant 0 : i32
      %dma_wait3A_31 = arith.constant 0 : i32
      %dma_wait3A_32 = tpu.memref_slice %arg2[%dma_wait3A, %dma_wait3A_30, %dma_wait3A_31] : memref<16384x4x128xi32, #tpu.memory_space<hbm>> -> memref<16384x4x128xi32, #tpu.memory_space<hbm>>
      tpu.wait_indirect_dma semaphore(%run_scoped3A_26 : memref<!tpu.dma_semaphore, #tpu.memory_space<semaphore_mem>>) src(%dma_wait3A_32 : memref<16384x4x128xi32, #tpu.memory_space<hbm>>) dst(%arg5 : memref<64x4x128xi32, #tpu.memory_space<vmem>>)
      tpu.yield
    }) : () -> ()
    %add3A_15 = arith.constant 8192 : i32
    %add3A_16 = arith.addi %add3A_15, %mul3A_2 : i32
    "tpu.region"() ({
      %run_scoped3A_26 = tpu.sem_alloc : memref<!tpu.dma_semaphore, #tpu.memory_space<semaphore_mem>>
      %dma_start3A = arith.constant 0 : i32
      %dma_start3A_27 = arith.constant 0 : i32
      %dma_start3A_28 = tpu.memref_slice %arg4[%add3A_16, %dma_start3A, %dma_start3A_27] : memref<16384x4x128xi32, #tpu.memory_space<hbm>> -> memref<64x4x128xi32, #tpu.memory_space<hbm>>
      %dma_start3A_29 = arith.constant 0 : i32
      %dma_start3A_30 = arith.constant 0 : i32
      %dma_start3A_31 = tpu.memref_slice %arg4[%add3A_16, %dma_start3A_29, %dma_start3A_30] : memref<16384x4x128xi32, #tpu.memory_space<hbm>> -> memref<64x4x128xi32, #tpu.memory_space<hbm>>
      tpu.enqueue_dma source(%arg5 : memref<64x4x128xi32, #tpu.memory_space<vmem>>) target(%dma_start3A_31 : memref<64x4x128xi32, #tpu.memory_space<hbm>>) target_semaphore(%run_scoped3A_26 : memref<!tpu.dma_semaphore, #tpu.memory_space<semaphore_mem>>)
      %dma_wait3A = arith.constant 0 : i32
      %dma_wait3A_32 = arith.constant 0 : i32
      %dma_wait3A_33 = tpu.memref_slice %arg4[%add3A_16, %dma_wait3A, %dma_wait3A_32] : memref<16384x4x128xi32, #tpu.memory_space<hbm>> -> memref<64x4x128xi32, #tpu.memory_space<hbm>>
      %dma_wait3A_34 = arith.constant 0 : i32
      %dma_wait3A_35 = arith.constant 0 : i32
      %dma_wait3A_36 = tpu.memref_slice %arg4[%add3A_16, %dma_wait3A_34, %dma_wait3A_35] : memref<16384x4x128xi32, #tpu.memory_space<hbm>> -> memref<64x4x128xi32, #tpu.memory_space<hbm>>
      tpu.wait_dma2 semaphore(%run_scoped3A_26 : memref<!tpu.dma_semaphore, #tpu.memory_space<semaphore_mem>>) src(%arg5 : memref<64x4x128xi32, #tpu.memory_space<vmem>>) dst(%dma_wait3A_36 : memref<64x4x128xi32, #tpu.memory_space<hbm>>)
      tpu.yield
    }) : () -> ()
    %run_scoped3A_17 = arith.constant 5 : i32
    "tpu.region"() ({
      %run_scoped3A_26 = tpu.sem_alloc : memref<!tpu.dma_semaphore, #tpu.memory_space<semaphore_mem>>
      %dma_start3A = tpu.memref_slice %arg3[%run_scoped3A_17, %mul3A_2] : memref<8x2048xi32, #tpu.memory_space<hbm>> -> memref<1x64xi32, #tpu.memory_space<hbm>>
      %dma_start3A_27 = tpu.memref_squeeze %dma_start3A : memref<1x64xi32, #tpu.memory_space<hbm>> -> memref<64xi32, #tpu.memory_space<hbm>>
      %dma_start3A_28 = tpu.memref_slice %arg3[%run_scoped3A_17, %mul3A_2] : memref<8x2048xi32, #tpu.memory_space<hbm>> -> memref<1x64xi32, #tpu.memory_space<hbm>>
      %dma_start3A_29 = tpu.memref_squeeze %dma_start3A_28 : memref<1x64xi32, #tpu.memory_space<hbm>> -> memref<64xi32, #tpu.memory_space<hbm>>
      tpu.enqueue_dma source(%dma_start3A_29 : memref<64xi32, #tpu.memory_space<hbm>>) target(%arg6 : memref<64xi32, #tpu.memory_space<vmem>>) target_semaphore(%run_scoped3A_26 : memref<!tpu.dma_semaphore, #tpu.memory_space<semaphore_mem>>)
      %dma_wait3A = tpu.memref_slice %arg3[%run_scoped3A_17, %mul3A_2] : memref<8x2048xi32, #tpu.memory_space<hbm>> -> memref<1x64xi32, #tpu.memory_space<hbm>>
      %dma_wait3A_30 = tpu.memref_squeeze %dma_wait3A : memref<1x64xi32, #tpu.memory_space<hbm>> -> memref<64xi32, #tpu.memory_space<hbm>>
      %dma_wait3A_31 = tpu.memref_slice %arg3[%run_scoped3A_17, %mul3A_2] : memref<8x2048xi32, #tpu.memory_space<hbm>> -> memref<1x64xi32, #tpu.memory_space<hbm>>
      %dma_wait3A_32 = tpu.memref_squeeze %dma_wait3A_31 : memref<1x64xi32, #tpu.memory_space<hbm>> -> memref<64xi32, #tpu.memory_space<hbm>>
      tpu.wait_dma2 semaphore(%run_scoped3A_26 : memref<!tpu.dma_semaphore, #tpu.memory_space<semaphore_mem>>) src(%dma_wait3A_32 : memref<64xi32, #tpu.memory_space<hbm>>) dst(%arg6 : memref<64xi32, #tpu.memory_space<vmem>>)
      tpu.yield
    }) : () -> ()
    "tpu.region"() ({
      %run_scoped3A_26 = tpu.sem_alloc : memref<!tpu.dma_semaphore, #tpu.memory_space<semaphore_mem>>
      %dma_start3A = arith.constant 0 : i32
      %dma_start3A_27 = arith.constant 0 : i32
      %dma_start3A_28 = arith.constant 0 : i32
      %dma_start3A_29 = tpu.memref_slice %arg2[%dma_start3A, %dma_start3A_27, %dma_start3A_28] : memref<16384x4x128xi32, #tpu.memory_space<hbm>> -> memref<16384x4x128xi32, #tpu.memory_space<hbm>>
      tpu.enqueue_indirect_dma source(%dma_start3A_29 : memref<16384x4x128xi32, #tpu.memory_space<hbm>>) target(%arg5 : memref<64x4x128xi32, #tpu.memory_space<vmem>>) offsets(%arg6 : memref<64xi32, #tpu.memory_space<vmem>>) semaphore(%run_scoped3A_26 : memref<!tpu.dma_semaphore, #tpu.memory_space<semaphore_mem>>)
      %dma_wait3A = arith.constant 0 : i32
      %dma_wait3A_30 = arith.constant 0 : i32
      %dma_wait3A_31 = arith.constant 0 : i32
      %dma_wait3A_32 = tpu.memref_slice %arg2[%dma_wait3A, %dma_wait3A_30, %dma_wait3A_31] : memref<16384x4x128xi32, #tpu.memory_space<hbm>> -> memref<16384x4x128xi32, #tpu.memory_space<hbm>>
      tpu.wait_indirect_dma semaphore(%run_scoped3A_26 : memref<!tpu.dma_semaphore, #tpu.memory_space<semaphore_mem>>) src(%dma_wait3A_32 : memref<16384x4x128xi32, #tpu.memory_space<hbm>>) dst(%arg5 : memref<64x4x128xi32, #tpu.memory_space<vmem>>)
      tpu.yield
    }) : () -> ()
    %add3A_18 = arith.constant 10240 : i32
    %add3A_19 = arith.addi %add3A_18, %mul3A_2 : i32
    "tpu.region"() ({
      %run_scoped3A_26 = tpu.sem_alloc : memref<!tpu.dma_semaphore, #tpu.memory_space<semaphore_mem>>
      %dma_start3A = arith.constant 0 : i32
      %dma_start3A_27 = arith.constant 0 : i32
      %dma_start3A_28 = tpu.memref_slice %arg4[%add3A_19, %dma_start3A, %dma_start3A_27] : memref<16384x4x128xi32, #tpu.memory_space<hbm>> -> memref<64x4x128xi32, #tpu.memory_space<hbm>>
      %dma_start3A_29 = arith.constant 0 : i32
      %dma_start3A_30 = arith.constant 0 : i32
      %dma_start3A_31 = tpu.memref_slice %arg4[%add3A_19, %dma_start3A_29, %dma_start3A_30] : memref<16384x4x128xi32, #tpu.memory_space<hbm>> -> memref<64x4x128xi32, #tpu.memory_space<hbm>>
      tpu.enqueue_dma source(%arg5 : memref<64x4x128xi32, #tpu.memory_space<vmem>>) target(%dma_start3A_31 : memref<64x4x128xi32, #tpu.memory_space<hbm>>) target_semaphore(%run_scoped3A_26 : memref<!tpu.dma_semaphore, #tpu.memory_space<semaphore_mem>>)
      %dma_wait3A = arith.constant 0 : i32
      %dma_wait3A_32 = arith.constant 0 : i32
      %dma_wait3A_33 = tpu.memref_slice %arg4[%add3A_19, %dma_wait3A, %dma_wait3A_32] : memref<16384x4x128xi32, #tpu.memory_space<hbm>> -> memref<64x4x128xi32, #tpu.memory_space<hbm>>
      %dma_wait3A_34 = arith.constant 0 : i32
      %dma_wait3A_35 = arith.constant 0 : i32
      %dma_wait3A_36 = tpu.memref_slice %arg4[%add3A_19, %dma_wait3A_34, %dma_wait3A_35] : memref<16384x4x128xi32, #tpu.memory_space<hbm>> -> memref<64x4x128xi32, #tpu.memory_space<hbm>>
      tpu.wait_dma2 semaphore(%run_scoped3A_26 : memref<!tpu.dma_semaphore, #tpu.memory_space<semaphore_mem>>) src(%arg5 : memref<64x4x128xi32, #tpu.memory_space<vmem>>) dst(%dma_wait3A_36 : memref<64x4x128xi32, #tpu.memory_space<hbm>>)
      tpu.yield
    }) : () -> ()
    %run_scoped3A_20 = arith.constant 6 : i32
    "tpu.region"() ({
      %run_scoped3A_26 = tpu.sem_alloc : memref<!tpu.dma_semaphore, #tpu.memory_space<semaphore_mem>>
      %dma_start3A = tpu.memref_slice %arg3[%run_scoped3A_20, %mul3A_2] : memref<8x2048xi32, #tpu.memory_space<hbm>> -> memref<1x64xi32, #tpu.memory_space<hbm>>
      %dma_start3A_27 = tpu.memref_squeeze %dma_start3A : memref<1x64xi32, #tpu.memory_space<hbm>> -> memref<64xi32, #tpu.memory_space<hbm>>
      %dma_start3A_28 = tpu.memref_slice %arg3[%run_scoped3A_20, %mul3A_2] : memref<8x2048xi32, #tpu.memory_space<hbm>> -> memref<1x64xi32, #tpu.memory_space<hbm>>
      %dma_start3A_29 = tpu.memref_squeeze %dma_start3A_28 : memref<1x64xi32, #tpu.memory_space<hbm>> -> memref<64xi32, #tpu.memory_space<hbm>>
      tpu.enqueue_dma source(%dma_start3A_29 : memref<64xi32, #tpu.memory_space<hbm>>) target(%arg6 : memref<64xi32, #tpu.memory_space<vmem>>) target_semaphore(%run_scoped3A_26 : memref<!tpu.dma_semaphore, #tpu.memory_space<semaphore_mem>>)
      %dma_wait3A = tpu.memref_slice %arg3[%run_scoped3A_20, %mul3A_2] : memref<8x2048xi32, #tpu.memory_space<hbm>> -> memref<1x64xi32, #tpu.memory_space<hbm>>
      %dma_wait3A_30 = tpu.memref_squeeze %dma_wait3A : memref<1x64xi32, #tpu.memory_space<hbm>> -> memref<64xi32, #tpu.memory_space<hbm>>
      %dma_wait3A_31 = tpu.memref_slice %arg3[%run_scoped3A_20, %mul3A_2] : memref<8x2048xi32, #tpu.memory_space<hbm>> -> memref<1x64xi32, #tpu.memory_space<hbm>>
      %dma_wait3A_32 = tpu.memref_squeeze %dma_wait3A_31 : memref<1x64xi32, #tpu.memory_space<hbm>> -> memref<64xi32, #tpu.memory_space<hbm>>
      tpu.wait_dma2 semaphore(%run_scoped3A_26 : memref<!tpu.dma_semaphore, #tpu.memory_space<semaphore_mem>>) src(%dma_wait3A_32 : memref<64xi32, #tpu.memory_space<hbm>>) dst(%arg6 : memref<64xi32, #tpu.memory_space<vmem>>)
      tpu.yield
    }) : () -> ()
    "tpu.region"() ({
      %run_scoped3A_26 = tpu.sem_alloc : memref<!tpu.dma_semaphore, #tpu.memory_space<semaphore_mem>>
      %dma_start3A = arith.constant 0 : i32
      %dma_start3A_27 = arith.constant 0 : i32
      %dma_start3A_28 = arith.constant 0 : i32
      %dma_start3A_29 = tpu.memref_slice %arg2[%dma_start3A, %dma_start3A_27, %dma_start3A_28] : memref<16384x4x128xi32, #tpu.memory_space<hbm>> -> memref<16384x4x128xi32, #tpu.memory_space<hbm>>
      tpu.enqueue_indirect_dma source(%dma_start3A_29 : memref<16384x4x128xi32, #tpu.memory_space<hbm>>) target(%arg5 : memref<64x4x128xi32, #tpu.memory_space<vmem>>) offsets(%arg6 : memref<64xi32, #tpu.memory_space<vmem>>) semaphore(%run_scoped3A_26 : memref<!tpu.dma_semaphore, #tpu.memory_space<semaphore_mem>>)
      %dma_wait3A = arith.constant 0 : i32
      %dma_wait3A_30 = arith.constant 0 : i32
      %dma_wait3A_31 = arith.constant 0 : i32
      %dma_wait3A_32 = tpu.memref_slice %arg2[%dma_wait3A, %dma_wait3A_30, %dma_wait3A_31] : memref<16384x4x128xi32, #tpu.memory_space<hbm>> -> memref<16384x4x128xi32, #tpu.memory_space<hbm>>
      tpu.wait_indirect_dma semaphore(%run_scoped3A_26 : memref<!tpu.dma_semaphore, #tpu.memory_space<semaphore_mem>>) src(%dma_wait3A_32 : memref<16384x4x128xi32, #tpu.memory_space<hbm>>) dst(%arg5 : memref<64x4x128xi32, #tpu.memory_space<vmem>>)
      tpu.yield
    }) : () -> ()
    %add3A_21 = arith.constant 12288 : i32
    %add3A_22 = arith.addi %add3A_21, %mul3A_2 : i32
    "tpu.region"() ({
      %run_scoped3A_26 = tpu.sem_alloc : memref<!tpu.dma_semaphore, #tpu.memory_space<semaphore_mem>>
      %dma_start3A = arith.constant 0 : i32
      %dma_start3A_27 = arith.constant 0 : i32
      %dma_start3A_28 = tpu.memref_slice %arg4[%add3A_22, %dma_start3A, %dma_start3A_27] : memref<16384x4x128xi32, #tpu.memory_space<hbm>> -> memref<64x4x128xi32, #tpu.memory_space<hbm>>
      %dma_start3A_29 = arith.constant 0 : i32
      %dma_start3A_30 = arith.constant 0 : i32
      %dma_start3A_31 = tpu.memref_slice %arg4[%add3A_22, %dma_start3A_29, %dma_start3A_30] : memref<16384x4x128xi32, #tpu.memory_space<hbm>> -> memref<64x4x128xi32, #tpu.memory_space<hbm>>
      tpu.enqueue_dma source(%arg5 : memref<64x4x128xi32, #tpu.memory_space<vmem>>) target(%dma_start3A_31 : memref<64x4x128xi32, #tpu.memory_space<hbm>>) target_semaphore(%run_scoped3A_26 : memref<!tpu.dma_semaphore, #tpu.memory_space<semaphore_mem>>)
      %dma_wait3A = arith.constant 0 : i32
      %dma_wait3A_32 = arith.constant 0 : i32
      %dma_wait3A_33 = tpu.memref_slice %arg4[%add3A_22, %dma_wait3A, %dma_wait3A_32] : memref<16384x4x128xi32, #tpu.memory_space<hbm>> -> memref<64x4x128xi32, #tpu.memory_space<hbm>>
      %dma_wait3A_34 = arith.constant 0 : i32
      %dma_wait3A_35 = arith.constant 0 : i32
      %dma_wait3A_36 = tpu.memref_slice %arg4[%add3A_22, %dma_wait3A_34, %dma_wait3A_35] : memref<16384x4x128xi32, #tpu.memory_space<hbm>> -> memref<64x4x128xi32, #tpu.memory_space<hbm>>
      tpu.wait_dma2 semaphore(%run_scoped3A_26 : memref<!tpu.dma_semaphore, #tpu.memory_space<semaphore_mem>>) src(%arg5 : memref<64x4x128xi32, #tpu.memory_space<vmem>>) dst(%dma_wait3A_36 : memref<64x4x128xi32, #tpu.memory_space<hbm>>)
      tpu.yield
    }) : () -> ()
    %run_scoped3A_23 = arith.constant 7 : i32
    "tpu.region"() ({
      %run_scoped3A_26 = tpu.sem_alloc : memref<!tpu.dma_semaphore, #tpu.memory_space<semaphore_mem>>
      %dma_start3A = tpu.memref_slice %arg3[%run_scoped3A_23, %mul3A_2] : memref<8x2048xi32, #tpu.memory_space<hbm>> -> memref<1x64xi32, #tpu.memory_space<hbm>>
      %dma_start3A_27 = tpu.memref_squeeze %dma_start3A : memref<1x64xi32, #tpu.memory_space<hbm>> -> memref<64xi32, #tpu.memory_space<hbm>>
      %dma_start3A_28 = tpu.memref_slice %arg3[%run_scoped3A_23, %mul3A_2] : memref<8x2048xi32, #tpu.memory_space<hbm>> -> memref<1x64xi32, #tpu.memory_space<hbm>>
      %dma_start3A_29 = tpu.memref_squeeze %dma_start3A_28 : memref<1x64xi32, #tpu.memory_space<hbm>> -> memref<64xi32, #tpu.memory_space<hbm>>
      tpu.enqueue_dma source(%dma_start3A_29 : memref<64xi32, #tpu.memory_space<hbm>>) target(%arg6 : memref<64xi32, #tpu.memory_space<vmem>>) target_semaphore(%run_scoped3A_26 : memref<!tpu.dma_semaphore, #tpu.memory_space<semaphore_mem>>)
      %dma_wait3A = tpu.memref_slice %arg3[%run_scoped3A_23, %mul3A_2] : memref<8x2048xi32, #tpu.memory_space<hbm>> -> memref<1x64xi32, #tpu.memory_space<hbm>>
      %dma_wait3A_30 = tpu.memref_squeeze %dma_wait3A : memref<1x64xi32, #tpu.memory_space<hbm>> -> memref<64xi32, #tpu.memory_space<hbm>>
      %dma_wait3A_31 = tpu.memref_slice %arg3[%run_scoped3A_23, %mul3A_2] : memref<8x2048xi32, #tpu.memory_space<hbm>> -> memref<1x64xi32, #tpu.memory_space<hbm>>
      %dma_wait3A_32 = tpu.memref_squeeze %dma_wait3A_31 : memref<1x64xi32, #tpu.memory_space<hbm>> -> memref<64xi32, #tpu.memory_space<hbm>>
      tpu.wait_dma2 semaphore(%run_scoped3A_26 : memref<!tpu.dma_semaphore, #tpu.memory_space<semaphore_mem>>) src(%dma_wait3A_32 : memref<64xi32, #tpu.memory_space<hbm>>) dst(%arg6 : memref<64xi32, #tpu.memory_space<vmem>>)
      tpu.yield
    }) : () -> ()
    "tpu.region"() ({
      %run_scoped3A_26 = tpu.sem_alloc : memref<!tpu.dma_semaphore, #tpu.memory_space<semaphore_mem>>
      %dma_start3A = arith.constant 0 : i32
      %dma_start3A_27 = arith.constant 0 : i32
      %dma_start3A_28 = arith.constant 0 : i32
      %dma_start3A_29 = tpu.memref_slice %arg2[%dma_start3A, %dma_start3A_27, %dma_start3A_28] : memref<16384x4x128xi32, #tpu.memory_space<hbm>> -> memref<16384x4x128xi32, #tpu.memory_space<hbm>>
      tpu.enqueue_indirect_dma source(%dma_start3A_29 : memref<16384x4x128xi32, #tpu.memory_space<hbm>>) target(%arg5 : memref<64x4x128xi32, #tpu.memory_space<vmem>>) offsets(%arg6 : memref<64xi32, #tpu.memory_space<vmem>>) semaphore(%run_scoped3A_26 : memref<!tpu.dma_semaphore, #tpu.memory_space<semaphore_mem>>)
      %dma_wait3A = arith.constant 0 : i32
      %dma_wait3A_30 = arith.constant 0 : i32
      %dma_wait3A_31 = arith.constant 0 : i32
      %dma_wait3A_32 = tpu.memref_slice %arg2[%dma_wait3A, %dma_wait3A_30, %dma_wait3A_31] : memref<16384x4x128xi32, #tpu.memory_space<hbm>> -> memref<16384x4x128xi32, #tpu.memory_space<hbm>>
      tpu.wait_indirect_dma semaphore(%run_scoped3A_26 : memref<!tpu.dma_semaphore, #tpu.memory_space<semaphore_mem>>) src(%dma_wait3A_32 : memref<16384x4x128xi32, #tpu.memory_space<hbm>>) dst(%arg5 : memref<64x4x128xi32, #tpu.memory_space<vmem>>)
      tpu.yield
    }) : () -> ()
    %add3A_24 = arith.constant 14336 : i32
    %add3A_25 = arith.addi %add3A_24, %mul3A_2 : i32
    "tpu.region"() ({
      %run_scoped3A_26 = tpu.sem_alloc : memref<!tpu.dma_semaphore, #tpu.memory_space<semaphore_mem>>
      %dma_start3A = arith.constant 0 : i32
      %dma_start3A_27 = arith.constant 0 : i32
      %dma_start3A_28 = tpu.memref_slice %arg4[%add3A_25, %dma_start3A, %dma_start3A_27] : memref<16384x4x128xi32, #tpu.memory_space<hbm>> -> memref<64x4x128xi32, #tpu.memory_space<hbm>>
      %dma_start3A_29 = arith.constant 0 : i32
      %dma_start3A_30 = arith.constant 0 : i32
      %dma_start3A_31 = tpu.memref_slice %arg4[%add3A_25, %dma_start3A_29, %dma_start3A_30] : memref<16384x4x128xi32, #tpu.memory_space<hbm>> -> memref<64x4x128xi32, #tpu.memory_space<hbm>>
      tpu.enqueue_dma source(%arg5 : memref<64x4x128xi32, #tpu.memory_space<vmem>>) target(%dma_start3A_31 : memref<64x4x128xi32, #tpu.memory_space<hbm>>) target_semaphore(%run_scoped3A_26 : memref<!tpu.dma_semaphore, #tpu.memory_space<semaphore_mem>>)
      %dma_wait3A = arith.constant 0 : i32
      %dma_wait3A_32 = arith.constant 0 : i32
      %dma_wait3A_33 = tpu.memref_slice %arg4[%add3A_25, %dma_wait3A, %dma_wait3A_32] : memref<16384x4x128xi32, #tpu.memory_space<hbm>> -> memref<64x4x128xi32, #tpu.memory_space<hbm>>
      %dma_wait3A_34 = arith.constant 0 : i32
      %dma_wait3A_35 = arith.constant 0 : i32
      %dma_wait3A_36 = tpu.memref_slice %arg4[%add3A_25, %dma_wait3A_34, %dma_wait3A_35] : memref<16384x4x128xi32, #tpu.memory_space<hbm>> -> memref<64x4x128xi32, #tpu.memory_space<hbm>>
      tpu.wait_dma2 semaphore(%run_scoped3A_26 : memref<!tpu.dma_semaphore, #tpu.memory_space<semaphore_mem>>) src(%arg5 : memref<64x4x128xi32, #tpu.memory_space<vmem>>) dst(%dma_wait3A_36 : memref<64x4x128xi32, #tpu.memory_space<hbm>>)
      tpu.yield
    }) : () -> ()
    return
  }
}

module attributes {stable_mosaic.version = 14 : i64} {
  func.func @_ffn_kernel(%arg0: i32, %arg1: i32, %arg2: i32, %arg3: memref<8xi32, #tpu.memory_space<smem>>, %arg4: memref<1x256x1024xbf16, #tpu.memory_space<vmem>>, %arg5: memref<1x1024x1024xf32, #tpu.memory_space<vmem>>, %arg6: memref<1x1x1024xf32, #tpu.memory_space<vmem>>, %arg7: memref<1x1024x1024xf32, #tpu.memory_space<vmem>>, %arg8: memref<1x1x1024xf32, #tpu.memory_space<vmem>>, %arg9: memref<1x256x1024xbf16, #tpu.memory_space<vmem>>, %arg10: memref<1024x1024xbf16, #tpu.memory_space<vmem>>, %arg11: memref<1024x1024xbf16, #tpu.memory_space<vmem>>, %arg12: memref<256x1024xf32, #tpu.memory_space<vmem>>) attributes {dimension_semantics = [#tpu.dimension_semantics<arbitrary>, #tpu.dimension_semantics<arbitrary>, #tpu.dimension_semantics<arbitrary>], iteration_bounds = array<i64: 8, 4, 8>, scalar_prefetch = 0 : i64, scratch_operands = 3 : i64, tpu.core_type = #tpu.core_type<tc>, window_params = [{transform_indices = @transform_0, window_bounds = array<i64: 8>}, {transform_indices = @transform_1, window_bounds = array<i64: 1, 256, 1024>}, {transform_indices = @transform_2, window_bounds = array<i64: 1, 1024, 1024>}, {transform_indices = @transform_3, window_bounds = array<i64: 1, 1, 1024>}, {transform_indices = @transform_4, window_bounds = array<i64: 1, 1024, 1024>}, {transform_indices = @transform_5, window_bounds = array<i64: 1, 1, 1024>}, {transform_indices = @transform_6, window_bounds = array<i64: 1, 256, 1024>}]} {
    %eq3A = arith.constant 0 : i32
    %eq3A_0 = arith.cmpi eq, %arg2, %eq3A : i32
    %convert_element_type3A = arith.extui %eq3A_0 : i1 to i32
    %cond3A = arith.constant 0 : i32
    %cond3A_1 = arith.cmpi ne, %convert_element_type3A, %cond3A : i32
    scf.if %cond3A_1 {
      %get3A_7 = arith.constant 0 : index
      %get3A_8 = arith.constant 0 : index
      %get3A_9 = arith.constant 0 : index
      %get3A_10 = vector.load %arg5[%get3A_7, %get3A_8, %get3A_9] : memref<1x1024x1024xf32, #tpu.memory_space<vmem>>, vector<1x1024x1024xf32>
      %get3A_11 = vector.shape_cast %get3A_10 : vector<1x1024x1024xf32> to vector<1024x1024xf32>
      %convert_element_type3A_12 = arith.truncf %get3A_11 : vector<1024x1024xf32> to vector<1024x1024xbf16>
      %swap3A = arith.constant 0 : index
      %swap3A_13 = arith.constant 0 : index
      %swap3A_14 = vector.load %arg10[%swap3A, %swap3A_13] : memref<1024x1024xbf16, #tpu.memory_space<vmem>>, vector<1024x1024xbf16>
      tpu.vector_store %arg10[%swap3A, %swap3A_13], %convert_element_type3A_12 {strides = array<i32>} : memref<1024x1024xbf16, #tpu.memory_space<vmem>>, vector<1024x1024xbf16>,
      %get3A_15 = arith.constant 0 : index
      %get3A_16 = arith.constant 0 : index
      %get3A_17 = arith.constant 0 : index
      %get3A_18 = vector.load %arg7[%get3A_15, %get3A_16, %get3A_17] : memref<1x1024x1024xf32, #tpu.memory_space<vmem>>, vector<1x1024x1024xf32>
      %get3A_19 = vector.shape_cast %get3A_18 : vector<1x1024x1024xf32> to vector<1024x1024xf32>
      %convert_element_type3A_20 = arith.truncf %get3A_19 : vector<1024x1024xf32> to vector<1024x1024xbf16>
      %swap3A_21 = arith.constant 0 : index
      %swap3A_22 = arith.constant 0 : index
      %swap3A_23 = vector.load %arg11[%swap3A_21, %swap3A_22] : memref<1024x1024xbf16, #tpu.memory_space<vmem>>, vector<1024x1024xbf16>
      tpu.vector_store %arg11[%swap3A_21, %swap3A_22], %convert_element_type3A_20 {strides = array<i32>} : memref<1024x1024xbf16, #tpu.memory_space<vmem>>, vector<1024x1024xbf16>,
    } else {
    }
    %mul3A = arith.constant 256 : i32
    %mul3A_2 = arith.muli %arg2, %mul3A : i32
    %get3A = arith.index_cast %arg0 : i32 to index
    %get3A_3 = memref.load %arg3[%get3A] : memref<8xi32, #tpu.memory_space<smem>>
    %lt3A = arith.cmpi slt, %mul3A_2, %get3A_3 : i32
    %convert_element_type3A_4 = arith.extui %lt3A : i1 to i32
    %cond3A_5 = arith.constant 0 : i32
    %cond3A_6 = arith.cmpi ne, %convert_element_type3A_4, %cond3A_5 : i32
    scf.if %cond3A_6 {
      %get3A_7 = arith.constant 0 : index
      %get3A_8 = arith.constant 0 : index
      %get3A_9 = arith.constant 0 : index
      %get3A_10 = vector.load %arg4[%get3A_7, %get3A_8, %get3A_9] : memref<1x256x1024xbf16, #tpu.memory_space<vmem>>, vector<1x256x1024xbf16>
      %get3A_11 = vector.shape_cast %get3A_10 : vector<1x256x1024xbf16> to vector<256x1024xbf16>
      %get3A_12 = arith.constant 0 : index
      %get3A_13 = arith.constant 0 : index
      %get3A_14 = vector.load %arg10[%get3A_12, %get3A_13] : memref<1024x1024xbf16, #tpu.memory_space<vmem>>, vector<1024x1024xbf16>
      %dot_general3A = arith.constant dense<0.000000e+00> : vector<256x1024xf32>
      %dot_general3A_15 = tpu.matmul %get3A_11, %get3A_14, %dot_general3A {dimension_numbers = #tpu.dot_dimension_numbers<[1], [0], [0], [1], [0, 0, 1, 1], [], []>, transpose_lhs_hint = false} : vector<256x1024xbf16>, vector<1024x1024xbf16>, vector<256x1024xf32> -> vector<256x1024xf32>
      %get3A_16 = arith.constant 0 : index
      %get3A_17 = arith.constant 0 : index
      %get3A_18 = arith.constant 0 : index
      %get3A_19 = vector.load %arg6[%get3A_16, %get3A_17, %get3A_18] : memref<1x1x1024xf32, #tpu.memory_space<vmem>>, vector<1x1x1024xf32>
      %get3A_20 = vector.shape_cast %get3A_19 : vector<1x1x1024xf32> to vector<1x1024xf32>
      %add3A = vector.broadcast %get3A_20 : vector<1x1024xf32> to vector<256x1024xf32>
      %add3A_21 = arith.addf %dot_general3A_15, %add3A : vector<256x1024xf32>
      %max3A = arith.constant 0.000000e+00 : f32
      %max3A_22 = vector.broadcast %max3A : f32 to vector<256x1024xf32>
      %max3A_23 = arith.maximumf %add3A_21, %max3A_22 : vector<256x1024xf32>
      %convert_element_type3A_24 = arith.truncf %max3A_23 : vector<256x1024xf32> to vector<256x1024xbf16>
      %get3A_25 = arith.constant 0 : index
      %get3A_26 = arith.constant 0 : index
      %get3A_27 = vector.load %arg11[%get3A_25, %get3A_26] : memref<1024x1024xbf16, #tpu.memory_space<vmem>>, vector<1024x1024xbf16>
      %dot_general3A_28 = arith.constant dense<0.000000e+00> : vector<256x1024xf32>
      %dot_general3A_29 = tpu.matmul %convert_element_type3A_24, %get3A_27, %dot_general3A_28 {dimension_numbers = #tpu.dot_dimension_numbers<[1], [0], [0], [1], [0, 0, 1, 1], [], []>, transpose_lhs_hint = false} : vector<256x1024xbf16>, vector<1024x1024xbf16>, vector<256x1024xf32> -> vector<256x1024xf32>
      %eq3A_30 = arith.constant 0 : i32
      %eq3A_31 = arith.cmpi eq, %arg1, %eq3A_30 : i32
      %jit3A = arith.constant 1.000000e+00 : f32
      %jit3A_32 = arith.constant 0.000000e+00 : f32
      %select_n3A = arith.select %eq3A_31, %jit3A, %jit3A_32 : f32
      %get3A_33 = arith.constant 0 : index
      %get3A_34 = arith.constant 0 : index
      %get3A_35 = arith.constant 0 : index
      %get3A_36 = vector.load %arg8[%get3A_33, %get3A_34, %get3A_35] : memref<1x1x1024xf32, #tpu.memory_space<vmem>>, vector<1x1x1024xf32>
      %get3A_37 = vector.shape_cast %get3A_36 : vector<1x1x1024xf32> to vector<1x1024xf32>
      %mul3A_38 = vector.broadcast %select_n3A : f32 to vector<1x1024xf32>
      %mul3A_39 = arith.mulf %mul3A_38, %get3A_37 : vector<1x1024xf32>
      %add3A_40 = vector.broadcast %mul3A_39 : vector<1x1024xf32> to vector<256x1024xf32>
      %add3A_41 = arith.addf %dot_general3A_29, %add3A_40 : vector<256x1024xf32>
      %eq3A_42 = arith.constant 0 : i32
      %eq3A_43 = arith.cmpi eq, %arg1, %eq3A_42 : i32
      %convert_element_type3A_44 = arith.extui %eq3A_43 : i1 to i32
      %cond3A_45 = arith.constant 0 : i32
      %cond3A_46 = arith.cmpi ne, %convert_element_type3A_44, %cond3A_45 : i32
      scf.if %cond3A_46 {
        %swap3A = arith.constant 0 : index
        %swap3A_56 = arith.constant 0 : index
        %swap3A_57 = vector.load %arg12[%swap3A, %swap3A_56] : memref<256x1024xf32, #tpu.memory_space<vmem>>, vector<256x1024xf32>
        tpu.vector_store %arg12[%swap3A, %swap3A_56], %add3A_41 {strides = array<i32>} : memref<256x1024xf32, #tpu.memory_space<vmem>>, vector<256x1024xf32>,
      } else {
      }
      %ne3A = arith.constant 0 : i32
      %ne3A_47 = arith.cmpi ne, %arg1, %ne3A : i32
      %convert_element_type3A_48 = arith.extui %ne3A_47 : i1 to i32
      %cond3A_49 = arith.constant 0 : i32
      %cond3A_50 = arith.cmpi ne, %convert_element_type3A_48, %cond3A_49 : i32
      scf.if %cond3A_50 {
        %get3A_56 = arith.constant 0 : index
        %get3A_57 = arith.constant 0 : index
        %get3A_58 = vector.load %arg12[%get3A_56, %get3A_57] : memref<256x1024xf32, #tpu.memory_space<vmem>>, vector<256x1024xf32>
        %add3A_59 = arith.addf %get3A_58, %add3A_41 : vector<256x1024xf32>
        %swap3A = arith.constant 0 : index
        %swap3A_60 = arith.constant 0 : index
        %swap3A_61 = vector.load %arg12[%swap3A, %swap3A_60] : memref<256x1024xf32, #tpu.memory_space<vmem>>, vector<256x1024xf32>
        tpu.vector_store %arg12[%swap3A, %swap3A_60], %add3A_59 {strides = array<i32>} : memref<256x1024xf32, #tpu.memory_space<vmem>>, vector<256x1024xf32>,
      } else {
      }
      %eq3A_51 = arith.constant 3 : i32
      %eq3A_52 = arith.cmpi eq, %arg1, %eq3A_51 : i32
      %convert_element_type3A_53 = arith.extui %eq3A_52 : i1 to i32
      %cond3A_54 = arith.constant 0 : i32
      %cond3A_55 = arith.cmpi ne, %convert_element_type3A_53, %cond3A_54 : i32
      scf.if %cond3A_55 {
        %get3A_56 = arith.constant 0 : index
        %get3A_57 = arith.constant 0 : index
        %get3A_58 = vector.load %arg12[%get3A_56, %get3A_57] : memref<256x1024xf32, #tpu.memory_space<vmem>>, vector<256x1024xf32>
        %convert_element_type3A_59 = arith.truncf %get3A_58 : vector<256x1024xf32> to vector<256x1024xbf16>
        %swap3A = arith.constant 0 : index
        %swap3A_60 = arith.constant 0 : index
        %swap3A_61 = arith.constant 0 : index
        %swap3A_62 = vector.load %arg9[%swap3A, %swap3A_60, %swap3A_61] : memref<1x256x1024xbf16, #tpu.memory_space<vmem>>, vector<1x256x1024xbf16>
        %swap3A_63 = vector.shape_cast %swap3A_62 : vector<1x256x1024xbf16> to vector<256x1024xbf16>
        %swap3A_64 = vector.shape_cast %convert_element_type3A_59 : vector<256x1024xbf16> to vector<1x256x1024xbf16>
        tpu.vector_store %arg9[%swap3A, %swap3A_60, %swap3A_61], %swap3A_64 {strides = array<i32>} : memref<1x256x1024xbf16, #tpu.memory_space<vmem>>, vector<1x256x1024xbf16>,
      } else {
      }
    } else {
    }
    return
  }
  func.func @transform_0(%arg0: i32, %arg1: i32, %arg2: i32) -> i32 {
    %c0_i32 = arith.constant 0 : i32
    %c0_i32_0 = arith.constant 0 : i32
    return %c0_i32 : i32
  }
  func.func @transform_1(%arg0: i32, %arg1: i32, %arg2: i32) -> (i32, i32, i32) {
    %c0_i32 = arith.constant 0 : i32
    %c0_i32_0 = arith.constant 0 : i32
    return %arg0, %arg2, %c0_i32 : i32, i32, i32
  }
  func.func @transform_2(%arg0: i32, %arg1: i32, %arg2: i32) -> (i32, i32, i32) {
    %c0_i32 = arith.constant 0 : i32
    %c0_i32_0 = arith.constant 0 : i32
    return %arg0, %c0_i32, %arg1 : i32, i32, i32
  }
  func.func @transform_3(%arg0: i32, %arg1: i32, %arg2: i32) -> (i32, i32, i32) {
    %c0_i32 = arith.constant 0 : i32
    %c0_i32_0 = arith.constant 0 : i32
    return %arg0, %c0_i32, %arg1 : i32, i32, i32
  }
  func.func @transform_4(%arg0: i32, %arg1: i32, %arg2: i32) -> (i32, i32, i32) {
    %c0_i32 = arith.constant 0 : i32
    %c0_i32_0 = arith.constant 0 : i32
    return %arg0, %arg1, %c0_i32 : i32, i32, i32
  }
  func.func @transform_5(%arg0: i32, %arg1: i32, %arg2: i32) -> (i32, i32, i32) {
    %c0_i32 = arith.constant 0 : i32
    %c0_i32_0 = arith.constant 0 : i32
    %c0_i32_1 = arith.constant 0 : i32
    return %arg0, %c0_i32, %c0_i32_0 : i32, i32, i32
  }
  func.func @transform_6(%arg0: i32, %arg1: i32, %arg2: i32) -> (i32, i32, i32) {
    %c0_i32 = arith.constant 0 : i32
    %c0_i32_0 = arith.constant 0 : i32
    return %arg0, %arg2, %c0_i32 : i32, i32, i32
  }
}

module attributes {stable_mosaic.version = 14 : i64} {
  func.func @_combine_kernel(%arg0: i32, %arg1: memref<2048x8xf32, #tpu.memory_space<vmem>>, %arg2: memref<1x2048x1024xbf16, #tpu.memory_space<vmem>>, %arg3: memref<2048x1024xf32, #tpu.memory_space<vmem>>) attributes {dimension_semantics = [#tpu.dimension_semantics<arbitrary>], iteration_bounds = array<i64: 8>, scalar_prefetch = 0 : i64, scratch_operands = 0 : i64, tpu.core_type = #tpu.core_type<tc>, window_params = [{pipeline_mode = #tpu.pipeline_mode<synchronous>, transform_indices = @transform_0, window_bounds = array<i64: 2048, 8>}, {transform_indices = @transform_1, window_bounds = array<i64: 1, 2048, 1024>}, {pipeline_mode = #tpu.pipeline_mode<synchronous>, transform_indices = @transform_2, window_bounds = array<i64: 2048, 1024>}]} {
    %eq3A = arith.constant 0 : i32
    %eq3A_0 = arith.cmpi eq, %arg0, %eq3A : i32
    %convert_element_type3A = arith.extui %eq3A_0 : i1 to i32
    %cond3A = arith.constant 0 : i32
    %cond3A_1 = arith.cmpi ne, %convert_element_type3A, %cond3A : i32
    scf.if %cond3A_1 {
      %broadcast_in_dim3A_27 = arith.constant 0.000000e+00 : f32
      %broadcast_in_dim3A_28 = vector.broadcast %broadcast_in_dim3A_27 : f32 to vector<2048x1024xf32>
      %swap3A_29 = arith.constant 0 : index
      %swap3A_30 = arith.constant 0 : index
      %swap3A_31 = vector.load %arg3[%swap3A_29, %swap3A_30] : memref<2048x1024xf32, #tpu.memory_space<vmem>>, vector<2048x1024xf32>
      tpu.vector_store %arg3[%swap3A_29, %swap3A_30], %broadcast_in_dim3A_28 {strides = array<i32>} : memref<2048x1024xf32, #tpu.memory_space<vmem>>, vector<2048x1024xf32>,
    } else {
    }
    %get3A = arith.constant 0 : index
    %get3A_2 = arith.constant 0 : index
    %get3A_3 = vector.load %arg1[%get3A, %get3A_2] : memref<2048x8xf32, #tpu.memory_space<vmem>>, vector<2048x8xf32>
    %iota3A = tpu.iota {dimensions = array<i32: 1>} : vector<2048x8xi32>
    %eq3A_4 = vector.broadcast %arg0 : i32 to vector<2048x8xi32>
    %eq3A_5 = arith.cmpi eq, %iota3A, %eq3A_4 : vector<2048x8xi32>
    %jit3A = arith.constant 0.000000e+00 : f32
    %broadcast_in_dim3A = vector.broadcast %jit3A : f32 to vector<2048x8xf32>
    %select_n3A = arith.select %eq3A_5, %get3A_3, %broadcast_in_dim3A : vector<2048x8xi1>, vector<2048x8xf32>
    %reduce_sum3A = arith.constant dense<0.000000e+00> : vector<2048xf32>
    %reduce_sum3A_6 = vector.multi_reduction <add>, %select_n3A, %reduce_sum3A [1] : vector<2048x8xf32> to vector<2048xf32>
    %broadcast_in_dim3A_7 = vector.shape_cast %reduce_sum3A_6 : vector<2048xf32> to vector<2048x1xf32>
    %get3A_8 = arith.constant 0 : index
    %get3A_9 = arith.constant 0 : index
    %get3A_10 = arith.constant 0 : index
    %get3A_11 = vector.load %arg2[%get3A_8, %get3A_9, %get3A_10] : memref<1x2048x1024xbf16, #tpu.memory_space<vmem>>, vector<1x2048x1024xbf16>
    %get3A_12 = vector.shape_cast %get3A_11 : vector<1x2048x1024xbf16> to vector<2048x1024xbf16>
    %convert_element_type3A_13 = arith.extf %get3A_12 : vector<2048x1024xbf16> to vector<2048x1024xf32>
    %get3A_14 = arith.constant 0 : index
    %get3A_15 = arith.constant 0 : index
    %get3A_16 = vector.load %arg3[%get3A_14, %get3A_15] : memref<2048x1024xf32, #tpu.memory_space<vmem>>, vector<2048x1024xf32>
    %gt3A = arith.constant 0.000000e+00 : f32
    %gt3A_17 = vector.broadcast %gt3A : f32 to vector<2048x1xf32>
    %gt3A_18 = arith.cmpf ogt, %broadcast_in_dim3A_7, %gt3A_17 : vector<2048x1xf32>
    %mul3A = vector.broadcast %broadcast_in_dim3A_7 : vector<2048x1xf32> to vector<2048x1024xf32>
    %mul3A_19 = arith.mulf %mul3A, %convert_element_type3A_13 : vector<2048x1024xf32>
    %jit3A_20 = arith.constant 0.000000e+00 : f32
    %broadcast_in_dim3A_21 = vector.shape_cast %gt3A_18 : vector<2048x1xi1> to vector<2048x1xi1>
    %broadcast_in_dim3A_22 = vector.broadcast %broadcast_in_dim3A_21 : vector<2048x1xi1> to vector<2048x1024xi1>
    %broadcast_in_dim3A_23 = vector.broadcast %jit3A_20 : f32 to vector<2048x1024xf32>
    %select_n3A_24 = arith.select %broadcast_in_dim3A_22, %mul3A_19, %broadcast_in_dim3A_23 : vector<2048x1024xi1>, vector<2048x1024xf32>
    %add3A = arith.addf %get3A_16, %select_n3A_24 : vector<2048x1024xf32>
    %swap3A = arith.constant 0 : index
    %swap3A_25 = arith.constant 0 : index
    %swap3A_26 = vector.load %arg3[%swap3A, %swap3A_25] : memref<2048x1024xf32, #tpu.memory_space<vmem>>, vector<2048x1024xf32>
    tpu.vector_store %arg3[%swap3A, %swap3A_25], %add3A {strides = array<i32>} : memref<2048x1024xf32, #tpu.memory_space<vmem>>, vector<2048x1024xf32>,
    return
  }
  func.func @transform_0(%arg0: i32) -> (i32, i32) {
    %c0_i32 = arith.constant 0 : i32
    %c0_i32_0 = arith.constant 0 : i32
    %c0_i32_1 = arith.constant 0 : i32
    return %c0_i32, %c0_i32_0 : i32, i32
  }
  func.func @transform_1(%arg0: i32) -> (i32, i32, i32) {
    %c0_i32 = arith.constant 0 : i32
    %c0_i32_0 = arith.constant 0 : i32
    %c0_i32_1 = arith.constant 0 : i32
    return %arg0, %c0_i32, %c0_i32_0 : i32, i32, i32
  }
  func.func @transform_2(%arg0: i32) -> (i32, i32) {
    %c0_i32 = arith.constant 0 : i32
    %c0_i32_0 = arith.constant 0 : i32
    %c0_i32_1 = arith.constant 0 : i32
    return %c0_i32, %c0_i32_0 : i32, i32
  }
}

</mosaic_0001>

<sc_bundles>
// kernel: kernel.6.cloned.1.call-start
scs
__scs_entry_jumppad:
0x0: {  	(pc) =	sbr.rel $0x88, $3  }
0x1: {  	(tag) =	ssettag $0x0;
	lr =	simm.s32 $0x1  }
0x2: {  	[smem:$0x3F9A] =	sst lr;
	_ =	strace $0xD0000000  }
0x3: {  	_ = 	snop  }
0x4: {  	_ = 	snop  }
0x5: {  	_ = 	snop  }
0x6: {  	_ = 	snop  }
0x7: {  	_ = 	snop  }
__scs_overlays_trampoline_lowered:
0x8: {  	[smem:$0x3FA9] =	sst s0  }
0x9: {  	[smem:$0x3FAA] =	sst s1  }
0xa: {  	[smem:$0x3FAB] =	sst s2  }
0xb: {  	[smem:$0x3FAC] =	sst s3  }
0xc: {  	[smem:$0x3FAD] =	sst s4  }
0xd: {  	[smem:$0x3FAE] =	sst s5  }
0xe: {  	[smem:$0x3FAF] =	sst s6  }
0xf: {  	[smem:$0x3FB0] =	sst s7  }
0x10: {  	[smem:$0x3FB1] =	sst s8  }
0x11: {  	[smem:$0x3FB2] =	sst s9;
	s0 =	simm.s32 @!p0 $0x0  }
0x12: {  	s1 =	sld [smem:$0x3F98];
	s0 =	simm.s32 @p0 $0x1  }
0x13: {  	[smem:$0x3FB3] =	sst s0;
	s0 =	simm.s32 @!p1 $0x0  }
0x14: {  	s2 =	sld [smem:$0x3F97];
	s0 =	simm.s32 @p1 $0x1  }
0x15: {  	[smem:$0x3FB4] =	sst s0;
	s0 =	simm.s32 @!p2 $0x0  }
0x16: {  	s3 =	sld [smem:$0x3FDB];
	s0 =	simm.s32 @p2 $0x1  }
0x17: {  	s4 =	simm.s32 $0x1BF5;
	[smem:$0x3FB6] =	sst s0  }
0x18: {  	s0 =	sld [smem:$0x3F99];
	_ =	swait.ge [sflag:s4], $0x0  }
0x19: {  	s7 =	sld [smem:$0x3F9A]  }
0x1a: {  	s8 =	sadd.s32 $0xFFFFE003, lr  }
0x1b: {  	s9 =	sadd.s32 $0xFFFFFEF7, lr;
	s5 =	simm.s32 $0xFFFFFFFF;
	p2 =	slt.u32 s8, $0xFFFFF086  }
0x1c: {  	p1 =	slt.u32 s9, $0xF7A;
	s5 =	simm.s32 @!p2 $0x0  }
0x1d: {  	s5 =	simm.s32 @p1 $0x1;
	p0 =	seq.s32 s7, s2  }
0x1e: {  	s7 =	smul.u32 @!p0 $0xF7A, s2;
	p2 =	seq.s32 @!p0 s5, $0x0  }
0x1f: {  	s9 =	smul.u32 $0xF7A, s1;
	s8 =	simm.s32 @!p0 $0x1BF5;
	p2 =	por !p2, p0  }
0x20: {  	[sflag:s8] =	ssyncset.s32 @!p0 $0xFFFFF086;
	s6 =	sadd.s32 @!p0 s3, s7;
	s7 =	simm.s32 @!p0 $0x108  }
0x21: {  	s3 =	sadd.s32 s3, s9;
	s6 =	sadd.s32 @!p0 $0x88, s6;
	s7 =	simm.s32 @p2 $0x1082  }
0x22: {  	[simem:s7], [sflag:s8] =	dma.local @!p0 [hbm:s6], $0xF7A  }
0x23: {  	s9 =	sor.u32 $0xD0000000, s2;
	s6 =	simm.s32 $0x108;
	_ =	swait.ge @!p0 [sflag:s8], $0x0  }
0x24: {  	s3 =	sadd.s32 $0x88, s3;
	s6 =	simm.s32 @!p1 $0x1082;
	[sflag:s4] =	ssyncset.s32 $0xFFFFF086  }
0x25: {  	[simem:s6], [sflag:s4] =	dma.local [hbm:s3], $0xF7A  }
0x26: {  	[smem:$0x3F9A] =	sst s1;
	(tag) =	ssettag s2;
	_ =	strace s9  }
0x27: {  	s1 =	sld [smem:$0x3FAA]  }
0x28: {  	s2 =	sld [smem:$0x3FAB]  }
0x29: {  	s4 =	sld [smem:$0x3FAD]  }
0x2a: {  	p0 =	seq.s32 s5, $0x0;
	s5 =	sld [smem:$0x3FAE]  }
0x2b: {  	s6 =	sld [smem:$0x3FAF]  }
0x2c: {  	s7 =	sld [smem:$0x3FB0]  }
0x2d: {  	s3 =	simm.s32 $0x108;
	s8 =	sld [smem:$0x3FB1]  }
0x2e: {  	s3 =	simm.s32 @!p0 $0x1082;
	s9 =	sld [smem:$0x3FB2]  }
0x2f: {  	lr =	sadd.s32 s0, s3;
	s0 =	sld [smem:$0x3FA9]  }
0x30: {  	s3 =	sld [smem:$0x3FAC]  }
0x31: {  	[smem:$0x3FB5] =	sst s10  }
0x32: {  	s10 =	sld [smem:$0x3FB3];
	_ =	sdelay $0x3  }
0x33: {  	p0 =	seq.s32 s10, $0x1;
	s10 =	sld [smem:$0x3FB5];
	_ =	sdelay $0x3  }
0x34: {  	[smem:$0x3FB5] =	sst s10  }
0x35: {  	s10 =	sld [smem:$0x3FB4];
	_ =	sdelay $0x3  }
0x36: {  	p1 =	seq.s32 s10, $0x1;
	s10 =	sld [smem:$0x3FB5];
	_ =	sdelay $0x3  }
0x37: {  	[smem:$0x3FB5] =	sst s10  }
0x38: {  	s10 =	sld [smem:$0x3FB6]  }
0x39: {  	_ = 	snop;
	(pc) =	sbr.ind lr, $3  }
0x3a: {  	_ = 	snop  }
0x3b: {  	_ = 	snop  }
0x3c: {  	p2 =	seq.s32 s10, $0x1;
	s10 =	sld [smem:$0x3FB5]  }
0x3d: {  	_ =	shalt  }
0x3e: {  	_ =	shalt  }
0x3f: {  	_ =	shalt  }
0x40: {  	_ =	shalt  }
0x41: {  	_ =	shalt  }
0x42: {  	_ =	shalt  }
0x43: {  	_ =	shalt  }
0x44: {  	_ =	shalt  }
0x45: {  	_ =	shalt  }
0x46: {  	_ =	shalt  }
0x47: {  	_ =	shalt  }
0x48: {  	_ =	shalt  }
0x49: {  	_ =	shalt  }
0x4a: {  	_ =	shalt  }
0x4b: {  	_ =	shalt  }
0x4c: {  	_ =	shalt  }
0x4d: {  	_ =	shalt  }
0x4e: {  	_ =	shalt  }
0x4f: {  	_ =	shalt  }
0x50: {  	_ =	shalt  }
0x51: {  	_ =	shalt  }
0x52: {  	_ =	shalt  }
0x53: {  	_ =	shalt  }
0x54: {  	_ =	shalt  }
0x55: {  	_ =	shalt  }
0x56: {  	_ =	shalt  }
0x57: {  	_ =	shalt  }
0x58: {  	_ =	shalt  }
0x59: {  	_ =	shalt  }
0x5a: {  	_ =	shalt  }
0x5b: {  	_ =	shalt  }
0x5c: {  	_ =	shalt  }
0x5d: {  	_ =	shalt  }
0x5e: {  	_ =	shalt  }
0x5f: {  	_ =	shalt  }
0x60: {  	_ =	shalt  }
0x61: {  	_ =	shalt  }
0x62: {  	_ =	shalt  }
0x63: {  	_ =	shalt  }
0x64: {  	_ =	shalt  }
0x65: {  	_ =	shalt  }
0x66: {  	_ =	shalt  }
0x67: {  	_ =	shalt  }
0x68: {  	_ =	shalt  }
0x69: {  	_ =	shalt  }
0x6a: {  	_ =	shalt  }
0x6b: {  	_ =	shalt  }
0x6c: {  	_ =	shalt  }
0x6d: {  	_ =	shalt  }
0x6e: {  	_ =	shalt  }
0x6f: {  	_ =	shalt  }
0x70: {  	_ =	shalt  }
0x71: {  	_ =	shalt  }
0x72: {  	_ =	shalt  }
0x73: {  	_ =	shalt  }
0x74: {  	_ =	shalt  }
0x75: {  	_ =	shalt  }
0x76: {  	_ =	shalt  }
0x77: {  	_ =	shalt  }
0x78: {  	_ =	shalt  }
0x79: {  	_ =	shalt  }
0x7a: {  	_ =	shalt  }
0x7b: {  	_ =	shalt  }
0x7c: {  	_ =	shalt  }
0x7d: {  	_ =	shalt  }
0x7e: {  	_ =	shalt  }
0x7f: {  	_ =	shalt  }
0x80: {  	_ =	shalt  }
0x81: {  	_ =	shalt  }
0x82: {  	_ =	shalt  }
0x83: {  	_ =	shalt  }
0x84: {  	_ =	shalt  }
0x85: {  	_ =	shalt  }
0x86: {  	_ =	shalt  }
0x87: {  	_ =	shalt  }
.Lfunc_end0:
.L_simem_size_0:
called_computation.5_lowered:
.L_overlay_start_0:
0x88: {  	s2 =	sld [smem:$0x3FD9]  }
0x89: {  	s3 =	sld [smem:$0x3FFE];
	_ =	sdelay $0x1  }
0x8a: {  	s1 =	srdreg.scid  }
0x8b: {  	s0 =	sand.u32 $0x1, s1  }
0x8c: {  	s17 =	sshll.u32 s0, $0xA;
	s2 =	sadd.s32 s3, s2  }
0x8d: {  	s2 =	sadd.s32 s2, s17  }
0x8e: {  	[smem:$0x3FC1] =	sst s2  }
0x8f: {  	_ = 	snop  }
0x90: {  	s2 =	sld [smem:$0x3FD0];
	(tm) =	ssettm $0x1  }
0x91: {  	s18 =	sld [smem:$0x3FFB];
	_ =	sdelay $0x3  }
0x92: {  	_ =	strace s18  }
0x93: {  	s3 =	sld [smem:$0x3FFC];
	_ =	sdelay $0x3  }
0x94: {  	_ =	strace s3  }
0x95: {  	s3 =	sld [smem:$0x3FFD];
	_ =	sdelay $0x3  }
0x96: {  	_ =	strace s3  }
0x97: {  	_ =	strace $0x8FFFFFFF  }
0x98: {  	s19 =	sld [smem:$0x3FDB];
	_ =	sdelay $0x1  }
0x99: {  	s4 =	simm.s32 $_scs_section_size  }
0x9a: {  	s5 =	simm.s32 $_size__tile_overlayer_lowered;
	s6 =	simm.s32 $_tile_overlayer_lowered  }
0x9b: {  	s22 =	simm.s32 $0x1BFF;
	s21 =	sshll.u32 s6, $0x1;
	s3 =	sadd.s32 s4, s19  }
0x9c: {  	s7 =	simm.s32 $0x0;
	s20 =	sshll.u32 s5, $0x1;
	s5 =	sadd.s32 s21, s3  }
0x9d: {  	[timem:s7], [sflag:s22] =	dma.local [hbm:s5], s20  }
0x9e: {  	_ =	swait.ge [sflag:s22], s20  }
0x9f: {  	s4 =	ssub.s32 $0x0, s20;
	[sflag:s22] =	ssyncset.done $0x0  }
0xa0: {  	[sflag:s22] =	ssyncadd.s32 s4;
	_ =	sdelay $0x1  }
0xa1: {  	s23 =	simm.s32 $0x1B8B  }
0xa2: {  	_ =	swait.ge [sflag:s23], $0x1  }
0xa3: {  	[sflag:s23] =	ssyncset.done $0x0  }
0xa4: {  	s25 =	simm.s32 $0x1B8E;
	s24 =	sld [smem:$0x3FFE];
	[sflag:s23] =	ssyncadd.s32 $0xFFFFFFFF  }
0xa5: {  	s26 =	simm.s32 $execute0_lowered;
	[smem:$0x3FD2] =	sst s25  }
0xa6: {  	s5 =	sshll.u32 s26, $0x1;
	_ =	strace $0x80000046;
	[dreg:$0x1] =	wrdreg $0xFFFFFFFF  }
0xa7: {  	s28 =	simm.s32 $_size_execute0_lowered;
	s3 =	sadd.s32 s3, s5;
	[dreg:$0x0] =	wrdreg $0x0  }
0xa8: {  	s5 =	sshll.u32 s28, $0x1;
	[dreg:$0x2] =	wrdreg s3  }
0xa9: {  	[dreg:$0x3] =	wrdreg s5  }
0xaa: {  	[dreg:$0x4] =	wrdreg $0xC0  }
0xab: {  	_ =	task [dreg:s7], $0x5FFFF  }
0xac: {  	[dreg:$0x1] =	wrdreg $0xFFFFFFFF  }
0xad: {  	[dreg:$0x0] =	wrdreg $0x60  }
0xae: {  	[dreg:$0x2] =	wrdreg s2  }
0xaf: {  	[dreg:$0x3] =	wrdreg s24  }
0xb0: {  	[dreg:$0x4] =	wrdreg $0x9  }
0xb1: {  	_ =	task.clear_ibuf [dreg:s7], $0x5FFFF;
	_ =	strace $0x90000046  }
0xb2: {  	s29 =	simm.s32 $0x9;
	_ =	strace $0x80000048  }
0xb3: {  	_ =	swait.ge [sflag:s29], $0x1  }
0xb4: {  	[sflag:s29] =	ssyncadd.s32 $0xFFFFFFFF  }
0xb5: {  	_ =	strace $0x90000048  }
0xb6: {  	_ =	sfence  }
0xb7: {  	s30 =	sld [smem:$0x0];
	_ =	sdelay $0x2  }
0xb8: {  	s31 =	sshll.u32 s1, $0xD;
	s1 =	sshrl.u32 s1, $0x2  }
0xb9: {  	s3 =	sand.u32 $0x4000, s31;
	s1 =	sadd.s32 s1, s30  }
0xba: {  	s0 =	sor.u32 s3, s0;
	s1 =	sshll.u32 s1, $0x11  }
0xbb: {  	s0 =	sor.u32 s1, s0  }
0xbc: {  	s0 =	sadd.s32 $0x8F2B, s0  }
0xbd: {  	[sflag:s0] =	ssyncadd.remote.s32 $0x1  }
0xbe: {  	_ =	sfence.sel $0xFFFF  }
0xbf: {  	[dreg:$0x0] =	wrdreg $0xFFFFFFFF;
	(pc) =	sbr.abs _section_cstart, $3  }
0xc0: {  	[dreg:$0x1] =	wrdreg $0xFFFFFFFF  }
0xc1: {  	_ =	task.clear_ibuf [dreg:s7], $0x2FFFF;
	_ =	strace $0x9FFFFFFF  }
0xc2: {  	(tm) =	ssettm $0x7FFFFFFF  }
0xc3: {  	_ =	shalt  }
tec
execute0_lowered:
.L_overlay_start_1:
0x0: {  	(tag) =	ssettag $0x1  }
0x1: {  	s2 =	srdreg.scid  }
0x2: {  	s3 =	rddreg [dreg:$0x0];
	s1 =	stileid.u32;
	s15 =	sand.u32 $0x1, s2  }
0x3: {  	s7 =	rddreg [dreg:$0x1];
	s4 =	sshll.u32 s1, $0x7;
	s5 =	sshll.u32 s15, $0x6  }
0x4: {  	s0 =	rddreg [dreg:$0x2];
	s2 =	simm.s32 $0x0;
	s12 =	sor.u32 s5, s4  }
0x5: {  	s6 =	sshll.u32 s1, $0xA;
	[smem:$0x7FF] =	sst s2;
	s4 =	sshll.u32 s12, $0x6  }
0x6: {  	_ =	strace $0x80000047;
	s3 =	sadd.s32 s3, s4;
	s4 =	simm.s32 $0x1  }
0x7: {  	[tilespmem:s2], [sflag:$0x1] =	stream.linear.gather [hbm4b:s3+s2], $0x8000, $0x38;
	[tilespmem:$0x8080] =	vst v63  }
0x8: {  	s5 =	sor.u32 s5, s6;
	_ =	swait.ge [sflag:s4], $0x8000  }
0x9: {  	s16 =	sadd.s32 $0x19400, s7;
	s5 =	sshrl.u32 s5, $0x3;
	[sflag:s4] =	ssyncset.done $0x0  }
0xa: {  	s6 =	simm.s32 $0x8000;
	s5 =	sadd.s32 s16, s5;
	[sflag:s4] =	ssyncadd.s32 $0xFFFF8000  }
0xb: {  	[tilespmem:s6], [sflag:$0x1] =	stream.linear.gather [hbm4b:s5+s2], $0x40, $0x38;
	[tilespmem:$0x8080] =	vst v63  }
0xc: {  	_ =	swait.ge [sflag:s4], $0x40  }
0xd: {  	[sflag:s4] =	ssyncset.done $0x0  }
0xe: {  	s8 =	simm.s32 $0x40;
	s7 =	sadd.s32 $0x19C00, s7;
	[sflag:s4] =	ssyncadd.s32 $0xFFFFFFC0  }
0xf: {  	[hbm4b:s7+s8] =	stream.indirect.scatter [tilespmem:s2], [sflag:$0x1], $0x200, s6, s8, $0xb8;
	[tilespmem:$0x8080] =	vst v63  }
0x10: {  	_ =	swait.ge [sflag:s4], $0x8000  }
0x11: {  	[sflag:s4] =	ssyncset.done $0x0  }
0x12: {  	s9 =	sadd.s32 $0x10, s5;
	[sflag:s4] =	ssyncadd.s32 $0xFFFF8000  }
0x13: {  	[tilespmem:s6], [sflag:$0x1] =	stream.linear.gather [hbm4b:s9+s2], $0x40, $0x38;
	[tilespmem:$0x8080] =	vst v63  }
0x14: {  	_ =	swait.ge [sflag:s4], $0x40  }
0x15: {  	[sflag:s4] =	ssyncset.done $0x0  }
0x16: {  	[sflag:s4] =	ssyncadd.s32 $0xFFFFFFC0  }
0x17: {  	[hbm4b:s7+s8] =	stream.indirect.scatter [tilespmem:s2], [sflag:$0x1], $0x200, s6, s8, $0xb8;
	[tilespmem:$0x8080] =	vst v63  }
0x18: {  	_ =	swait.ge [sflag:s4], $0x8000  }
0x19: {  	[sflag:s4] =	ssyncset.done $0x0  }
0x1a: {  	s10 =	sadd.s32 $0x20, s5;
	[sflag:s4] =	ssyncadd.s32 $0xFFFF8000  }
0x1b: {  	[tilespmem:s6], [sflag:$0x1] =	stream.linear.gather [hbm4b:s10+s2], $0x40, $0x38;
	[tilespmem:$0x8080] =	vst v63  }
0x1c: {  	_ =	swait.ge [sflag:s4], $0x40  }
0x1d: {  	[sflag:s4] =	ssyncset.done $0x0  }
0x1e: {  	[sflag:s4] =	ssyncadd.s32 $0xFFFFFFC0  }
0x1f: {  	[hbm4b:s7+s8] =	stream.indirect.scatter [tilespmem:s2], [sflag:$0x1], $0x200, s6, s8, $0xb8;
	[tilespmem:$0x8080] =	vst v63  }
0x20: {  	_ =	swait.ge [sflag:s4], $0x8000  }
0x21: {  	[sflag:s4] =	ssyncset.done $0x0  }
0x22: {  	s11 =	sadd.s32 $0x30, s5;
	[sflag:s4] =	ssyncadd.s32 $0xFFFF8000  }
0x23: {  	[tilespmem:s6], [sflag:$0x1] =	stream.linear.gather [hbm4b:s11+s2], $0x40, $0x38;
	[tilespmem:$0x8080] =	vst v63  }
0x24: {  	_ =	swait.ge [sflag:s4], $0x40  }
0x25: {  	[sflag:s4] =	ssyncset.done $0x0  }
0x26: {  	s13 =	sshll.u32 s15, $0x3;
	[sflag:s4] =	ssyncadd.s32 $0xFFFFFFC0  }
0x27: {  	[hbm4b:s7+s8] =	stream.indirect.scatter [tilespmem:s2], [sflag:$0x1], $0x200, s6, s8, $0xb8;
	[tilespmem:$0x8080] =	vst v63  }
0x28: {  	s17 =	sor.u32 s13, s12;
	_ =	swait.ge [sflag:s4], $0x8000  }
0x29: {  	s12 =	sor.u32 $0x40, s17;
	[sflag:s4] =	ssyncset.done $0x0  }
0x2a: {  	s12 =	sadd.s32 s16, s12;
	[sflag:s4] =	ssyncadd.s32 $0xFFFF8000  }
0x2b: {  	[tilespmem:s6], [sflag:$0x1] =	stream.linear.gather [hbm4b:s12+s2], $0x40, $0x38;
	[tilespmem:$0x8080] =	vst v63  }
0x2c: {  	_ =	swait.ge [sflag:s4], $0x40  }
0x2d: {  	[sflag:s4] =	ssyncset.done $0x0  }
0x2e: {  	[sflag:s4] =	ssyncadd.s32 $0xFFFFFFC0  }
0x2f: {  	[hbm4b:s7+s8] =	stream.indirect.scatter [tilespmem:s2], [sflag:$0x1], $0x200, s6, s8, $0xb8;
	[tilespmem:$0x8080] =	vst v63  }
0x30: {  	_ =	swait.ge [sflag:s4], $0x8000  }
0x31: {  	s13 =	sor.u32 $0x50, s17;
	[sflag:s4] =	ssyncset.done $0x0  }
0x32: {  	s13 =	sadd.s32 s16, s13;
	[sflag:s4] =	ssyncadd.s32 $0xFFFF8000  }
0x33: {  	[tilespmem:s6], [sflag:$0x1] =	stream.linear.gather [hbm4b:s13+s2], $0x40, $0x38;
	[tilespmem:$0x8080] =	vst v63  }
0x34: {  	_ =	swait.ge [sflag:s4], $0x40  }
0x35: {  	[sflag:s4] =	ssyncset.done $0x0  }
0x36: {  	[sflag:s4] =	ssyncadd.s32 $0xFFFFFFC0  }
0x37: {  	[hbm4b:s7+s8] =	stream.indirect.scatter [tilespmem:s2], [sflag:$0x1], $0x200, s6, s8, $0xb8;
	[tilespmem:$0x8080] =	vst v63  }
0x38: {  	_ =	swait.ge [sflag:s4], $0x8000  }
0x39: {  	s14 =	sor.u32 $0x60, s17;
	[sflag:s4] =	ssyncset.done $0x0  }
0x3a: {  	s14 =	sadd.s32 s16, s14;
	[sflag:s4] =	ssyncadd.s32 $0xFFFF8000  }
0x3b: {  	[tilespmem:s6], [sflag:$0x1] =	stream.linear.gather [hbm4b:s14+s2], $0x40, $0x38;
	[tilespmem:$0x8080] =	vst v63  }
0x3c: {  	_ =	swait.ge [sflag:s4], $0x40  }
0x3d: {  	[sflag:s4] =	ssyncset.done $0x0  }
0x3e: {  	s18 =	ssub.s32 $0x2, s15;
	[sflag:s4] =	ssyncadd.s32 $0xFFFFFFC0  }
0x3f: {  	[hbm4b:s7+s8] =	stream.indirect.scatter [tilespmem:s2], [sflag:$0x1], $0x200, s6, s8, $0xb8;
	[tilespmem:$0x8080] =	vst v63  }
0x40: {  	s31 =	sshrl.u32 s18, $0x1;
	s17 =	sor.u32 $0x70, s17;
	_ =	swait.ge [sflag:s4], $0x8000  }
0x41: {  	s15 =	sadd.s32 s16, s17;
	s16 =	ssub.s32 s18, s31;
	[sflag:s4] =	ssyncset.done $0x0  }
0x42: {  	s16 =	smax.u32 s16, $0x1;
	[sflag:s4] =	ssyncadd.s32 $0xFFFF8000  }
0x43: {  	[tilespmem:s6], [sflag:$0x1] =	stream.linear.gather [hbm4b:s15+s2], $0x40, $0x38;
	[tilespmem:$0x8080] =	vst v63  }
0x44: {  	p0 =	sne.s32 s16, $0x1;
	_ =	swait.ge [sflag:s4], $0x40  }
.Ltmp0:
0x45: {  	[sflag:s4] =	ssyncset.done $0x0;
	(pc) =	sbr.rel @!p0 .LBB2_2-.Ltmp0, $4  }
0x46: {  	[sflag:s4] =	ssyncadd.s32 $0xFFFFFFC0  }
0x47: {  	[hbm4b:s7+s8] =	stream.indirect.scatter [tilespmem:s2], [sflag:$0x1], $0x200, s6, s8, $0xb8;
	[tilespmem:$0x8080] =	vst v63  }
0x48: {  	_ =	swait.ge [sflag:s4], $0x8000  }
0x49: {  	s16 =	sadd.s32 $0xFFFFFFFF, s16;
	[sflag:s4] =	ssyncset.done $0x0  }
.LBB2_1:
0x4a: {  	p0 =	sne.s32 s16, $0x1;
	s16 =	sadd.s32 $0xFFFFFFFF, s16;
	[sflag:s4] =	ssyncadd.s32 $0xFFFF8000  }
0x4b: {  	[tilespmem:s2], [sflag:$0x1] =	stream.linear.gather [hbm4b:s3+s2], $0x8000, $0x38;
	[tilespmem:$0x8080] =	vst v63  }
0x4c: {  	_ =	swait.ge [sflag:s4], $0x8000  }
0x4d: {  	[sflag:s4] =	ssyncset.done $0x0  }
0x4e: {  	[sflag:s4] =	ssyncadd.s32 $0xFFFF8000  }
0x4f: {  	[tilespmem:s6], [sflag:$0x1] =	stream.linear.gather [hbm4b:s5+s2], $0x40, $0x38;
	[tilespmem:$0x8080] =	vst v63  }
0x50: {  	_ =	swait.ge [sflag:s4], $0x40  }
0x51: {  	[sflag:s4] =	ssyncset.done $0x0  }
0x52: {  	[sflag:s4] =	ssyncadd.s32 $0xFFFFFFC0  }
0x53: {  	[hbm4b:s7+s8] =	stream.indirect.scatter [tilespmem:s2], [sflag:$0x1], $0x200, s6, s8, $0xb8;
	[tilespmem:$0x8080] =	vst v63  }
0x54: {  	_ =	swait.ge [sflag:s4], $0x8000  }
0x55: {  	[sflag:s4] =	ssyncset.done $0x0  }
0x56: {  	[sflag:s4] =	ssyncadd.s32 $0xFFFF8000  }
0x57: {  	[tilespmem:s6], [sflag:$0x1] =	stream.linear.gather [hbm4b:s9+s2], $0x40, $0x38;
	[tilespmem:$0x8080] =	vst v63  }
0x58: {  	_ =	swait.ge [sflag:s4], $0x40  }
0x59: {  	[sflag:s4] =	ssyncset.done $0x0  }
0x5a: {  	[sflag:s4] =	ssyncadd.s32 $0xFFFFFFC0  }
0x5b: {  	[hbm4b:s7+s8] =	stream.indirect.scatter [tilespmem:s2], [sflag:$0x1], $0x200, s6, s8, $0xb8;
	[tilespmem:$0x8080] =	vst v63  }
0x5c: {  	_ =	swait.ge [sflag:s4], $0x8000  }
0x5d: {  	[sflag:s4] =	ssyncset.done $0x0  }
0x5e: {  	[sflag:s4] =	ssyncadd.s32 $0xFFFF8000  }
0x5f: {  	[tilespmem:s6], [sflag:$0x1] =	stream.linear.gather [hbm4b:s10+s2], $0x40, $0x38;
	[tilespmem:$0x8080] =	vst v63  }
0x60: {  	_ =	swait.ge [sflag:s4], $0x40  }
0x61: {  	[sflag:s4] =	ssyncset.done $0x0  }
0x62: {  	[sflag:s4] =	ssyncadd.s32 $0xFFFFFFC0  }
0x63: {  	[hbm4b:s7+s8] =	stream.indirect.scatter [tilespmem:s2], [sflag:$0x1], $0x200, s6, s8, $0xb8;
	[tilespmem:$0x8080] =	vst v63  }
0x64: {  	_ =	swait.ge [sflag:s4], $0x8000  }
0x65: {  	[sflag:s4] =	ssyncset.done $0x0  }
0x66: {  	[sflag:s4] =	ssyncadd.s32 $0xFFFF8000  }
0x67: {  	[tilespmem:s6], [sflag:$0x1] =	stream.linear.gather [hbm4b:s11+s2], $0x40, $0x38;
	[tilespmem:$0x8080] =	vst v63  }
0x68: {  	_ =	swait.ge [sflag:s4], $0x40  }
0x69: {  	[sflag:s4] =	ssyncset.done $0x0  }
0x6a: {  	[sflag:s4] =	ssyncadd.s32 $0xFFFFFFC0  }
0x6b: {  	[hbm4b:s7+s8] =	stream.indirect.scatter [tilespmem:s2], [sflag:$0x1], $0x200, s6, s8, $0xb8;
	[tilespmem:$0x8080] =	vst v63  }
0x6c: {  	_ =	swait.ge [sflag:s4], $0x8000  }
0x6d: {  	[sflag:s4] =	ssyncset.done $0x0  }
0x6e: {  	[sflag:s4] =	ssyncadd.s32 $0xFFFF8000  }
0x6f: {  	[tilespmem:s6], [sflag:$0x1] =	stream.linear.gather [hbm4b:s12+s2], $0x40, $0x38;
	[tilespmem:$0x8080] =	vst v63  }
0x70: {  	_ =	swait.ge [sflag:s4], $0x40  }
0x71: {  	[sflag:s4] =	ssyncset.done $0x0  }
0x72: {  	[sflag:s4] =	ssyncadd.s32 $0xFFFFFFC0  }
0x73: {  	[hbm4b:s7+s8] =	stream.indirect.scatter [tilespmem:s2], [sflag:$0x1], $0x200, s6, s8, $0xb8;
	[tilespmem:$0x8080] =	vst v63  }
0x74: {  	_ =	swait.ge [sflag:s4], $0x8000  }
0x75: {  	[sflag:s4] =	ssyncset.done $0x0  }
0x76: {  	[sflag:s4] =	ssyncadd.s32 $0xFFFF8000  }
0x77: {  	[tilespmem:s6], [sflag:$0x1] =	stream.linear.gather [hbm4b:s13+s2], $0x40, $0x38;
	[tilespmem:$0x8080] =	vst v63  }
0x78: {  	_ =	swait.ge [sflag:s4], $0x40  }
0x79: {  	[sflag:s4] =	ssyncset.done $0x0  }
0x7a: {  	[sflag:s4] =	ssyncadd.s32 $0xFFFFFFC0  }
0x7b: {  	[hbm4b:s7+s8] =	stream.indirect.scatter [tilespmem:s2], [sflag:$0x1], $0x200, s6, s8, $0xb8;
	[tilespmem:$0x8080] =	vst v63  }
0x7c: {  	_ =	swait.ge [sflag:s4], $0x8000  }
0x7d: {  	[sflag:s4] =	ssyncset.done $0x0  }
0x7e: {  	[sflag:s4] =	ssyncadd.s32 $0xFFFF8000  }
0x7f: {  	[tilespmem:s6], [sflag:$0x1] =	stream.linear.gather [hbm4b:s14+s2], $0x40, $0x38;
	[tilespmem:$0x8080] =	vst v63  }
0x80: {  	_ =	swait.ge [sflag:s4], $0x40  }
0x81: {  	[sflag:s4] =	ssyncset.done $0x0  }
0x82: {  	[sflag:s4] =	ssyncadd.s32 $0xFFFFFFC0  }
0x83: {  	[hbm4b:s7+s8] =	stream.indirect.scatter [tilespmem:s2], [sflag:$0x1], $0x200, s6, s8, $0xb8;
	[tilespmem:$0x8080] =	vst v63  }
0x84: {  	_ =	swait.ge [sflag:s4], $0x8000  }
0x85: {  	[sflag:s4] =	ssyncset.done $0x0  }
0x86: {  	[sflag:s4] =	ssyncadd.s32 $0xFFFF8000  }
0x87: {  	[tilespmem:s6], [sflag:$0x1] =	stream.linear.gather [hbm4b:s15+s2], $0x40, $0x38;
	[tilespmem:$0x8080] =	vst v63  }
0x88: {  	_ =	swait.ge [sflag:s4], $0x40  }
.Ltmp1:
0x89: {  	[sflag:s4] =	ssyncset.done $0x0;
	(pc) =	sbr.rel @p0 .LBB2_1-.Ltmp1, $4  }
0x8a: {  	[sflag:s4] =	ssyncadd.s32 $0xFFFFFFC0  }
0x8b: {  	[hbm4b:s7+s8] =	stream.indirect.scatter [tilespmem:s2], [sflag:$0x1], $0x200, s6, s8, $0xb8;
	[tilespmem:$0x8080] =	vst v63  }
0x8c: {  	_ =	swait.ge [sflag:s4], $0x8000  }
0x8d: {  	[sflag:s4] =	ssyncset.done $0x0  }
.LBB2_2:
0x8e: {  	[sflag:s4] =	ssyncadd.s32 $0xFFFF8000  }
0x8f: {  	_ =	sfence.sel $0x180000  }
0x90: {  	[bflag:$0x0] =	sbarrier.arrive $0xFFFF  }
0x91: {  	p0 =	sne.s32 s1, $0x0;
	_ =	strace $0x90000047  }
0x92: {  	s0 =	sadd.s32 @!p0 $0x100000, s0;
	[bflag:$0x2] =	sbarrier.arrive $0xFFFF  }
0x93: {  	[sflag:s0] =	ssyncadd.tile.s32 @!p0 $0x1;
	_ =	shalt  }
.Lfunc_end2:
_tile_overlayer_lowered:
.L_overlay_start_2:
0x94: {  	(tag) =	ssettag $0x2  }
0x95: {  	s0 =	rddreg [dreg:$0x0];
	s2 =	stileid.u32  }
0x96: {  	s1 =	rddreg [dreg:$0x1];
	p0 =	sne.s32 s2, $0x0  }
0x97: {  	s3 =	rddreg [dreg:$0x2];
	[bflag:$0x3] =	sbarrier.arrive $0xFFFF;
	s2 =	simm.s32 @!p0 $0x1C01  }
0x98: {  	[timem:s3], [sflag:s2] =	dma.local @!p0 [hbm:s0], s1  }
0x99: {  	s0 =	simm.s32 @!p0 $0x1  }
0x9a: {  	_ =	swait.ge @!p0 [sflag:s0], s1  }
0x9b: {  	s1 =	ssub.s32 @!p0 $0x0, s1;
	[sflag:s0] =	ssyncset.done @!p0 $0x0  }
0x9c: {  	[sflag:s0] =	ssyncadd.s32 @!p0 s1  }
0x9d: {  	[bflag:$0x3] =	sbarrier.arrive $0xFFFF  }
0x9e: {  	_ =	shalt  }

// kernel: kernel.9.cloned.1.call-start
scs
__scs_entry_jumppad:
0x0: {  	(pc) =	sbr.rel $0x88, $3  }
0x1: {  	(tag) =	ssettag $0x0;
	lr =	simm.s32 $0x1  }
0x2: {  	[smem:$0x3F9A] =	sst lr;
	_ =	strace $0xD0000000  }
0x3: {  	_ = 	snop  }
0x4: {  	_ = 	snop  }
0x5: {  	_ = 	snop  }
0x6: {  	_ = 	snop  }
0x7: {  	_ = 	snop  }
__scs_overlays_trampoline_lowered:
0x8: {  	[smem:$0x3FA9] =	sst s0  }
0x9: {  	[smem:$0x3FAA] =	sst s1  }
0xa: {  	[smem:$0x3FAB] =	sst s2  }
0xb: {  	[smem:$0x3FAC] =	sst s3  }
0xc: {  	[smem:$0x3FAD] =	sst s4  }
0xd: {  	[smem:$0x3FAE] =	sst s5  }
0xe: {  	[smem:$0x3FAF] =	sst s6  }
0xf: {  	[smem:$0x3FB0] =	sst s7  }
0x10: {  	[smem:$0x3FB1] =	sst s8  }
0x11: {  	[smem:$0x3FB2] =	sst s9;
	s0 =	simm.s32 @!p0 $0x0  }
0x12: {  	s1 =	sld [smem:$0x3F98];
	s0 =	simm.s32 @p0 $0x1  }
0x13: {  	[smem:$0x3FB3] =	sst s0;
	s0 =	simm.s32 @!p1 $0x0  }
0x14: {  	s2 =	sld [smem:$0x3F97];
	s0 =	simm.s32 @p1 $0x1  }
0x15: {  	[smem:$0x3FB4] =	sst s0;
	s0 =	simm.s32 @!p2 $0x0  }
0x16: {  	s3 =	sld [smem:$0x3FDB];
	s0 =	simm.s32 @p2 $0x1  }
0x17: {  	s4 =	simm.s32 $0x1BF5;
	[smem:$0x3FB6] =	sst s0  }
0x18: {  	s0 =	sld [smem:$0x3F99];
	_ =	swait.ge [sflag:s4], $0x0  }
0x19: {  	s7 =	sld [smem:$0x3F9A]  }
0x1a: {  	s8 =	sadd.s32 $0xFFFFE003, lr  }
0x1b: {  	s9 =	sadd.s32 $0xFFFFFEF7, lr;
	s5 =	simm.s32 $0xFFFFFFFF;
	p2 =	slt.u32 s8, $0xFFFFF086  }
0x1c: {  	p1 =	slt.u32 s9, $0xF7A;
	s5 =	simm.s32 @!p2 $0x0  }
0x1d: {  	s5 =	simm.s32 @p1 $0x1;
	p0 =	seq.s32 s7, s2  }
0x1e: {  	s7 =	smul.u32 @!p0 $0xF7A, s2;
	p2 =	seq.s32 @!p0 s5, $0x0  }
0x1f: {  	s9 =	smul.u32 $0xF7A, s1;
	s8 =	simm.s32 @!p0 $0x1BF5;
	p2 =	por !p2, p0  }
0x20: {  	[sflag:s8] =	ssyncset.s32 @!p0 $0xFFFFF086;
	s6 =	sadd.s32 @!p0 s3, s7;
	s7 =	simm.s32 @!p0 $0x108  }
0x21: {  	s3 =	sadd.s32 s3, s9;
	s6 =	sadd.s32 @!p0 $0x88, s6;
	s7 =	simm.s32 @p2 $0x1082  }
0x22: {  	[simem:s7], [sflag:s8] =	dma.local @!p0 [hbm:s6], $0xF7A  }
0x23: {  	s9 =	sor.u32 $0xD0000000, s2;
	s6 =	simm.s32 $0x108;
	_ =	swait.ge @!p0 [sflag:s8], $0x0  }
0x24: {  	s3 =	sadd.s32 $0x88, s3;
	s6 =	simm.s32 @!p1 $0x1082;
	[sflag:s4] =	ssyncset.s32 $0xFFFFF086  }
0x25: {  	[simem:s6], [sflag:s4] =	dma.local [hbm:s3], $0xF7A  }
0x26: {  	[smem:$0x3F9A] =	sst s1;
	(tag) =	ssettag s2;
	_ =	strace s9  }
0x27: {  	s1 =	sld [smem:$0x3FAA]  }
0x28: {  	s2 =	sld [smem:$0x3FAB]  }
0x29: {  	s4 =	sld [smem:$0x3FAD]  }
0x2a: {  	p0 =	seq.s32 s5, $0x0;
	s5 =	sld [smem:$0x3FAE]  }
0x2b: {  	s6 =	sld [smem:$0x3FAF]  }
0x2c: {  	s7 =	sld [smem:$0x3FB0]  }
0x2d: {  	s3 =	simm.s32 $0x108;
	s8 =	sld [smem:$0x3FB1]  }
0x2e: {  	s3 =	simm.s32 @!p0 $0x1082;
	s9 =	sld [smem:$0x3FB2]  }
0x2f: {  	lr =	sadd.s32 s0, s3;
	s0 =	sld [smem:$0x3FA9]  }
0x30: {  	s3 =	sld [smem:$0x3FAC]  }
0x31: {  	[smem:$0x3FB5] =	sst s10  }
0x32: {  	s10 =	sld [smem:$0x3FB3];
	_ =	sdelay $0x3  }
0x33: {  	p0 =	seq.s32 s10, $0x1;
	s10 =	sld [smem:$0x3FB5];
	_ =	sdelay $0x3  }
0x34: {  	[smem:$0x3FB5] =	sst s10  }
0x35: {  	s10 =	sld [smem:$0x3FB4];
	_ =	sdelay $0x3  }
0x36: {  	p1 =	seq.s32 s10, $0x1;
	s10 =	sld [smem:$0x3FB5];
	_ =	sdelay $0x3  }
0x37: {  	[smem:$0x3FB5] =	sst s10  }
0x38: {  	s10 =	sld [smem:$0x3FB6]  }
0x39: {  	_ = 	snop;
	(pc) =	sbr.ind lr, $3  }
0x3a: {  	_ = 	snop  }
0x3b: {  	_ = 	snop  }
0x3c: {  	p2 =	seq.s32 s10, $0x1;
	s10 =	sld [smem:$0x3FB5]  }
0x3d: {  	_ =	shalt  }
0x3e: {  	_ =	shalt  }
0x3f: {  	_ =	shalt  }
0x40: {  	_ =	shalt  }
0x41: {  	_ =	shalt  }
0x42: {  	_ =	shalt  }
0x43: {  	_ =	shalt  }
0x44: {  	_ =	shalt  }
0x45: {  	_ =	shalt  }
0x46: {  	_ =	shalt  }
0x47: {  	_ =	shalt  }
0x48: {  	_ =	shalt  }
0x49: {  	_ =	shalt  }
0x4a: {  	_ =	shalt  }
0x4b: {  	_ =	shalt  }
0x4c: {  	_ =	shalt  }
0x4d: {  	_ =	shalt  }
0x4e: {  	_ =	shalt  }
0x4f: {  	_ =	shalt  }
0x50: {  	_ =	shalt  }
0x51: {  	_ =	shalt  }
0x52: {  	_ =	shalt  }
0x53: {  	_ =	shalt  }
0x54: {  	_ =	shalt  }
0x55: {  	_ =	shalt  }
0x56: {  	_ =	shalt  }
0x57: {  	_ =	shalt  }
0x58: {  	_ =	shalt  }
0x59: {  	_ =	shalt  }
0x5a: {  	_ =	shalt  }
0x5b: {  	_ =	shalt  }
0x5c: {  	_ =	shalt  }
0x5d: {  	_ =	shalt  }
0x5e: {  	_ =	shalt  }
0x5f: {  	_ =	shalt  }
0x60: {  	_ =	shalt  }
0x61: {  	_ =	shalt  }
0x62: {  	_ =	shalt  }
0x63: {  	_ =	shalt  }
0x64: {  	_ =	shalt  }
0x65: {  	_ =	shalt  }
0x66: {  	_ =	shalt  }
0x67: {  	_ =	shalt  }
0x68: {  	_ =	shalt  }
0x69: {  	_ =	shalt  }
0x6a: {  	_ =	shalt  }
0x6b: {  	_ =	shalt  }
0x6c: {  	_ =	shalt  }
0x6d: {  	_ =	shalt  }
0x6e: {  	_ =	shalt  }
0x6f: {  	_ =	shalt  }
0x70: {  	_ =	shalt  }
0x71: {  	_ =	shalt  }
0x72: {  	_ =	shalt  }
0x73: {  	_ =	shalt  }
0x74: {  	_ =	shalt  }
0x75: {  	_ =	shalt  }
0x76: {  	_ =	shalt  }
0x77: {  	_ =	shalt  }
0x78: {  	_ =	shalt  }
0x79: {  	_ =	shalt  }
0x7a: {  	_ =	shalt  }
0x7b: {  	_ =	shalt  }
0x7c: {  	_ =	shalt  }
0x7d: {  	_ =	shalt  }
0x7e: {  	_ =	shalt  }
0x7f: {  	_ =	shalt  }
0x80: {  	_ =	shalt  }
0x81: {  	_ =	shalt  }
0x82: {  	_ =	shalt  }
0x83: {  	_ =	shalt  }
0x84: {  	_ =	shalt  }
0x85: {  	_ =	shalt  }
0x86: {  	_ =	shalt  }
0x87: {  	_ =	shalt  }
.Lfunc_end0:
.L_simem_size_0:
called_computation.6_lowered:
.L_overlay_start_0:
0x88: {  	s2 =	sld [smem:$0x3FD9]  }
0x89: {  	s3 =	sld [smem:$0x3FFE];
	_ =	sdelay $0x1  }
0x8a: {  	s1 =	srdreg.scid  }
0x8b: {  	s0 =	sand.u32 $0x1, s1  }
0x8c: {  	s17 =	sshll.u32 s0, $0xA;
	s2 =	sadd.s32 s3, s2  }
0x8d: {  	s2 =	sadd.s32 s2, s17  }
0x8e: {  	[smem:$0x3FC1] =	sst s2  }
0x8f: {  	_ = 	snop  }
0x90: {  	s2 =	sld [smem:$0x3FD0];
	(tm) =	ssettm $0x1  }
0x91: {  	s18 =	sld [smem:$0x3FFB];
	_ =	sdelay $0x3  }
0x92: {  	_ =	strace s18  }
0x93: {  	s3 =	sld [smem:$0x3FFC];
	_ =	sdelay $0x3  }
0x94: {  	_ =	strace s3  }
0x95: {  	s3 =	sld [smem:$0x3FFD];
	_ =	sdelay $0x3  }
0x96: {  	_ =	strace s3  }
0x97: {  	_ =	strace $0x8FFFFFFF  }
0x98: {  	s19 =	sld [smem:$0x3FDB];
	_ =	sdelay $0x1  }
0x99: {  	s4 =	simm.s32 $_scs_section_size  }
0x9a: {  	s5 =	simm.s32 $_size__tile_overlayer_lowered;
	s6 =	simm.s32 $_tile_overlayer_lowered  }
0x9b: {  	s22 =	simm.s32 $0x1BFF;
	s21 =	sshll.u32 s6, $0x1;
	s3 =	sadd.s32 s4, s19  }
0x9c: {  	s7 =	simm.s32 $0x0;
	s20 =	sshll.u32 s5, $0x1;
	s5 =	sadd.s32 s21, s3  }
0x9d: {  	[timem:s7], [sflag:s22] =	dma.local [hbm:s5], s20  }
0x9e: {  	_ =	swait.ge [sflag:s22], s20  }
0x9f: {  	s4 =	ssub.s32 $0x0, s20;
	[sflag:s22] =	ssyncset.done $0x0  }
0xa0: {  	[sflag:s22] =	ssyncadd.s32 s4;
	_ =	sdelay $0x1  }
0xa1: {  	s23 =	simm.s32 $0x1B8B  }
0xa2: {  	_ =	swait.ge [sflag:s23], $0x1  }
0xa3: {  	[sflag:s23] =	ssyncset.done $0x0  }
0xa4: {  	s25 =	simm.s32 $0x1B8E;
	s24 =	sld [smem:$0x3FFE];
	[sflag:s23] =	ssyncadd.s32 $0xFFFFFFFF  }
0xa5: {  	s26 =	simm.s32 $execute0_lowered;
	[smem:$0x3FD2] =	sst s25  }
0xa6: {  	s5 =	sshll.u32 s26, $0x1;
	_ =	strace $0x80000052;
	[dreg:$0x1] =	wrdreg $0xFFFFFFFF  }
0xa7: {  	s28 =	simm.s32 $_size_execute0_lowered;
	s3 =	sadd.s32 s3, s5;
	[dreg:$0x0] =	wrdreg $0x0  }
0xa8: {  	s5 =	sshll.u32 s28, $0x1;
	[dreg:$0x2] =	wrdreg s3  }
0xa9: {  	[dreg:$0x3] =	wrdreg s5  }
0xaa: {  	[dreg:$0x4] =	wrdreg $0xC0  }
0xab: {  	_ =	task [dreg:s7], $0x5FFFF  }
0xac: {  	[dreg:$0x1] =	wrdreg $0xFFFFFFFF  }
0xad: {  	[dreg:$0x0] =	wrdreg $0x60  }
0xae: {  	[dreg:$0x2] =	wrdreg s24  }
0xaf: {  	[dreg:$0x3] =	wrdreg s2  }
0xb0: {  	[dreg:$0x4] =	wrdreg $0x9  }
0xb1: {  	_ =	task.clear_ibuf [dreg:s7], $0x5FFFF;
	_ =	strace $0x90000052  }
0xb2: {  	s29 =	simm.s32 $0x9;
	_ =	strace $0x80000054  }
0xb3: {  	_ =	swait.ge [sflag:s29], $0x1  }
0xb4: {  	[sflag:s29] =	ssyncadd.s32 $0xFFFFFFFF  }
0xb5: {  	_ =	strace $0x90000054  }
0xb6: {  	_ =	sfence  }
0xb7: {  	s30 =	sld [smem:$0x0];
	_ =	sdelay $0x2  }
0xb8: {  	s31 =	sshll.u32 s1, $0xD;
	s1 =	sshrl.u32 s1, $0x2  }
0xb9: {  	s3 =	sand.u32 $0x4000, s31;
	s1 =	sadd.s32 s1, s30  }
0xba: {  	s0 =	sor.u32 s3, s0;
	s1 =	sshll.u32 s1, $0x11  }
0xbb: {  	s0 =	sor.u32 s1, s0  }
0xbc: {  	s0 =	sadd.s32 $0x8F2B, s0  }
0xbd: {  	[sflag:s0] =	ssyncadd.remote.s32 $0x1  }
0xbe: {  	_ =	sfence.sel $0xFFFF  }
0xbf: {  	[dreg:$0x0] =	wrdreg $0xFFFFFFFF;
	(pc) =	sbr.abs _section_cstart, $3  }
0xc0: {  	[dreg:$0x1] =	wrdreg $0xFFFFFFFF  }
0xc1: {  	_ =	task.clear_ibuf [dreg:s7], $0x2FFFF;
	_ =	strace $0x9FFFFFFF  }
0xc2: {  	(tm) =	ssettm $0x7FFFFFFF  }
0xc3: {  	_ =	shalt  }
tec
execute0_lowered:
.L_overlay_start_1:
0x0: {  	(tag) =	ssettag $0x1  }
0x1: {  	s2 =	srdreg.scid  }
0x2: {  	s8 =	rddreg [dreg:$0x0];
	s1 =	stileid.u32;
	s22 =	sand.u32 $0x1, s2  }
0x3: {  	s21 =	rddreg [dreg:$0x1];
	s3 =	sshll.u32 s1, $0xA;
	s7 =	sshll.u32 s22, $0x6  }
0x4: {  	s0 =	rddreg [dreg:$0x2];
	s2 =	simm.s32 $0x0;
	s3 =	sor.u32 s7, s3  }
0x5: {  	s5 =	simm.s32 $0x8000;
	[smem:$0x7FF] =	sst s2;
	s3 =	sshrl.u32 s3, $0x3  }
0x6: {  	s4 =	simm.s32 $0x1;
	_ =	strace $0x80000053;
	s3 =	sadd.s32 s21, s3  }
0x7: {  	[tilespmem:s5], [sflag:$0x1] =	stream.linear.gather [hbm4b:s3+s2], $0x40, $0x38;
	[tilespmem:$0x8080] =	vst v63  }
0x8: {  	_ =	swait.ge [sflag:s4], $0x40  }
0x9: {  	s6 =	sadd.s32 $0x109600, s8;
	s9 =	sshll.u32 s1, $0x7;
	[sflag:s4] =	ssyncset.done $0x0  }
0xa: {  	s15 =	sor.u32 s7, s9;
	s7 =	simm.s32 $0x40;
	[sflag:s4] =	ssyncadd.s32 $0xFFFFFFC0  }
0xb: {  	[tilespmem:s2], [sflag:$0x1] =	stream.indirect.gather [hbm4b:s6+s7], $0x200, s5, s7, $0xb8;
	[tilespmem:$0x8080] =	vst v63  }
0xc: {  	s9 =	sshll.u32 s15, $0x6;
	_ =	swait.ge [sflag:s4], $0x8000  }
0xd: {  	s23 =	sadd.s32 s9, s8;
	[sflag:s4] =	ssyncset.done $0x0  }
0xe: {  	s8 =	sadd.s32 $0x9600, s23;
	[sflag:s4] =	ssyncadd.s32 $0xFFFF8000  }
0xf: {  	[hbm4b:s8+s2] =	stream.linear.scatter [tilespmem:s2], [sflag:$0x1], $0x8000, $0x38;
	[tilespmem:$0x8080] =	vst v63  }
0x10: {  	_ =	swait.ge [sflag:s4], $0x8000  }
0x11: {  	[sflag:s4] =	ssyncset.done $0x0  }
0x12: {  	s9 =	sadd.s32 $0x10, s3;
	[sflag:s4] =	ssyncadd.s32 $0xFFFF8000  }
0x13: {  	[tilespmem:s5], [sflag:$0x1] =	stream.linear.gather [hbm4b:s9+s2], $0x40, $0x38;
	[tilespmem:$0x8080] =	vst v63  }
0x14: {  	_ =	swait.ge [sflag:s4], $0x40  }
0x15: {  	[sflag:s4] =	ssyncset.done $0x0  }
0x16: {  	[sflag:s4] =	ssyncadd.s32 $0xFFFFFFC0  }
0x17: {  	[tilespmem:s2], [sflag:$0x1] =	stream.indirect.gather [hbm4b:s6+s7], $0x200, s5, s7, $0xb8;
	[tilespmem:$0x8080] =	vst v63  }
0x18: {  	_ =	swait.ge [sflag:s4], $0x8000  }
0x19: {  	[sflag:s4] =	ssyncset.done $0x0  }
0x1a: {  	s10 =	sadd.s32 $0x29600, s23;
	[sflag:s4] =	ssyncadd.s32 $0xFFFF8000  }
0x1b: {  	[hbm4b:s10+s2] =	stream.linear.scatter [tilespmem:s2], [sflag:$0x1], $0x8000, $0x38;
	[tilespmem:$0x8080] =	vst v63  }
0x1c: {  	_ =	swait.ge [sflag:s4], $0x8000  }
0x1d: {  	[sflag:s4] =	ssyncset.done $0x0  }
0x1e: {  	s11 =	sadd.s32 $0x20, s3;
	[sflag:s4] =	ssyncadd.s32 $0xFFFF8000  }
0x1f: {  	[tilespmem:s5], [sflag:$0x1] =	stream.linear.gather [hbm4b:s11+s2], $0x40, $0x38;
	[tilespmem:$0x8080] =	vst v63  }
0x20: {  	_ =	swait.ge [sflag:s4], $0x40  }
0x21: {  	[sflag:s4] =	ssyncset.done $0x0  }
0x22: {  	[sflag:s4] =	ssyncadd.s32 $0xFFFFFFC0  }
0x23: {  	[tilespmem:s2], [sflag:$0x1] =	stream.indirect.gather [hbm4b:s6+s7], $0x200, s5, s7, $0xb8;
	[tilespmem:$0x8080] =	vst v63  }
0x24: {  	_ =	swait.ge [sflag:s4], $0x8000  }
0x25: {  	[sflag:s4] =	ssyncset.done $0x0  }
0x26: {  	s12 =	sadd.s32 $0x49600, s23;
	[sflag:s4] =	ssyncadd.s32 $0xFFFF8000  }
0x27: {  	[hbm4b:s12+s2] =	stream.linear.scatter [tilespmem:s2], [sflag:$0x1], $0x8000, $0x38;
	[tilespmem:$0x8080] =	vst v63  }
0x28: {  	_ =	swait.ge [sflag:s4], $0x8000  }
0x29: {  	[sflag:s4] =	ssyncset.done $0x0  }
0x2a: {  	s13 =	sadd.s32 $0x30, s3;
	[sflag:s4] =	ssyncadd.s32 $0xFFFF8000  }
0x2b: {  	[tilespmem:s5], [sflag:$0x1] =	stream.linear.gather [hbm4b:s13+s2], $0x40, $0x38;
	[tilespmem:$0x8080] =	vst v63  }
0x2c: {  	_ =	swait.ge [sflag:s4], $0x40  }
0x2d: {  	[sflag:s4] =	ssyncset.done $0x0  }
0x2e: {  	[sflag:s4] =	ssyncadd.s32 $0xFFFFFFC0  }
0x2f: {  	[tilespmem:s2], [sflag:$0x1] =	stream.indirect.gather [hbm4b:s6+s7], $0x200, s5, s7, $0xb8;
	[tilespmem:$0x8080] =	vst v63  }
0x30: {  	_ =	swait.ge [sflag:s4], $0x8000  }
0x31: {  	[sflag:s4] =	ssyncset.done $0x0  }
0x32: {  	s16 =	sshll.u32 s22, $0x3;
	s14 =	sadd.s32 $0x69600, s23;
	[sflag:s4] =	ssyncadd.s32 $0xFFFF8000  }
0x33: {  	[hbm4b:s14+s2] =	stream.linear.scatter [tilespmem:s2], [sflag:$0x1], $0x8000, $0x38;
	[tilespmem:$0x8080] =	vst v63  }
0x34: {  	s24 =	sor.u32 s16, s15;
	_ =	swait.ge [sflag:s4], $0x8000  }
0x35: {  	s15 =	sor.u32 $0x40, s24;
	[sflag:s4] =	ssyncset.done $0x0  }
0x36: {  	s15 =	sadd.s32 s21, s15;
	[sflag:s4] =	ssyncadd.s32 $0xFFFF8000  }
0x37: {  	[tilespmem:s5], [sflag:$0x1] =	stream.linear.gather [hbm4b:s15+s2], $0x40, $0x38;
	[tilespmem:$0x8080] =	vst v63  }
0x38: {  	_ =	swait.ge [sflag:s4], $0x40  }
0x39: {  	[sflag:s4] =	ssyncset.done $0x0  }
0x3a: {  	[sflag:s4] =	ssyncadd.s32 $0xFFFFFFC0  }
0x3b: {  	[tilespmem:s2], [sflag:$0x1] =	stream.indirect.gather [hbm4b:s6+s7], $0x200, s5, s7, $0xb8;
	[tilespmem:$0x8080] =	vst v63  }
0x3c: {  	_ =	swait.ge [sflag:s4], $0x8000  }
0x3d: {  	[sflag:s4] =	ssyncset.done $0x0  }
0x3e: {  	s16 =	sadd.s32 $0x89600, s23;
	[sflag:s4] =	ssyncadd.s32 $0xFFFF8000  }
0x3f: {  	[hbm4b:s16+s2] =	stream.linear.scatter [tilespmem:s2], [sflag:$0x1], $0x8000, $0x38;
	[tilespmem:$0x8080] =	vst v63  }
0x40: {  	_ =	swait.ge [sflag:s4], $0x8000  }
0x41: {  	s17 =	sor.u32 $0x50, s24;
	[sflag:s4] =	ssyncset.done $0x0  }
0x42: {  	s17 =	sadd.s32 s21, s17;
	[sflag:s4] =	ssyncadd.s32 $0xFFFF8000  }
0x43: {  	[tilespmem:s5], [sflag:$0x1] =	stream.linear.gather [hbm4b:s17+s2], $0x40, $0x38;
	[tilespmem:$0x8080] =	vst v63  }
0x44: {  	_ =	swait.ge [sflag:s4], $0x40  }
0x45: {  	[sflag:s4] =	ssyncset.done $0x0  }
0x46: {  	[sflag:s4] =	ssyncadd.s32 $0xFFFFFFC0  }
0x47: {  	[tilespmem:s2], [sflag:$0x1] =	stream.indirect.gather [hbm4b:s6+s7], $0x200, s5, s7, $0xb8;
	[tilespmem:$0x8080] =	vst v63  }
0x48: {  	_ =	swait.ge [sflag:s4], $0x8000  }
0x49: {  	[sflag:s4] =	ssyncset.done $0x0  }
0x4a: {  	s18 =	sadd.s32 $0xA9600, s23;
	[sflag:s4] =	ssyncadd.s32 $0xFFFF8000  }
0x4b: {  	[hbm4b:s18+s2] =	stream.linear.scatter [tilespmem:s2], [sflag:$0x1], $0x8000, $0x38;
	[tilespmem:$0x8080] =	vst v63  }
0x4c: {  	_ =	swait.ge [sflag:s4], $0x8000  }
0x4d: {  	s19 =	sor.u32 $0x60, s24;
	[sflag:s4] =	ssyncset.done $0x0  }
0x4e: {  	s19 =	sadd.s32 s21, s19;
	[sflag:s4] =	ssyncadd.s32 $0xFFFF8000  }
0x4f: {  	[tilespmem:s5], [sflag:$0x1] =	stream.linear.gather [hbm4b:s19+s2], $0x40, $0x38;
	[tilespmem:$0x8080] =	vst v63  }
0x50: {  	_ =	swait.ge [sflag:s4], $0x40  }
0x51: {  	[sflag:s4] =	ssyncset.done $0x0  }
0x52: {  	[sflag:s4] =	ssyncadd.s32 $0xFFFFFFC0  }
0x53: {  	[tilespmem:s2], [sflag:$0x1] =	stream.indirect.gather [hbm4b:s6+s7], $0x200, s5, s7, $0xb8;
	[tilespmem:$0x8080] =	vst v63  }
0x54: {  	_ =	swait.ge [sflag:s4], $0x8000  }
0x55: {  	[sflag:s4] =	ssyncset.done $0x0  }
0x56: {  	s20 =	sadd.s32 $0xC9600, s23;
	[sflag:s4] =	ssyncadd.s32 $0xFFFF8000  }
0x57: {  	[hbm4b:s20+s2] =	stream.linear.scatter [tilespmem:s2], [sflag:$0x1], $0x8000, $0x38;
	[tilespmem:$0x8080] =	vst v63  }
0x58: {  	_ =	swait.ge [sflag:s4], $0x8000  }
0x59: {  	s24 =	sor.u32 $0x70, s24;
	[sflag:s4] =	ssyncset.done $0x0  }
0x5a: {  	s22 =	ssub.s32 $0x2, s22;
	s21 =	sadd.s32 s21, s24;
	[sflag:s4] =	ssyncadd.s32 $0xFFFF8000  }
0x5b: {  	[tilespmem:s5], [sflag:$0x1] =	stream.linear.gather [hbm4b:s21+s2], $0x40, $0x38;
	[tilespmem:$0x8080] =	vst v63  }
0x5c: {  	s30 =	sshrl.u32 s22, $0x1;
	_ =	swait.ge [sflag:s4], $0x40  }
0x5d: {  	s24 =	ssub.s32 s22, s30;
	[sflag:s4] =	ssyncset.done $0x0  }
0x5e: {  	s31 =	smax.u32 s24, $0x1;
	[sflag:s4] =	ssyncadd.s32 $0xFFFFFFC0  }
0x5f: {  	[tilespmem:s2], [sflag:$0x1] =	stream.indirect.gather [hbm4b:s6+s7], $0x200, s5, s7, $0xb8;
	[tilespmem:$0x8080] =	vst v63  }
0x60: {  	p0 =	sne.s32 s31, $0x1;
	_ =	swait.ge [sflag:s4], $0x8000  }
.Ltmp0:
0x61: {  	[sflag:s4] =	ssyncset.done $0x0;
	(pc) =	sbr.rel @!p0 .LBB2_2-.Ltmp0, $4  }
0x62: {  	s22 =	sadd.s32 $0xE9600, s23;
	[sflag:s4] =	ssyncadd.s32 $0xFFFF8000  }
0x63: {  	[hbm4b:s22+s2] =	stream.linear.scatter [tilespmem:s2], [sflag:$0x1], $0x8000, $0x38;
	[tilespmem:$0x8080] =	vst v63  }
0x64: {  	_ =	swait.ge [sflag:s4], $0x8000  }
0x65: {  	s23 =	sadd.s32 $0xFFFFFFFF, s31;
	[sflag:s4] =	ssyncset.done $0x0  }
.LBB2_1:
0x66: {  	p0 =	sne.s32 s23, $0x1;
	s23 =	sadd.s32 $0xFFFFFFFF, s23;
	[sflag:s4] =	ssyncadd.s32 $0xFFFF8000  }
0x67: {  	[tilespmem:s5], [sflag:$0x1] =	stream.linear.gather [hbm4b:s3+s2], $0x40, $0x38;
	[tilespmem:$0x8080] =	vst v63  }
0x68: {  	_ =	swait.ge [sflag:s4], $0x40  }
0x69: {  	[sflag:s4] =	ssyncset.done $0x0  }
0x6a: {  	[sflag:s4] =	ssyncadd.s32 $0xFFFFFFC0  }
0x6b: {  	[tilespmem:s2], [sflag:$0x1] =	stream.indirect.gather [hbm4b:s6+s7], $0x200, s5, s7, $0xb8;
	[tilespmem:$0x8080] =	vst v63  }
0x6c: {  	_ =	swait.ge [sflag:s4], $0x8000  }
0x6d: {  	[sflag:s4] =	ssyncset.done $0x0  }
0x6e: {  	[sflag:s4] =	ssyncadd.s32 $0xFFFF8000  }
0x6f: {  	[hbm4b:s8+s2] =	stream.linear.scatter [tilespmem:s2], [sflag:$0x1], $0x8000, $0x38;
	[tilespmem:$0x8080] =	vst v63  }
0x70: {  	_ =	swait.ge [sflag:s4], $0x8000  }
0x71: {  	[sflag:s4] =	ssyncset.done $0x0  }
0x72: {  	[sflag:s4] =	ssyncadd.s32 $0xFFFF8000  }
0x73: {  	[tilespmem:s5], [sflag:$0x1] =	stream.linear.gather [hbm4b:s9+s2], $0x40, $0x38;
	[tilespmem:$0x8080] =	vst v63  }
0x74: {  	_ =	swait.ge [sflag:s4], $0x40  }
0x75: {  	[sflag:s4] =	ssyncset.done $0x0  }
0x76: {  	[sflag:s4] =	ssyncadd.s32 $0xFFFFFFC0  }
0x77: {  	[tilespmem:s2], [sflag:$0x1] =	stream.indirect.gather [hbm4b:s6+s7], $0x200, s5, s7, $0xb8;
	[tilespmem:$0x8080] =	vst v63  }
0x78: {  	_ =	swait.ge [sflag:s4], $0x8000  }
0x79: {  	[sflag:s4] =	ssyncset.done $0x0  }
0x7a: {  	[sflag:s4] =	ssyncadd.s32 $0xFFFF8000  }
0x7b: {  	[hbm4b:s10+s2] =	stream.linear.scatter [tilespmem:s2], [sflag:$0x1], $0x8000, $0x38;
	[tilespmem:$0x8080] =	vst v63  }
0x7c: {  	_ =	swait.ge [sflag:s4], $0x8000  }
0x7d: {  	[sflag:s4] =	ssyncset.done $0x0  }
0x7e: {  	[sflag:s4] =	ssyncadd.s32 $0xFFFF8000  }
0x7f: {  	[tilespmem:s5], [sflag:$0x1] =	stream.linear.gather [hbm4b:s11+s2], $0x40, $0x38;
	[tilespmem:$0x8080] =	vst v63  }
0x80: {  	_ =	swait.ge [sflag:s4], $0x40  }
0x81: {  	[sflag:s4] =	ssyncset.done $0x0  }
0x82: {  	[sflag:s4] =	ssyncadd.s32 $0xFFFFFFC0  }
0x83: {  	[tilespmem:s2], [sflag:$0x1] =	stream.indirect.gather [hbm4b:s6+s7], $0x200, s5, s7, $0xb8;
	[tilespmem:$0x8080] =	vst v63  }
0x84: {  	_ =	swait.ge [sflag:s4], $0x8000  }
0x85: {  	[sflag:s4] =	ssyncset.done $0x0  }
0x86: {  	[sflag:s4] =	ssyncadd.s32 $0xFFFF8000  }
0x87: {  	[hbm4b:s12+s2] =	stream.linear.scatter [tilespmem:s2], [sflag:$0x1], $0x8000, $0x38;
	[tilespmem:$0x8080] =	vst v63  }
0x88: {  	_ =	swait.ge [sflag:s4], $0x8000  }
0x89: {  	[sflag:s4] =	ssyncset.done $0x0  }
0x8a: {  	[sflag:s4] =	ssyncadd.s32 $0xFFFF8000  }
0x8b: {  	[tilespmem:s5], [sflag:$0x1] =	stream.linear.gather [hbm4b:s13+s2], $0x40, $0x38;
	[tilespmem:$0x8080] =	vst v63  }
0x8c: {  	_ =	swait.ge [sflag:s4], $0x40  }
0x8d: {  	[sflag:s4] =	ssyncset.done $0x0  }
0x8e: {  	[sflag:s4] =	ssyncadd.s32 $0xFFFFFFC0  }
0x8f: {  	[tilespmem:s2], [sflag:$0x1] =	stream.indirect.gather [hbm4b:s6+s7], $0x200, s5, s7, $0xb8;
	[tilespmem:$0x8080] =	vst v63  }
0x90: {  	_ =	swait.ge [sflag:s4], $0x8000  }
0x91: {  	[sflag:s4] =	ssyncset.done $0x0  }
0x92: {  	[sflag:s4] =	ssyncadd.s32 $0xFFFF8000  }
0x93: {  	[hbm4b:s14+s2] =	stream.linear.scatter [tilespmem:s2], [sflag:$0x1], $0x8000, $0x38;
	[tilespmem:$0x8080] =	vst v63  }
0x94: {  	_ =	swait.ge [sflag:s4], $0x8000  }
0x95: {  	[sflag:s4] =	ssyncset.done $0x0  }
0x96: {  	[sflag:s4] =	ssyncadd.s32 $0xFFFF8000  }
0x97: {  	[tilespmem:s5], [sflag:$0x1] =	stream.linear.gather [hbm4b:s15+s2], $0x40, $0x38;
	[tilespmem:$0x8080] =	vst v63  }
0x98: {  	_ =	swait.ge [sflag:s4], $0x40  }
0x99: {  	[sflag:s4] =	ssyncset.done $0x0  }
0x9a: {  	[sflag:s4] =	ssyncadd.s32 $0xFFFFFFC0  }
0x9b: {  	[tilespmem:s2], [sflag:$0x1] =	stream.indirect.gather [hbm4b:s6+s7], $0x200, s5, s7, $0xb8;
	[tilespmem:$0x8080] =	vst v63  }
0x9c: {  	_ =	swait.ge [sflag:s4], $0x8000  }
0x9d: {  	[sflag:s4] =	ssyncset.done $0x0  }
0x9e: {  	[sflag:s4] =	ssyncadd.s32 $0xFFFF8000  }
0x9f: {  	[hbm4b:s16+s2] =	stream.linear.scatter [tilespmem:s2], [sflag:$0x1], $0x8000, $0x38;
	[tilespmem:$0x8080] =	vst v63  }
0xa0: {  	_ =	swait.ge [sflag:s4], $0x8000  }
0xa1: {  	[sflag:s4] =	ssyncset.done $0x0  }
0xa2: {  	[sflag:s4] =	ssyncadd.s32 $0xFFFF8000  }
0xa3: {  	[tilespmem:s5], [sflag:$0x1] =	stream.linear.gather [hbm4b:s17+s2], $0x40, $0x38;
	[tilespmem:$0x8080] =	vst v63  }
0xa4: {  	_ =	swait.ge [sflag:s4], $0x40  }
0xa5: {  	[sflag:s4] =	ssyncset.done $0x0  }
0xa6: {  	[sflag:s4] =	ssyncadd.s32 $0xFFFFFFC0  }
0xa7: {  	[tilespmem:s2], [sflag:$0x1] =	stream.indirect.gather [hbm4b:s6+s7], $0x200, s5, s7, $0xb8;
	[tilespmem:$0x8080] =	vst v63  }
0xa8: {  	_ =	swait.ge [sflag:s4], $0x8000  }
0xa9: {  	[sflag:s4] =	ssyncset.done $0x0  }
0xaa: {  	[sflag:s4] =	ssyncadd.s32 $0xFFFF8000  }
0xab: {  	[hbm4b:s18+s2] =	stream.linear.scatter [tilespmem:s2], [sflag:$0x1], $0x8000, $0x38;
	[tilespmem:$0x8080] =	vst v63  }
0xac: {  	_ =	swait.ge [sflag:s4], $0x8000  }
0xad: {  	[sflag:s4] =	ssyncset.done $0x0  }
0xae: {  	[sflag:s4] =	ssyncadd.s32 $0xFFFF8000  }
0xaf: {  	[tilespmem:s5], [sflag:$0x1] =	stream.linear.gather [hbm4b:s19+s2], $0x40, $0x38;
	[tilespmem:$0x8080] =	vst v63  }
0xb0: {  	_ =	swait.ge [sflag:s4], $0x40  }
0xb1: {  	[sflag:s4] =	ssyncset.done $0x0  }
0xb2: {  	[sflag:s4] =	ssyncadd.s32 $0xFFFFFFC0  }
0xb3: {  	[tilespmem:s2], [sflag:$0x1] =	stream.indirect.gather [hbm4b:s6+s7], $0x200, s5, s7, $0xb8;
	[tilespmem:$0x8080] =	vst v63  }
0xb4: {  	_ =	swait.ge [sflag:s4], $0x8000  }
0xb5: {  	[sflag:s4] =	ssyncset.done $0x0  }
0xb6: {  	[sflag:s4] =	ssyncadd.s32 $0xFFFF8000  }
0xb7: {  	[hbm4b:s20+s2] =	stream.linear.scatter [tilespmem:s2], [sflag:$0x1], $0x8000, $0x38;
	[tilespmem:$0x8080] =	vst v63  }
0xb8: {  	_ =	swait.ge [sflag:s4], $0x8000  }
0xb9: {  	[sflag:s4] =	ssyncset.done $0x0  }
0xba: {  	[sflag:s4] =	ssyncadd.s32 $0xFFFF8000  }
0xbb: {  	[tilespmem:s5], [sflag:$0x1] =	stream.linear.gather [hbm4b:s21+s2], $0x40, $0x38;
	[tilespmem:$0x8080] =	vst v63  }
0xbc: {  	_ =	swait.ge [sflag:s4], $0x40  }
0xbd: {  	[sflag:s4] =	ssyncset.done $0x0  }
0xbe: {  	[sflag:s4] =	ssyncadd.s32 $0xFFFFFFC0  }
0xbf: {  	[tilespmem:s2], [sflag:$0x1] =	stream.indirect.gather [hbm4b:s6+s7], $0x200, s5, s7, $0xb8;
	[tilespmem:$0x8080] =	vst v63  }
0xc0: {  	_ =	swait.ge [sflag:s4], $0x8000  }
.Ltmp1:
0xc1: {  	[sflag:s4] =	ssyncset.done $0x0;
	(pc) =	sbr.rel @p0 .LBB2_1-.Ltmp1, $4  }
0xc2: {  	[sflag:s4] =	ssyncadd.s32 $0xFFFF8000  }
0xc3: {  	[hbm4b:s22+s2] =	stream.linear.scatter [tilespmem:s2], [sflag:$0x1], $0x8000, $0x38;
	[tilespmem:$0x8080] =	vst v63  }
0xc4: {  	_ =	swait.ge [sflag:s4], $0x8000  }
0xc5: {  	[sflag:s4] =	ssyncset.done $0x0  }
.LBB2_2:
0xc6: {  	[sflag:s4] =	ssyncadd.s32 $0xFFFF8000  }
0xc7: {  	_ =	sfence.sel $0x180000  }
0xc8: {  	[bflag:$0x0] =	sbarrier.arrive $0xFFFF  }
0xc9: {  	p0 =	sne.s32 s1, $0x0;
	_ =	strace $0x90000053  }
0xca: {  	s0 =	sadd.s32 @!p0 $0x100000, s0;
	[bflag:$0x2] =	sbarrier.arrive $0xFFFF  }
0xcb: {  	[sflag:s0] =	ssyncadd.tile.s32 @!p0 $0x1;
	_ =	shalt  }
.Lfunc_end2:
_tile_overlayer_lowered:
.L_overlay_start_2:
0xcc: {  	(tag) =	ssettag $0x2  }
0xcd: {  	s0 =	rddreg [dreg:$0x0];
	s2 =	stileid.u32  }
0xce: {  	s1 =	rddreg [dreg:$0x1];
	p0 =	sne.s32 s2, $0x0  }
0xcf: {  	s3 =	rddreg [dreg:$0x2];
	[bflag:$0x3] =	sbarrier.arrive $0xFFFF;
	s2 =	simm.s32 @!p0 $0x1C01  }
0xd0: {  	[timem:s3], [sflag:s2] =	dma.local @!p0 [hbm:s0], s1  }
0xd1: {  	s0 =	simm.s32 @!p0 $0x1  }
0xd2: {  	_ =	swait.ge @!p0 [sflag:s0], s1  }
0xd3: {  	s1 =	ssub.s32 @!p0 $0x0, s1;
	[sflag:s0] =	ssyncset.done @!p0 $0x0  }
0xd4: {  	[sflag:s0] =	ssyncadd.s32 @!p0 s1  }
0xd5: {  	[bflag:$0x3] =	sbarrier.arrive $0xFFFF  }
0xd6: {  	_ =	shalt  }

// kernel: sparse-core-data-format-call.1.cloned.1.call-start
scs
called_computation.1_lowered:
.L_overlay_start_0:
0x0: {  	s1 =	sld [smem:$0x3FD9]  }
0x1: {  	s2 =	sld [smem:$0x3FFE];
	_ =	sdelay $0x1  }
0x2: {  	s3 =	srdreg.scid  }
0x3: {  	s0 =	sand.u32 $0x1, s3  }
0x4: {  	s17 =	sshll.u32 s0, $0xA;
	s1 =	sadd.s32 s2, s1  }
0x5: {  	s1 =	sadd.s32 s1, s17  }
0x6: {  	[smem:$0x3FC1] =	sst s1  }
0x7: {  	_ = 	snop  }
0x8: {  	(tm) =	ssettm $0x1  }
0x9: {  	s18 =	sld [smem:$0x3FFB];
	_ =	sdelay $0x3  }
0xa: {  	_ =	strace s18  }
0xb: {  	s1 =	sld [smem:$0x3FFC];
	_ =	sdelay $0x3  }
0xc: {  	_ =	strace s1  }
0xd: {  	s1 =	sld [smem:$0x3FFD];
	_ =	sdelay $0x3  }
0xe: {  	_ =	strace s1  }
0xf: {  	_ =	strace $0x8FFFFFFF  }
0x10: {  	s19 =	sld [smem:$0x3FDB];
	_ =	sdelay $0x1  }
0x11: {  	s20 =	simm.s32 $_scs_section_size  }
0x12: {  	s4 =	simm.s32 $_size__tile_overlayer_lowered;
	s5 =	simm.s32 $_tile_overlayer_lowered  }
0x13: {  	s23 =	simm.s32 $0x1BFF;
	s22 =	sshll.u32 s5, $0x1;
	s1 =	sadd.s32 s20, s19  }
0x14: {  	s6 =	simm.s32 $0x0;
	s21 =	sshll.u32 s4, $0x1;
	s4 =	sadd.s32 s22, s1  }
0x15: {  	[timem:s6], [sflag:s23] =	dma.local [hbm:s4], s21  }
0x16: {  	_ =	swait.ge [sflag:s23], s21  }
0x17: {  	s2 =	ssub.s32 $0x0, s21;
	[sflag:s23] =	ssyncset.done $0x0  }
0x18: {  	[sflag:s23] =	ssyncadd.s32 s2;
	_ =	sdelay $0x1  }
0x19: {  	s24 =	simm.s32 $0x1B8B  }
0x1a: {  	_ =	swait.ge [sflag:s24], $0x1  }
0x1b: {  	[sflag:s24] =	ssyncset.done $0x0  }
0x1c: {  	s26 =	simm.s32 $0x1B8E;
	s25 =	sld [smem:$0x3FFE];
	[sflag:s24] =	ssyncadd.s32 $0xFFFFFFFF  }
0x1d: {  	s27 =	simm.s32 $execute0_lowered;
	[smem:$0x3FD2] =	sst s26  }
0x1e: {  	s4 =	sshll.u32 s27, $0x1;
	_ =	strace $0x80000055;
	[dreg:$0x1] =	wrdreg $0xFFFFFFFF  }
0x1f: {  	s28 =	simm.s32 $_size_execute0_lowered;
	s1 =	sadd.s32 s1, s4;
	[dreg:$0x0] =	wrdreg $0x0  }
0x20: {  	s4 =	sshll.u32 s28, $0x1;
	[dreg:$0x2] =	wrdreg s1  }
0x21: {  	[dreg:$0x3] =	wrdreg s4  }
0x22: {  	[dreg:$0x4] =	wrdreg $0xC0  }
0x23: {  	_ =	task [dreg:s6], $0x5FFFF  }
0x24: {  	[dreg:$0x1] =	wrdreg $0xFFFFFFFF  }
0x25: {  	[dreg:$0x0] =	wrdreg $0x60  }
0x26: {  	[dreg:$0x2] =	wrdreg s25  }
0x27: {  	[dreg:$0x3] =	wrdreg $0x9  }
0x28: {  	_ =	task.clear_ibuf [dreg:s6], $0x4FFFF;
	_ =	strace $0x90000055  }
0x29: {  	s29 =	simm.s32 $0x9;
	_ =	strace $0x80000057  }
0x2a: {  	_ =	swait.ge [sflag:s29], $0x1  }
0x2b: {  	[sflag:s29] =	ssyncadd.s32 $0xFFFFFFFF  }
0x2c: {  	_ =	strace $0x90000057  }
0x2d: {  	_ =	sfence  }
0x2e: {  	s30 =	sld [smem:$0x0];
	_ =	sdelay $0x2  }
0x2f: {  	s31 =	sshll.u32 s3, $0xD;
	s3 =	sshrl.u32 s3, $0x2  }
0x30: {  	s2 =	sand.u32 $0x4000, s31;
	s1 =	sadd.s32 s3, s30  }
0x31: {  	s0 =	sor.u32 s2, s0;
	s1 =	sshll.u32 s1, $0x11  }
0x32: {  	s0 =	sor.u32 s1, s0  }
0x33: {  	s0 =	sadd.s32 $0x8F2B, s0  }
0x34: {  	[sflag:s0] =	ssyncadd.remote.s32 $0x1  }
0x35: {  	_ =	sfence.sel $0xFFFF  }
0x36: {  	[dreg:$0x0] =	wrdreg $0xFFFFFFFF;
	(pc) =	sbr.abs _section_cstart, $3  }
0x37: {  	[dreg:$0x1] =	wrdreg $0xFFFFFFFF  }
0x38: {  	_ =	task.clear_ibuf [dreg:s6], $0x2FFFF;
	_ =	strace $0x9FFFFFFF  }
0x39: {  	(tm) =	ssettm $0x7FFFFFFF  }
tec
execute0_lowered:
.L_overlay_start_1:
0x0: {  	(tag) =	ssettag $0x1  }
0x1: {  	s0 =	stileid.u32;
	s1 =	srdreg.scid  }
0x2: {  	s4 =	rddreg [dreg:$0x0];
	s7 =	simm.s32 $0x1;
	s31 =	simm.s32 $0x2  }
0x3: {  	s14 =	simm.s32 $0x0;
	s2 =	sshll.u32 s0, $0x4;
	s1 =	sshll.u32 s1, $0x8  }
0x4: {  	s9 =	simm.s32 $0x4000;
	s15 =	simm.s32 $0x0;
	s1 =	sor.u32 s2, s1  }
0x5: {  	s16 =	simm.s32 $0x0;
	s10 =	simm.s32 $0x0;
	s2 =	sand.u32 $0x180, s1  }
0x6: {  	s13 =	simm.s32 $0x0;
	s3 =	sadd.s32 $0x9600, s4;
	s5 =	ssub.s32 $0x800, s2  }
0x7: {  	s4 =	sadd.s32 $0x109600, s4;
	s1 =	rddreg [dreg:$0x1];
	s6 =	sand.u32 $0x180, s5  }
.Ltmp0:
0x8: {  	_ =	strace $0x80000056;
	p0 =	sne.s32 s6, $0x0;
	(pc) =	sbr.rel .LBB1_1-.Ltmp0, $4  }
0x9: {  	s11 =	smov.u32 s2;
	s8 =	sshrl.u32 s5, $0x9;
	s7 =	simm.s32 @!p0 $0x0  }
0xa: {  	s5 =	sand.u32 $0x7, s0;
	s6 =	simm.s32 $0x1;
	s7 =	sadd.s32 s7, s8  }
0xb: {  	s12 =	smov.u32 s5;
	[sflag:s6] =	ssyncpa.u1 $0x0;
	s7 =	sshll.u32 s7, $0x2  }
0xc: {  	p0 =	por $0x0, $0x0;
	[sflag:s31] =	ssyncpa.u1 $0x0;
	s8 =	sor.u32 $0x1, s7  }
.LBB1_4:
0xd: {  	v5 =	vld [tilespmem:s20+$0xFFFFFFD0];
	[tilespmem:s19+$0x2040 ss:$0x81] =	vst.msk $0xffff, v1  }
0xe: {  	v58 =	vld [tilespmem:s20+$0xFFFFFFE0];
	[tilespmem:s19+$0x2850 ss:$0x81] =	vst.msk $0xffff, v2  }
0xf: {  	s21 =	sshra.s32 s21, $0x2;
	v59 =	vld [tilespmem:s20+$0xFFFFFFF0];
	[tilespmem:s19+$0x3060 ss:$0x81] =	vst.msk $0xffff, v3  }
0x10: {  	v60 =	vld [tilespmem:s20+$0x0];
	[tilespmem:s19+$0x0 ss:$0x81] =	vst.msk $0xffff, v0;
	s18 =	sadd.s32 s21, s18  }
0x11: {  	v61 =	vld [tilespmem:s20+$0x10];
	[tilespmem:s18+$0x3870 ss:$0x81] =	vst.msk $0xffff, v4  }
0x12: {  	v62 =	vld [tilespmem:s20+$0x20];
	[tilespmem:s18+$0x810 ss:$0x81] =	vst.msk $0xffff, v5  }
0x13: {  	s16 =	sshll.u32 s16, $0x7;
	v63 =	vld [tilespmem:s20+$0xFFFFFFC0];
	s28 =	sand.u32 $0x78, s15;
	[tilespmem:s18+$0x1020 ss:$0x81] =	vst.msk $0xffff, v58  }
0x14: {  	s29 =	sshll.u32 s15, $0x3;
	s30 =	sand.u32 $0x700, s15;
	s16 =	sand.u32 $0x380, s16;
	[tilespmem:s18+$0x1830 ss:$0x81] =	vst.msk $0xffff, v59  }
0x15: {  	s14 =	sshll.u32 s14, $0xB;
	s20 =	sand.u32 $0x400, s29;
	s16 =	sor.u32 s16, s28;
	[tilespmem:s18+$0x2040 ss:$0x81] =	vst.msk $0xffff, v60  }
0x16: {  	s31 =	sand.u32 $0x7, s15;
	s19 =	sadd.s32 s4, s30;
	s16 =	sor.u32 s20, s16;
	[tilespmem:s18+$0x2850 ss:$0x81] =	vst.msk $0xffff, v61  }
0x17: {  	s15 =	sshll.u32 s31, $0x12;
	s14 =	sadd.s32 s14, s19;
	s16 =	sshrl.u32 s16, $0x3;
	[tilespmem:s18+$0x3060 ss:$0x81] =	vst.msk $0xffff, v62  }
0x18: {  	s15 =	sor.u32 $0x80, s15;
	[tilespmem:s18+$0x0 ss:$0x81] =	vst.msk $0xffff, v63;
	s14 =	sadd.s32 s16, s14  }
0x19: {  	[hbm4b:s14+s15] =	stream.strided.scatter [tilespmem:s17], [sflag:$0x2], $0x4000, s9, s15, $0x20;
	[tilespmem:$0x10100] =	vst v63  }
.LBB1_5:
0x1a: {  	s17 =	sadd.s32 $0x80, s10  }
0x1b: {  	s14 =	sadd.s32 $0x200, s11;
	s18 =	smov.u32 s11;
	p2 =	sgt.s32 s17, $0x1FF  }
0x1c: {  	s18 =	smov.u32 @p2 s14  }
0x1d: {  	s20 =	smov.u32 s12;
	s14 =	sadd.s32 $0x8, s12;
	p3 =	sgt.s32 s18, $0x7FF  }
0x1e: {  	s20 =	smov.u32 @p3 s14  }
0x1f: {  	s17 =	simm.s32 @p2 $0x0;
	p2 =	sgt.s32 s20, $0x7  }
0x20: {  	p1 =	slt.u32 s13, $0x2;
	s20 =	smov.u32 @p2 s5;
	p2 =	sne.s32 s13, s8  }
.Ltmp1:
0x21: {  	s19 =	simm.s32 @!p1 $0x2;
	(pc) =	sbr.rel @!p2 .LBB1_6-.Ltmp1, $4  }
0x22: {  	s15 =	smov.u32 s11;
	s16 =	smov.u32 s12;
	_ =	swait.ge @!p1 [sflag:s19], $0x4000  }
0x23: {  	p0 =	por !p0, !p0;
	[sflag:s19] =	ssyncset.done @!p1 $0x0;
	s18 =	smov.u32 @p3 s2  }
0x24: {  	s14 =	smov.u32 s10;
	[sflag:s19] =	ssyncadd.s32 @!p1 $0xFFFFC000;
	s10 =	smov.u32 s17  }
0x25: {  	s11 =	smov.u32 s18;
	s13 =	sadd.s32 $0x1, s13;
	s12 =	smov.u32 s20  }
.LBB1_1:
0x26: {  	p1 =	sge.u32 s13, s7  }
0x27: {  	s31 =	sadd.s32 $0xFFFFFFFF, s13;
	s17 =	sxor.u32 @!p1 $0xFFFFFFFF, s13  }
0x28: {  	s18 =	sshll.u32 @!p1 s11, $0x9;
	s19 =	sshll.u32 @!p1 s10, $0x3;
	s20 =	sshll.u32 @!p1 s11, $0x7  }
0x29: {  	s21 =	sand.u32 @!p1 $0x78, s10;
	s18 =	sand.u32 @!p1 $0xFF000, s18;
	s19 =	sand.u32 @!p1 $0xFFC00, s19  }
0x2a: {  	s17 =	sshll.u32 @!p1 s17, $0xE;
	s18 =	sadd.s32 @!p1 s18, s19;
	s19 =	sand.u32 @!p1 $0x200, s20  }
0x2b: {  	s17 =	sand.u32 @!p1 $0x4000, s17;
	s18 =	sor.u32 @!p1 s19, s18;
	s19 =	sand.u32 @!p1 $0x180, s20  }
0x2c: {  	s20 =	sshll.u32 @!p1 s12, $0x11;
	s19 =	sor.u32 @!p1 s21, s19;
	s18 =	sshrl.u32 @!p1 s18, $0x3  }
0x2d: {  	s20 =	sadd.s32 @!p1 s3, s20;
	s21 =	sand.u32 @!p1 $0x7, s10;
	s19 =	sshrl.u32 @!p1 s19, $0x3  }
0x2e: {  	s18 =	sand.u32 @!p1 $0x1FFC0, s18;
	s19 =	sadd.s32 @!p1 s19, s20;
	s20 =	sshll.u32 @!p1 s21, $0x12  }
0x2f: {  	s18 =	sadd.s32 @!p1 s18, s19;
	s19 =	sor.u32 @!p1 $0x400, s20;
	s20 =	simm.s32 @!p1 $0x1000  }
0x30: {  	[tilespmem:s17], [sflag:$0x1] =	stream.strided.gather @!p1 [hbm4b:s18+s19], $0x4000, s20, s19, $0x38;
	[tilespmem:$0x10100] =	vst v63  }
0x31: {  	p1 =	sge.u32 s31, s7  }
.Ltmp2:
0x32: {  	_ = 	snop;
	(pc) =	sbr.rel @p1 .LBB1_5-.Ltmp2, $1  }
0x33: {  	_ =	sdelay $0x3  }
0x34: {  	s17 =	simm.s32 $0x1  }
0x35: {  	_ =	swait.ge [sflag:s6], $0x4000;
	s17 =	simm.s32 @!p0 $0x0  }
0x36: {  	[sflag:s6] =	ssyncset.done $0x0;
	s18 =	sshll.u32 s17, $0xE  }
0x37: {  	[sflag:s6] =	ssyncadd.s32 $0xFFFFC000;
	s20 =	sor.u32 $0x40, s18  }
0x38: {  	s17 =	smul.u32 $0x10200, s17;
	v0 =	vld [tilespmem:s20+$0x30]  }
0x39: {  	v3 =	vld [tilespmem:s20+$0xFFFFFFD0]  }
0x3a: {  	s17 =	sshrl.u32 s17, $0x2;
	v4 =	vld [tilespmem:s20+$0xFFFFFFE0]  }
0x3b: {  	v5 =	vld [tilespmem:s20+$0xFFFFFFF0];
	s18 =	sor.u32 $0x8000, s17  }
0x3c: {  	s31 =	sand.u32 $0x1, s13;
	v1 =	vld [tilespmem:s20+$0x0];
	s19 =	sadd.s32 $0x0, s18  }
0x3d: {  	v2 =	vld [tilespmem:s20+$0x10];
	s17 =	smul.u32 $0x10200, s31;
	[tilespmem:s19+$0x3870 ss:$0x81] =	vst.msk $0xffff, v0  }
0x3e: {  	[tilespmem:s19+$0x810 ss:$0x81] =	vst.msk $0xffff, v3;
	v3 =	vld [tilespmem:s20+$0x20]  }
0x3f: {  	s17 =	sshrl.u32 s17, $0x2;
	v0 =	vld [tilespmem:s20+$0xFFFFFFC0];
	[tilespmem:s19+$0x1020 ss:$0x81] =	vst.msk $0xffff, v4;
	s20 =	sadd.s32 $0x80, s20  }
0x40: {  	s21 =	simm.s32 $0x4;
	s22 =	simm.s32 $0x8;
	s17 =	sor.u32 $0x8000, s17;
	[tilespmem:s19+$0x1830 ss:$0x81] =	vst.msk $0xffff, v5;
	v4 =	vld [tilespmem:s20+$0x30]  }
.LBB1_3:
0x41: {  	p1 =	sne.s32 s22, $0x1FC;
	v5 =	vld [tilespmem:s20+$0xFFFFFFD0];
	[tilespmem:s19+$0x2040 ss:$0x81] =	vst.msk $0xffff, v1  }
0x42: {  	v6 =	vld [tilespmem:s20+$0xFFFFFFE0];
	[tilespmem:s19+$0x2850 ss:$0x81] =	vst.msk $0xffff, v2  }
0x43: {  	s23 =	sshra.s32 s21, $0x2;
	s21 =	smov.u32 s22;
	v7 =	vld [tilespmem:s20+$0xFFFFFFF0];
	[tilespmem:s19+$0x3060 ss:$0x81] =	vst.msk $0xffff, v3  }
.Ltmp3:
0x44: {  	v1 =	vld [tilespmem:s20+$0x0];
	[tilespmem:s19+$0x0 ss:$0x81] =	vst.msk $0xffff, v0;
	s19 =	sadd.s32 s23, s18;
	(pc) =	sbr.rel @p1 .LBB1_3-.Ltmp3, $4  }
0x45: {  	v2 =	vld [tilespmem:s20+$0x10];
	[tilespmem:s19+$0x3870 ss:$0x81] =	vst.msk $0xffff, v4  }
0x46: {  	[tilespmem:s19+$0x810 ss:$0x81] =	vst.msk $0xffff, v5;
	v3 =	vld [tilespmem:s20+$0x20]  }
0x47: {  	v0 =	vld [tilespmem:s20+$0xFFFFFFC0];
	[tilespmem:s19+$0x1020 ss:$0x81] =	vst.msk $0xffff, v6;
	s20 =	sadd.s32 $0x80, s20  }
0x48: {  	s22 =	sadd.s32 $0x4, s22;
	v4 =	vld [tilespmem:s20+$0x30];
	[tilespmem:s19+$0x1830 ss:$0x81] =	vst.msk $0xffff, v7  }
.Ltmp4:
0x49: {  	_ = 	snop;
	(pc) =	sbr.rel .LBB1_4-.Ltmp4, $1  }
0x4a: {  	_ =	sdelay $0x3  }
.LBB1_6:
0x4b: {  	_ =	sfence.sel $0x180000  }
0x4c: {  	s2 =	simm.s32 $0x1;
	[bflag:$0x0] =	sbarrier.arrive $0xFFFF  }
0x4d: {  	s31 =	simm.s32 $0x2;
	[sflag:s2] =	ssyncpa.u1 $0x1  }
0x4e: {  	[sflag:s31] =	ssyncpa.u1 $0x1  }
0x4f: {  	p0 =	sne.s32 s0, $0x0;
	_ =	strace $0x90000056  }
0x50: {  	s0 =	sadd.s32 @!p0 $0x100000, s1;
	[bflag:$0x2] =	sbarrier.arrive $0xFFFF  }
0x51: {  	[sflag:s0] =	ssyncadd.tile.s32 @!p0 $0x1;
	_ =	shalt  }
.Lfunc_end1:
_tile_overlayer_lowered:
.L_overlay_start_2:
0x52: {  	(tag) =	ssettag $0x2  }
0x53: {  	s0 =	rddreg [dreg:$0x0];
	s2 =	stileid.u32  }
0x54: {  	s1 =	rddreg [dreg:$0x1];
	p0 =	sne.s32 s2, $0x0  }
0x55: {  	s3 =	rddreg [dreg:$0x2];
	[bflag:$0x3] =	sbarrier.arrive $0xFFFF;
	s2 =	simm.s32 @!p0 $0x1C01  }
0x56: {  	[timem:s3], [sflag:s2] =	dma.local @!p0 [hbm:s0], s1  }
0x57: {  	s0 =	simm.s32 @!p0 $0x1  }
0x58: {  	_ =	swait.ge @!p0 [sflag:s0], s1  }
0x59: {  	s1 =	ssub.s32 @!p0 $0x0, s1;
	[sflag:s0] =	ssyncset.done @!p0 $0x0  }
0x5a: {  	[sflag:s0] =	ssyncadd.s32 @!p0 s1  }
0x5b: {  	[bflag:$0x3] =	sbarrier.arrive $0xFFFF  }
0x5c: {  	_ =	shalt  }

// kernel: sparse-core-data-format-call.2.cloned.1.call-start
scs
called_computation.2_lowered:
.L_overlay_start_0:
0x0: {  	s1 =	sld [smem:$0x3FD9]  }
0x1: {  	s2 =	sld [smem:$0x3FFE];
	_ =	sdelay $0x1  }
0x2: {  	s3 =	srdreg.scid  }
0x3: {  	s0 =	sand.u32 $0x1, s3  }
0x4: {  	s17 =	sshll.u32 s0, $0xA;
	s1 =	sadd.s32 s2, s1  }
0x5: {  	s1 =	sadd.s32 s1, s17  }
0x6: {  	[smem:$0x3FC1] =	sst s1  }
0x7: {  	_ = 	snop  }
0x8: {  	(tm) =	ssettm $0x1  }
0x9: {  	s18 =	sld [smem:$0x3FFB];
	_ =	sdelay $0x3  }
0xa: {  	_ =	strace s18  }
0xb: {  	s1 =	sld [smem:$0x3FFC];
	_ =	sdelay $0x3  }
0xc: {  	_ =	strace s1  }
0xd: {  	s1 =	sld [smem:$0x3FFD];
	_ =	sdelay $0x3  }
0xe: {  	_ =	strace s1  }
0xf: {  	_ =	strace $0x8FFFFFFF  }
0x10: {  	s19 =	sld [smem:$0x3FDB];
	_ =	sdelay $0x1  }
0x11: {  	s20 =	simm.s32 $_scs_section_size  }
0x12: {  	s4 =	simm.s32 $_size__tile_overlayer_lowered;
	s5 =	simm.s32 $_tile_overlayer_lowered  }
0x13: {  	s23 =	simm.s32 $0x1BFF;
	s22 =	sshll.u32 s5, $0x1;
	s1 =	sadd.s32 s20, s19  }
0x14: {  	s6 =	simm.s32 $0x0;
	s21 =	sshll.u32 s4, $0x1;
	s4 =	sadd.s32 s22, s1  }
0x15: {  	[timem:s6], [sflag:s23] =	dma.local [hbm:s4], s21  }
0x16: {  	_ =	swait.ge [sflag:s23], s21  }
0x17: {  	s2 =	ssub.s32 $0x0, s21;
	[sflag:s23] =	ssyncset.done $0x0  }
0x18: {  	[sflag:s23] =	ssyncadd.s32 s2;
	_ =	sdelay $0x1  }
0x19: {  	s24 =	simm.s32 $0x1B8B  }
0x1a: {  	_ =	swait.ge [sflag:s24], $0x1  }
0x1b: {  	[sflag:s24] =	ssyncset.done $0x0  }
0x1c: {  	s26 =	simm.s32 $0x1B8E;
	s25 =	sld [smem:$0x3FFE];
	[sflag:s24] =	ssyncadd.s32 $0xFFFFFFFF  }
0x1d: {  	s27 =	simm.s32 $execute0_lowered;
	[smem:$0x3FD2] =	sst s26  }
0x1e: {  	s4 =	sshll.u32 s27, $0x1;
	_ =	strace $0x8000004F;
	[dreg:$0x1] =	wrdreg $0xFFFFFFFF  }
0x1f: {  	s28 =	simm.s32 $_size_execute0_lowered;
	s1 =	sadd.s32 s1, s4;
	[dreg:$0x0] =	wrdreg $0x0  }
0x20: {  	s4 =	sshll.u32 s28, $0x1;
	[dreg:$0x2] =	wrdreg s1  }
0x21: {  	[dreg:$0x3] =	wrdreg s4  }
0x22: {  	[dreg:$0x4] =	wrdreg $0xC0  }
0x23: {  	_ =	task [dreg:s6], $0x5FFFF  }
0x24: {  	[dreg:$0x1] =	wrdreg $0xFFFFFFFF  }
0x25: {  	[dreg:$0x0] =	wrdreg $0x60  }
0x26: {  	[dreg:$0x2] =	wrdreg s25  }
0x27: {  	[dreg:$0x3] =	wrdreg $0x9  }
0x28: {  	_ =	task.clear_ibuf [dreg:s6], $0x4FFFF;
	_ =	strace $0x9000004F  }
0x29: {  	s29 =	simm.s32 $0x9;
	_ =	strace $0x80000051  }
0x2a: {  	_ =	swait.ge [sflag:s29], $0x1  }
0x2b: {  	[sflag:s29] =	ssyncadd.s32 $0xFFFFFFFF  }
0x2c: {  	_ =	strace $0x90000051  }
0x2d: {  	_ =	sfence  }
0x2e: {  	s30 =	sld [smem:$0x0];
	_ =	sdelay $0x2  }
0x2f: {  	s31 =	sshll.u32 s3, $0xD;
	s3 =	sshrl.u32 s3, $0x2  }
0x30: {  	s2 =	sand.u32 $0x4000, s31;
	s1 =	sadd.s32 s3, s30  }
0x31: {  	s0 =	sor.u32 s2, s0;
	s1 =	sshll.u32 s1, $0x11  }
0x32: {  	s0 =	sor.u32 s1, s0  }
0x33: {  	s0 =	sadd.s32 $0x8F2B, s0  }
0x34: {  	[sflag:s0] =	ssyncadd.remote.s32 $0x1  }
0x35: {  	_ =	sfence.sel $0xFFFF  }
0x36: {  	[dreg:$0x0] =	wrdreg $0xFFFFFFFF;
	(pc) =	sbr.abs _section_cstart, $3  }
0x37: {  	[dreg:$0x1] =	wrdreg $0xFFFFFFFF  }
0x38: {  	_ =	task.clear_ibuf [dreg:s6], $0x2FFFF;
	_ =	strace $0x9FFFFFFF  }
0x39: {  	(tm) =	ssettm $0x7FFFFFFF  }
tec
execute0_lowered:
.L_overlay_start_1:
0x0: {  	(tag) =	ssettag $0x1  }
0x1: {  	s0 =	stileid.u32;
	s1 =	srdreg.scid  }
0x2: {  	s4 =	rddreg [dreg:$0x0];
	s7 =	simm.s32 $0x1;
	s31 =	simm.s32 $0x2  }
0x3: {  	s14 =	simm.s32 $0x0;
	s2 =	sshll.u32 s0, $0x4;
	s1 =	sshll.u32 s1, $0x8  }
0x4: {  	s9 =	simm.s32 $0x4000;
	s15 =	simm.s32 $0x0;
	s1 =	sor.u32 s2, s1  }
0x5: {  	s16 =	simm.s32 $0x0;
	s10 =	simm.s32 $0x0;
	s2 =	sand.u32 $0x180, s1  }
0x6: {  	s13 =	simm.s32 $0x0;
	s3 =	sadd.s32 $0x119400, s4;
	s5 =	ssub.s32 $0x800, s2  }
0x7: {  	s4 =	sadd.s32 $0x319400, s4;
	s1 =	rddreg [dreg:$0x1];
	s6 =	sand.u32 $0x180, s5  }
.Ltmp0:
0x8: {  	_ =	strace $0x80000050;
	p0 =	sne.s32 s6, $0x0;
	(pc) =	sbr.rel .LBB1_1-.Ltmp0, $4  }
0x9: {  	s11 =	smov.u32 s2;
	s8 =	sshrl.u32 s5, $0x9;
	s7 =	simm.s32 @!p0 $0x0  }
0xa: {  	s5 =	sand.u32 $0x7, s0;
	s6 =	simm.s32 $0x1;
	s7 =	sadd.s32 s7, s8  }
0xb: {  	s12 =	smov.u32 s5;
	[sflag:s6] =	ssyncpa.u1 $0x0;
	s7 =	sshll.u32 s7, $0x3  }
0xc: {  	p0 =	por $0x0, $0x0;
	[sflag:s31] =	ssyncpa.u1 $0x0;
	s8 =	sor.u32 $0x1, s7  }
.LBB1_4:
0xd: {  	v5 =	vld [tilespmem:s20+$0xFFFFFFD0];
	[tilespmem:s19+$0x2040 ss:$0x81] =	vst.msk $0xffff, v1  }
0xe: {  	v58 =	vld [tilespmem:s20+$0xFFFFFFE0];
	[tilespmem:s19+$0x2850 ss:$0x81] =	vst.msk $0xffff, v2  }
0xf: {  	s21 =	sshra.s32 s21, $0x2;
	v59 =	vld [tilespmem:s20+$0xFFFFFFF0];
	[tilespmem:s19+$0x3060 ss:$0x81] =	vst.msk $0xffff, v3  }
0x10: {  	v60 =	vld [tilespmem:s20+$0x0];
	[tilespmem:s19+$0x0 ss:$0x81] =	vst.msk $0xffff, v0;
	s18 =	sadd.s32 s21, s18  }
0x11: {  	v61 =	vld [tilespmem:s20+$0x10];
	[tilespmem:s18+$0x3870 ss:$0x81] =	vst.msk $0xffff, v4  }
0x12: {  	v62 =	vld [tilespmem:s20+$0x20];
	[tilespmem:s18+$0x810 ss:$0x81] =	vst.msk $0xffff, v5  }
0x13: {  	s16 =	sshll.u32 s16, $0x7;
	v63 =	vld [tilespmem:s20+$0xFFFFFFC0];
	s28 =	sand.u32 $0x78, s15;
	[tilespmem:s18+$0x1020 ss:$0x81] =	vst.msk $0xffff, v58  }
0x14: {  	s29 =	sshll.u32 s15, $0x3;
	s30 =	sand.u32 $0x700, s15;
	s16 =	sand.u32 $0x380, s16;
	[tilespmem:s18+$0x1830 ss:$0x81] =	vst.msk $0xffff, v59  }
0x15: {  	s14 =	sshll.u32 s14, $0xB;
	s20 =	sand.u32 $0x400, s29;
	s16 =	sor.u32 s16, s28;
	[tilespmem:s18+$0x2040 ss:$0x81] =	vst.msk $0xffff, v60  }
0x16: {  	s31 =	sand.u32 $0x7, s15;
	s19 =	sadd.s32 s4, s30;
	s16 =	sor.u32 s20, s16;
	[tilespmem:s18+$0x2850 ss:$0x81] =	vst.msk $0xffff, v61  }
0x17: {  	s15 =	sshll.u32 s31, $0x12;
	s14 =	sadd.s32 s14, s19;
	s16 =	sshrl.u32 s16, $0x3;
	[tilespmem:s18+$0x3060 ss:$0x81] =	vst.msk $0xffff, v62  }
0x18: {  	s15 =	sor.u32 $0x80, s15;
	[tilespmem:s18+$0x0 ss:$0x81] =	vst.msk $0xffff, v63;
	s14 =	sadd.s32 s16, s14  }
0x19: {  	[hbm4b:s14+s15] =	stream.strided.scatter [tilespmem:s17], [sflag:$0x2], $0x4000, s9, s15, $0x20;
	[tilespmem:$0x10100] =	vst v63  }
.LBB1_5:
0x1a: {  	s17 =	sadd.s32 $0x80, s10  }
0x1b: {  	s14 =	sadd.s32 $0x200, s11;
	s18 =	smov.u32 s11;
	p2 =	sgt.s32 s17, $0x3FF  }
0x1c: {  	s18 =	smov.u32 @p2 s14  }
0x1d: {  	s20 =	smov.u32 s12;
	s14 =	sadd.s32 $0x8, s12;
	p3 =	sgt.s32 s18, $0x7FF  }
0x1e: {  	s20 =	smov.u32 @p3 s14  }
0x1f: {  	s17 =	simm.s32 @p2 $0x0;
	p2 =	sgt.s32 s20, $0x7  }
0x20: {  	p1 =	slt.u32 s13, $0x2;
	s20 =	smov.u32 @p2 s5;
	p2 =	sne.s32 s13, s8  }
.Ltmp1:
0x21: {  	s19 =	simm.s32 @!p1 $0x2;
	(pc) =	sbr.rel @!p2 .LBB1_6-.Ltmp1, $4  }
0x22: {  	s15 =	smov.u32 s11;
	s16 =	smov.u32 s12;
	_ =	swait.ge @!p1 [sflag:s19], $0x4000  }
0x23: {  	p0 =	por !p0, !p0;
	[sflag:s19] =	ssyncset.done @!p1 $0x0;
	s18 =	smov.u32 @p3 s2  }
0x24: {  	s14 =	smov.u32 s10;
	[sflag:s19] =	ssyncadd.s32 @!p1 $0xFFFFC000;
	s10 =	smov.u32 s17  }
0x25: {  	s11 =	smov.u32 s18;
	s13 =	sadd.s32 $0x1, s13;
	s12 =	smov.u32 s20  }
.LBB1_1:
0x26: {  	p1 =	sge.u32 s13, s7  }
0x27: {  	s31 =	sadd.s32 $0xFFFFFFFF, s13;
	s17 =	sshll.u32 @!p1 s11, $0x7  }
0x28: {  	s18 =	sxor.u32 @!p1 $0xFFFFFFFF, s13;
	s19 =	sand.u32 @!p1 $0x78, s10;
	s20 =	sand.u32 @!p1 $0x380, s17  }
0x29: {  	s18 =	sshll.u32 @!p1 s18, $0xE;
	s19 =	sor.u32 @!p1 s19, s20;
	s20 =	sshll.u32 @!p1 s12, $0x12  }
0x2a: {  	s17 =	sand.u32 @!p1 $0x3FC00, s17;
	s19 =	sshrl.u32 @!p1 s19, $0x3;
	s20 =	sadd.s32 @!p1 s3, s20  }
0x2b: {  	s17 =	sadd.s32 @!p1 s10, s17;
	s19 =	sadd.s32 @!p1 s19, s20;
	s20 =	sand.u32 @!p1 $0x7, s10  }
0x2c: {  	s18 =	sand.u32 @!p1 $0x4000, s18;
	s17 =	sand.u32 @!p1 $0x3FF80, s17;
	s20 =	sshll.u32 @!p1 s20, $0x12  }
0x2d: {  	s17 =	sadd.s32 @!p1 s17, s19;
	s19 =	sor.u32 @!p1 $0x400, s20;
	s20 =	simm.s32 @!p1 $0x2000  }
0x2e: {  	[tilespmem:s18], [sflag:$0x1] =	stream.strided.gather @!p1 [hbm4b:s17+s19], $0x4000, s20, s19, $0x38;
	[tilespmem:$0x10100] =	vst v63  }
0x2f: {  	p1 =	sge.u32 s31, s7  }
.Ltmp2:
0x30: {  	_ = 	snop;
	(pc) =	sbr.rel @p1 .LBB1_5-.Ltmp2, $1  }
0x31: {  	_ =	sdelay $0x3  }
0x32: {  	s17 =	simm.s32 $0x1  }
0x33: {  	_ =	swait.ge [sflag:s6], $0x4000;
	s17 =	simm.s32 @!p0 $0x0  }
0x34: {  	[sflag:s6] =	ssyncset.done $0x0;
	s18 =	sshll.u32 s17, $0xE  }
0x35: {  	[sflag:s6] =	ssyncadd.s32 $0xFFFFC000;
	s20 =	sor.u32 $0x40, s18  }
0x36: {  	s17 =	smul.u32 $0x10200, s17;
	v0 =	vld [tilespmem:s20+$0x30]  }
0x37: {  	v3 =	vld [tilespmem:s20+$0xFFFFFFD0]  }
0x38: {  	s17 =	sshrl.u32 s17, $0x2;
	v4 =	vld [tilespmem:s20+$0xFFFFFFE0]  }
0x39: {  	v5 =	vld [tilespmem:s20+$0xFFFFFFF0];
	s18 =	sor.u32 $0x8000, s17  }
0x3a: {  	s31 =	sand.u32 $0x1, s13;
	v1 =	vld [tilespmem:s20+$0x0];
	s19 =	sadd.s32 $0x0, s18  }
0x3b: {  	v2 =	vld [tilespmem:s20+$0x10];
	s17 =	smul.u32 $0x10200, s31;
	[tilespmem:s19+$0x3870 ss:$0x81] =	vst.msk $0xffff, v0  }
0x3c: {  	[tilespmem:s19+$0x810 ss:$0x81] =	vst.msk $0xffff, v3;
	v3 =	vld [tilespmem:s20+$0x20]  }
0x3d: {  	s17 =	sshrl.u32 s17, $0x2;
	v0 =	vld [tilespmem:s20+$0xFFFFFFC0];
	[tilespmem:s19+$0x1020 ss:$0x81] =	vst.msk $0xffff, v4;
	s20 =	sadd.s32 $0x80, s20  }
0x3e: {  	s21 =	simm.s32 $0x4;
	s22 =	simm.s32 $0x8;
	s17 =	sor.u32 $0x8000, s17;
	[tilespmem:s19+$0x1830 ss:$0x81] =	vst.msk $0xffff, v5;
	v4 =	vld [tilespmem:s20+$0x30]  }
.LBB1_3:
0x3f: {  	p1 =	sne.s32 s22, $0x1FC;
	v5 =	vld [tilespmem:s20+$0xFFFFFFD0];
	[tilespmem:s19+$0x2040 ss:$0x81] =	vst.msk $0xffff, v1  }
0x40: {  	v6 =	vld [tilespmem:s20+$0xFFFFFFE0];
	[tilespmem:s19+$0x2850 ss:$0x81] =	vst.msk $0xffff, v2  }
0x41: {  	s23 =	sshra.s32 s21, $0x2;
	s21 =	smov.u32 s22;
	v7 =	vld [tilespmem:s20+$0xFFFFFFF0];
	[tilespmem:s19+$0x3060 ss:$0x81] =	vst.msk $0xffff, v3  }
.Ltmp3:
0x42: {  	v1 =	vld [tilespmem:s20+$0x0];
	[tilespmem:s19+$0x0 ss:$0x81] =	vst.msk $0xffff, v0;
	s19 =	sadd.s32 s23, s18;
	(pc) =	sbr.rel @p1 .LBB1_3-.Ltmp3, $4  }
0x43: {  	v2 =	vld [tilespmem:s20+$0x10];
	[tilespmem:s19+$0x3870 ss:$0x81] =	vst.msk $0xffff, v4  }
0x44: {  	[tilespmem:s19+$0x810 ss:$0x81] =	vst.msk $0xffff, v5;
	v3 =	vld [tilespmem:s20+$0x20]  }
0x45: {  	v0 =	vld [tilespmem:s20+$0xFFFFFFC0];
	[tilespmem:s19+$0x1020 ss:$0x81] =	vst.msk $0xffff, v6;
	s20 =	sadd.s32 $0x80, s20  }
0x46: {  	s22 =	sadd.s32 $0x4, s22;
	v4 =	vld [tilespmem:s20+$0x30];
	[tilespmem:s19+$0x1830 ss:$0x81] =	vst.msk $0xffff, v7  }
.Ltmp4:
0x47: {  	_ = 	snop;
	(pc) =	sbr.rel .LBB1_4-.Ltmp4, $1  }
0x48: {  	_ =	sdelay $0x3  }
.LBB1_6:
0x49: {  	_ =	sfence.sel $0x180000  }
0x4a: {  	s2 =	simm.s32 $0x1;
	[bflag:$0x0] =	sbarrier.arrive $0xFFFF  }
0x4b: {  	s31 =	simm.s32 $0x2;
	[sflag:s2] =	ssyncpa.u1 $0x1  }
0x4c: {  	[sflag:s31] =	ssyncpa.u1 $0x1  }
0x4d: {  	p0 =	sne.s32 s0, $0x0;
	_ =	strace $0x90000050  }
0x4e: {  	s0 =	sadd.s32 @!p0 $0x100000, s1;
	[bflag:$0x2] =	sbarrier.arrive $0xFFFF  }
0x4f: {  	[sflag:s0] =	ssyncadd.tile.s32 @!p0 $0x1;
	_ =	shalt  }
.Lfunc_end1:
_tile_overlayer_lowered:
.L_overlay_start_2:
0x50: {  	(tag) =	ssettag $0x2  }
0x51: {  	s0 =	rddreg [dreg:$0x0];
	s2 =	stileid.u32  }
0x52: {  	s1 =	rddreg [dreg:$0x1];
	p0 =	sne.s32 s2, $0x0  }
0x53: {  	s3 =	rddreg [dreg:$0x2];
	[bflag:$0x3] =	sbarrier.arrive $0xFFFF;
	s2 =	simm.s32 @!p0 $0x1C01  }
0x54: {  	[timem:s3], [sflag:s2] =	dma.local @!p0 [hbm:s0], s1  }
0x55: {  	s0 =	simm.s32 @!p0 $0x1  }
0x56: {  	_ =	swait.ge @!p0 [sflag:s0], s1  }
0x57: {  	s1 =	ssub.s32 @!p0 $0x0, s1;
	[sflag:s0] =	ssyncset.done @!p0 $0x0  }
0x58: {  	[sflag:s0] =	ssyncadd.s32 @!p0 s1  }
0x59: {  	[bflag:$0x3] =	sbarrier.arrive $0xFFFF  }
0x5a: {  	_ =	shalt  }

// kernel: sparse-core-data-format-call.3.cloned.1.call-start
scs
called_computation.3_lowered:
.L_overlay_start_0:
0x0: {  	s1 =	sld [smem:$0x3FD9]  }
0x1: {  	s2 =	sld [smem:$0x3FFE];
	_ =	sdelay $0x1  }
0x2: {  	s3 =	srdreg.scid  }
0x3: {  	s0 =	sand.u32 $0x1, s3  }
0x4: {  	s17 =	sshll.u32 s0, $0xA;
	s1 =	sadd.s32 s2, s1  }
0x5: {  	s1 =	sadd.s32 s1, s17  }
0x6: {  	[smem:$0x3FC1] =	sst s1  }
0x7: {  	_ = 	snop  }
0x8: {  	(tm) =	ssettm $0x1  }
0x9: {  	s18 =	sld [smem:$0x3FFB];
	_ =	sdelay $0x3  }
0xa: {  	_ =	strace s18  }
0xb: {  	s1 =	sld [smem:$0x3FFC];
	_ =	sdelay $0x3  }
0xc: {  	_ =	strace s1  }
0xd: {  	s1 =	sld [smem:$0x3FFD];
	_ =	sdelay $0x3  }
0xe: {  	_ =	strace s1  }
0xf: {  	_ =	strace $0x8FFFFFFF  }
0x10: {  	s19 =	sld [smem:$0x3FDB];
	_ =	sdelay $0x1  }
0x11: {  	s20 =	simm.s32 $_scs_section_size  }
0x12: {  	s4 =	simm.s32 $_size__tile_overlayer_lowered;
	s5 =	simm.s32 $_tile_overlayer_lowered  }
0x13: {  	s23 =	simm.s32 $0x1BFF;
	s22 =	sshll.u32 s5, $0x1;
	s1 =	sadd.s32 s20, s19  }
0x14: {  	s6 =	simm.s32 $0x0;
	s21 =	sshll.u32 s4, $0x1;
	s4 =	sadd.s32 s22, s1  }
0x15: {  	[timem:s6], [sflag:s23] =	dma.local [hbm:s4], s21  }
0x16: {  	_ =	swait.ge [sflag:s23], s21  }
0x17: {  	s2 =	ssub.s32 $0x0, s21;
	[sflag:s23] =	ssyncset.done $0x0  }
0x18: {  	[sflag:s23] =	ssyncadd.s32 s2;
	_ =	sdelay $0x1  }
0x19: {  	s24 =	simm.s32 $0x1B8B  }
0x1a: {  	_ =	swait.ge [sflag:s24], $0x1  }
0x1b: {  	[sflag:s24] =	ssyncset.done $0x0  }
0x1c: {  	s26 =	simm.s32 $0x1B8E;
	s25 =	sld [smem:$0x3FFE];
	[sflag:s24] =	ssyncadd.s32 $0xFFFFFFFF  }
0x1d: {  	s27 =	simm.s32 $execute0_lowered;
	[smem:$0x3FD2] =	sst s26  }
0x1e: {  	s4 =	sshll.u32 s27, $0x1;
	_ =	strace $0x8000004C;
	[dreg:$0x1] =	wrdreg $0xFFFFFFFF  }
0x1f: {  	s28 =	simm.s32 $_size_execute0_lowered;
	s1 =	sadd.s32 s1, s4;
	[dreg:$0x0] =	wrdreg $0x0  }
0x20: {  	s4 =	sshll.u32 s28, $0x1;
	[dreg:$0x2] =	wrdreg s1  }
0x21: {  	[dreg:$0x3] =	wrdreg s4  }
0x22: {  	[dreg:$0x4] =	wrdreg $0xC0  }
0x23: {  	_ =	task [dreg:s6], $0x5FFFF  }
0x24: {  	[dreg:$0x1] =	wrdreg $0xFFFFFFFF  }
0x25: {  	[dreg:$0x0] =	wrdreg $0x60  }
0x26: {  	[dreg:$0x2] =	wrdreg s25  }
0x27: {  	[dreg:$0x3] =	wrdreg $0x9  }
0x28: {  	_ =	task.clear_ibuf [dreg:s6], $0x4FFFF;
	_ =	strace $0x9000004C  }
0x29: {  	s29 =	simm.s32 $0x9;
	_ =	strace $0x8000004E  }
0x2a: {  	_ =	swait.ge [sflag:s29], $0x1  }
0x2b: {  	[sflag:s29] =	ssyncadd.s32 $0xFFFFFFFF  }
0x2c: {  	_ =	strace $0x9000004E  }
0x2d: {  	_ =	sfence  }
0x2e: {  	s30 =	sld [smem:$0x0];
	_ =	sdelay $0x2  }
0x2f: {  	s31 =	sshll.u32 s3, $0xD;
	s3 =	sshrl.u32 s3, $0x2  }
0x30: {  	s2 =	sand.u32 $0x4000, s31;
	s1 =	sadd.s32 s3, s30  }
0x31: {  	s0 =	sor.u32 s2, s0;
	s1 =	sshll.u32 s1, $0x11  }
0x32: {  	s0 =	sor.u32 s1, s0  }
0x33: {  	s0 =	sadd.s32 $0x8F2B, s0  }
0x34: {  	[sflag:s0] =	ssyncadd.remote.s32 $0x1  }
0x35: {  	_ =	sfence.sel $0xFFFF  }
0x36: {  	[dreg:$0x0] =	wrdreg $0xFFFFFFFF;
	(pc) =	sbr.abs _section_cstart, $3  }
0x37: {  	[dreg:$0x1] =	wrdreg $0xFFFFFFFF  }
0x38: {  	_ =	task.clear_ibuf [dreg:s6], $0x2FFFF;
	_ =	strace $0x9FFFFFFF  }
0x39: {  	(tm) =	ssettm $0x7FFFFFFF  }
tec
execute0_lowered:
.L_overlay_start_1:
0x0: {  	(tag) =	ssettag $0x1  }
0x1: {  	s4 =	rddreg [dreg:$0x0]  }
0x2: {  	s1 =	stileid.u32;
	s0 =	rddreg [dreg:$0x1]  }
0x3: {  	_ =	strace $0x8000004D;
	s5 =	srdreg.scid;
	s31 =	simm.s32 $0x2  }
0x4: {  	s16 =	simm.s32 $0x0;
	s9 =	simm.s32 $0x2000;
	s15 =	simm.s32 $0x0  }
0x5: {  	s14 =	simm.s32 $0x0;
	s10 =	simm.s32 $0x0;
	s2 =	sshll.u32 s1, $0x7  }
0x6: {  	s13 =	simm.s32 $0x0;
	s5 =	sshll.u32 s5, $0x4;
	s2 =	sand.u32 $0x380, s2  }
0x7: {  	s3 =	sadd.s32 $0x219400, s4;
	s5 =	sand.u32 $0x10, s5;
	s6 =	ssub.s32 $0x400, s2  }
0x8: {  	s4 =	sadd.s32 $0x19400, s4;
	s5 =	sor.u32 s1, s5;
	s7 =	sand.u32 $0x380, s6  }
.Ltmp0:
0x9: {  	p0 =	sne.s32 s7, $0x0;
	s7 =	simm.s32 $0x1;
	(pc) =	sbr.rel .LBB1_1-.Ltmp0, $4  }
0xa: {  	s12 =	smov.u32 s2;
	s8 =	sshrl.u32 s6, $0xA;
	s7 =	simm.s32 @!p0 $0x0  }
0xb: {  	s5 =	sshrl.u32 s5, $0x3;
	s6 =	simm.s32 $0x1;
	s7 =	sadd.s32 s7, s8  }
0xc: {  	[sflag:s6] =	ssyncpa.u1 $0x0;
	s11 =	smov.u32 s5;
	s7 =	sshll.u32 s7, $0x5  }
0xd: {  	[sflag:s31] =	ssyncpa.u1 $0x0;
	p0 =	por $0x0, $0x0;
	s8 =	sor.u32 $0x1, s7  }
.LBB1_4:
0xe: {  	v5 =	vld [tilespmem:s20+$0xFFFFFFD0];
	[tilespmem:s19+$0x2040 ss:$0x81] =	vst.msk $0xffff, v1  }
0xf: {  	v58 =	vld [tilespmem:s20+$0xFFFFFFE0];
	[tilespmem:s19+$0x2850 ss:$0x81] =	vst.msk $0xffff, v2  }
0x10: {  	s21 =	sshra.s32 s21, $0x2;
	v59 =	vld [tilespmem:s20+$0xFFFFFFF0];
	[tilespmem:s19+$0x3060 ss:$0x81] =	vst.msk $0xffff, v3  }
0x11: {  	v60 =	vld [tilespmem:s20+$0x0];
	[tilespmem:s19+$0x0 ss:$0x81] =	vst.msk $0xffff, v0;
	s18 =	sadd.s32 s21, s18  }
0x12: {  	v61 =	vld [tilespmem:s20+$0x10];
	[tilespmem:s18+$0x3870 ss:$0x81] =	vst.msk $0xffff, v4  }
0x13: {  	v62 =	vld [tilespmem:s20+$0x20];
	s26 =	sshll.u32 s16, $0xA;
	s27 =	sshll.u32 s14, $0x3;
	[tilespmem:s18+$0x810 ss:$0x81] =	vst.msk $0xffff, v5  }
0x14: {  	v63 =	vld [tilespmem:s20+$0xFFFFFFC0];
	s29 =	sshll.u32 s16, $0x7;
	s30 =	sand.u32 $0x78, s14;
	s15 =	sshll.u32 s15, $0x12;
	[tilespmem:s18+$0x1020 ss:$0x81] =	vst.msk $0xffff, v58  }
0x15: {  	s19 =	sand.u32 $0x1FE000, s26;
	s28 =	sand.u32 $0x1FFC00, s27;
	s16 =	sand.u32 $0x380, s29;
	[tilespmem:s18+$0x1830 ss:$0x81] =	vst.msk $0xffff, v59  }
0x16: {  	s31 =	sand.u32 $0x7, s14;
	s19 =	sadd.s32 s28, s19;
	s16 =	sor.u32 s30, s16;
	[tilespmem:s18+$0x2040 ss:$0x81] =	vst.msk $0xffff, v60  }
0x17: {  	s15 =	sadd.s32 s4, s15;
	s19 =	sshrl.u32 s19, $0x3;
	s16 =	sshrl.u32 s16, $0x3;
	[tilespmem:s18+$0x2850 ss:$0x81] =	vst.msk $0xffff, v61  }
0x18: {  	s14 =	sshll.u32 s31, $0x12;
	s19 =	sand.u32 $0x3FF80, s19;
	s15 =	sadd.s32 s16, s15;
	[tilespmem:s18+$0x3060 ss:$0x81] =	vst.msk $0xffff, v62  }
0x19: {  	s14 =	sor.u32 $0x400, s14;
	[tilespmem:s18+$0x0 ss:$0x81] =	vst.msk $0xffff, v63;
	s15 =	sadd.s32 s19, s15  }
0x1a: {  	[hbm4b:s15+s14] =	stream.strided.scatter [tilespmem:s17], [sflag:$0x2], $0x4000, s9, s14, $0x20;
	[tilespmem:$0x10100] =	vst v63  }
.LBB1_5:
0x1b: {  	s17 =	sadd.s32 $0x80, s10  }
0x1c: {  	s14 =	sadd.s32 $0x4, s11;
	s18 =	smov.u32 s11;
	p2 =	sgt.s32 s17, $0x7FF  }
0x1d: {  	s18 =	smov.u32 @p2 s14  }
0x1e: {  	s20 =	smov.u32 s12;
	s14 =	sadd.s32 $0x400, s12;
	p3 =	sgt.s32 s18, $0x7  }
0x1f: {  	s20 =	smov.u32 @p3 s14  }
0x20: {  	s17 =	simm.s32 @p2 $0x0;
	p2 =	sgt.s32 s20, $0x3FF  }
0x21: {  	p1 =	slt.u32 s13, $0x2;
	s20 =	smov.u32 @p2 s2;
	p2 =	sne.s32 s13, s8  }
.Ltmp1:
0x22: {  	s19 =	simm.s32 @!p1 $0x2;
	(pc) =	sbr.rel @!p2 .LBB1_6-.Ltmp1, $4  }
0x23: {  	s16 =	smov.u32 s10;
	s15 =	smov.u32 s11;
	_ =	swait.ge @!p1 [sflag:s19], $0x4000  }
0x24: {  	p0 =	por !p0, !p0;
	[sflag:s19] =	ssyncset.done @!p1 $0x0;
	s10 =	smov.u32 s17  }
0x25: {  	s18 =	smov.u32 @p3 s5;
	s14 =	smov.u32 s12;
	[sflag:s19] =	ssyncadd.s32 @!p1 $0xFFFFC000  }
0x26: {  	s11 =	smov.u32 s18;
	s13 =	sadd.s32 $0x1, s13;
	s12 =	smov.u32 s20  }
.LBB1_1:
0x27: {  	p1 =	sge.u32 s13, s7  }
0x28: {  	s31 =	sadd.s32 $0xFFFFFFFF, s13;
	s17 =	sxor.u32 @!p1 $0xFFFFFFFF, s13;
	s18 =	sshll.u32 @!p1 s11, $0x7  }
0x29: {  	s19 =	sand.u32 @!p1 $0x78, s10;
	s20 =	sshll.u32 @!p1 s10, $0x3;
	s18 =	sand.u32 @!p1 $0x380, s18  }
0x2a: {  	s20 =	sand.u32 @!p1 $0x400, s20;
	s18 =	sor.u32 @!p1 s18, s19;
	s19 =	sshll.u32 @!p1 s12, $0xB  }
0x2b: {  	s18 =	sor.u32 @!p1 s20, s18;
	s20 =	sand.u32 @!p1 $0x700, s10;
	s19 =	sadd.s32 @!p1 s3, s19  }
0x2c: {  	s17 =	sshll.u32 @!p1 s17, $0xE;
	s19 =	sadd.s32 @!p1 s20, s19;
	s20 =	sand.u32 @!p1 $0x7, s10  }
0x2d: {  	s17 =	sand.u32 @!p1 $0x4000, s17;
	s18 =	sshrl.u32 @!p1 s18, $0x3;
	s20 =	sshll.u32 @!p1 s20, $0x12  }
0x2e: {  	s18 =	sadd.s32 @!p1 s18, s19;
	s19 =	sor.u32 @!p1 $0x80, s20;
	s20 =	simm.s32 @!p1 $0x4000  }
0x2f: {  	[tilespmem:s17], [sflag:$0x1] =	stream.strided.gather @!p1 [hbm4b:s18+s19], $0x4000, s20, s19, $0x38;
	[tilespmem:$0x10100] =	vst v63  }
0x30: {  	p1 =	sge.u32 s31, s7  }
.Ltmp2:
0x31: {  	_ = 	snop;
	(pc) =	sbr.rel @p1 .LBB1_5-.Ltmp2, $1  }
0x32: {  	_ =	sdelay $0x3  }
0x33: {  	s17 =	simm.s32 $0x1  }
0x34: {  	_ =	swait.ge [sflag:s6], $0x4000;
	s17 =	simm.s32 @!p0 $0x0  }
0x35: {  	[sflag:s6] =	ssyncset.done $0x0;
	s18 =	sshll.u32 s17, $0xE  }
0x36: {  	[sflag:s6] =	ssyncadd.s32 $0xFFFFC000;
	s20 =	sor.u32 $0x40, s18  }
0x37: {  	s17 =	smul.u32 $0x10200, s17;
	v0 =	vld [tilespmem:s20+$0x30]  }
0x38: {  	v3 =	vld [tilespmem:s20+$0xFFFFFFD0]  }
0x39: {  	s17 =	sshrl.u32 s17, $0x2;
	v4 =	vld [tilespmem:s20+$0xFFFFFFE0]  }
0x3a: {  	v5 =	vld [tilespmem:s20+$0xFFFFFFF0];
	s18 =	sor.u32 $0x8000, s17  }
0x3b: {  	s31 =	sand.u32 $0x1, s13;
	v1 =	vld [tilespmem:s20+$0x0];
	s19 =	sadd.s32 $0x0, s18  }
0x3c: {  	v2 =	vld [tilespmem:s20+$0x10];
	s17 =	smul.u32 $0x10200, s31;
	[tilespmem:s19+$0x3870 ss:$0x81] =	vst.msk $0xffff, v0  }
0x3d: {  	[tilespmem:s19+$0x810 ss:$0x81] =	vst.msk $0xffff, v3;
	v3 =	vld [tilespmem:s20+$0x20]  }
0x3e: {  	s17 =	sshrl.u32 s17, $0x2;
	v0 =	vld [tilespmem:s20+$0xFFFFFFC0];
	[tilespmem:s19+$0x1020 ss:$0x81] =	vst.msk $0xffff, v4;
	s20 =	sadd.s32 $0x80, s20  }
0x3f: {  	s21 =	simm.s32 $0x4;
	s22 =	simm.s32 $0x8;
	s17 =	sor.u32 $0x8000, s17;
	[tilespmem:s19+$0x1830 ss:$0x81] =	vst.msk $0xffff, v5;
	v4 =	vld [tilespmem:s20+$0x30]  }
.LBB1_3:
0x40: {  	p1 =	sne.s32 s22, $0x1FC;
	v5 =	vld [tilespmem:s20+$0xFFFFFFD0];
	[tilespmem:s19+$0x2040 ss:$0x81] =	vst.msk $0xffff, v1  }
0x41: {  	v6 =	vld [tilespmem:s20+$0xFFFFFFE0];
	[tilespmem:s19+$0x2850 ss:$0x81] =	vst.msk $0xffff, v2  }
0x42: {  	s23 =	sshra.s32 s21, $0x2;
	s21 =	smov.u32 s22;
	v7 =	vld [tilespmem:s20+$0xFFFFFFF0];
	[tilespmem:s19+$0x3060 ss:$0x81] =	vst.msk $0xffff, v3  }
.Ltmp3:
0x43: {  	v1 =	vld [tilespmem:s20+$0x0];
	[tilespmem:s19+$0x0 ss:$0x81] =	vst.msk $0xffff, v0;
	s19 =	sadd.s32 s23, s18;
	(pc) =	sbr.rel @p1 .LBB1_3-.Ltmp3, $4  }
0x44: {  	v2 =	vld [tilespmem:s20+$0x10];
	[tilespmem:s19+$0x3870 ss:$0x81] =	vst.msk $0xffff, v4  }
0x45: {  	[tilespmem:s19+$0x810 ss:$0x81] =	vst.msk $0xffff, v5;
	v3 =	vld [tilespmem:s20+$0x20]  }
0x46: {  	v0 =	vld [tilespmem:s20+$0xFFFFFFC0];
	[tilespmem:s19+$0x1020 ss:$0x81] =	vst.msk $0xffff, v6;
	s20 =	sadd.s32 $0x80, s20  }
0x47: {  	s22 =	sadd.s32 $0x4, s22;
	v4 =	vld [tilespmem:s20+$0x30];
	[tilespmem:s19+$0x1830 ss:$0x81] =	vst.msk $0xffff, v7  }
.Ltmp4:
0x48: {  	_ = 	snop;
	(pc) =	sbr.rel .LBB1_4-.Ltmp4, $1  }
0x49: {  	_ =	sdelay $0x3  }
.LBB1_6:
0x4a: {  	_ =	sfence.sel $0x180000  }
0x4b: {  	s2 =	simm.s32 $0x1;
	[bflag:$0x0] =	sbarrier.arrive $0xFFFF  }
0x4c: {  	s31 =	simm.s32 $0x2;
	[sflag:s2] =	ssyncpa.u1 $0x1  }
0x4d: {  	[sflag:s31] =	ssyncpa.u1 $0x1  }
0x4e: {  	p0 =	sne.s32 s1, $0x0;
	_ =	strace $0x9000004D  }
0x4f: {  	s0 =	sadd.s32 @!p0 $0x100000, s0;
	[bflag:$0x2] =	sbarrier.arrive $0xFFFF  }
0x50: {  	[sflag:s0] =	ssyncadd.tile.s32 @!p0 $0x1;
	_ =	shalt  }
.Lfunc_end1:
_tile_overlayer_lowered:
.L_overlay_start_2:
0x51: {  	(tag) =	ssettag $0x2  }
0x52: {  	s0 =	rddreg [dreg:$0x0];
	s2 =	stileid.u32  }
0x53: {  	s1 =	rddreg [dreg:$0x1];
	p0 =	sne.s32 s2, $0x0  }
0x54: {  	s3 =	rddreg [dreg:$0x2];
	[bflag:$0x3] =	sbarrier.arrive $0xFFFF;
	s2 =	simm.s32 @!p0 $0x1C01  }
0x55: {  	[timem:s3], [sflag:s2] =	dma.local @!p0 [hbm:s0], s1  }
0x56: {  	s0 =	simm.s32 @!p0 $0x1  }
0x57: {  	_ =	swait.ge @!p0 [sflag:s0], s1  }
0x58: {  	s1 =	ssub.s32 @!p0 $0x0, s1;
	[sflag:s0] =	ssyncset.done @!p0 $0x0  }
0x59: {  	[sflag:s0] =	ssyncadd.s32 @!p0 s1  }
0x5a: {  	[bflag:$0x3] =	sbarrier.arrive $0xFFFF  }
0x5b: {  	_ =	shalt  }

// kernel: sparse-core-data-format-call.4.cloned.1.call-start
scs
called_computation.4_lowered:
.L_overlay_start_0:
0x0: {  	s1 =	sld [smem:$0x3FD9]  }
0x1: {  	s2 =	sld [smem:$0x3FFE];
	_ =	sdelay $0x1  }
0x2: {  	s3 =	srdreg.scid  }
0x3: {  	s0 =	sand.u32 $0x1, s3  }
0x4: {  	s17 =	sshll.u32 s0, $0xA;
	s1 =	sadd.s32 s2, s1  }
0x5: {  	s1 =	sadd.s32 s1, s17  }
0x6: {  	[smem:$0x3FC1] =	sst s1  }
0x7: {  	_ = 	snop  }
0x8: {  	(tm) =	ssettm $0x1  }
0x9: {  	s18 =	sld [smem:$0x3FFB];
	_ =	sdelay $0x3  }
0xa: {  	_ =	strace s18  }
0xb: {  	s1 =	sld [smem:$0x3FFC];
	_ =	sdelay $0x3  }
0xc: {  	_ =	strace s1  }
0xd: {  	s1 =	sld [smem:$0x3FFD];
	_ =	sdelay $0x3  }
0xe: {  	_ =	strace s1  }
0xf: {  	_ =	strace $0x8FFFFFFF  }
0x10: {  	s19 =	sld [smem:$0x3FDB];
	_ =	sdelay $0x1  }
0x11: {  	s20 =	simm.s32 $_scs_section_size  }
0x12: {  	s4 =	simm.s32 $_size__tile_overlayer_lowered;
	s5 =	simm.s32 $_tile_overlayer_lowered  }
0x13: {  	s23 =	simm.s32 $0x1BFF;
	s22 =	sshll.u32 s5, $0x1;
	s1 =	sadd.s32 s20, s19  }
0x14: {  	s6 =	simm.s32 $0x0;
	s21 =	sshll.u32 s4, $0x1;
	s4 =	sadd.s32 s22, s1  }
0x15: {  	[timem:s6], [sflag:s23] =	dma.local [hbm:s4], s21  }
0x16: {  	_ =	swait.ge [sflag:s23], s21  }
0x17: {  	s2 =	ssub.s32 $0x0, s21;
	[sflag:s23] =	ssyncset.done $0x0  }
0x18: {  	[sflag:s23] =	ssyncadd.s32 s2;
	_ =	sdelay $0x1  }
0x19: {  	s24 =	simm.s32 $0x1B8B  }
0x1a: {  	_ =	swait.ge [sflag:s24], $0x1  }
0x1b: {  	[sflag:s24] =	ssyncset.done $0x0  }
0x1c: {  	s26 =	simm.s32 $0x1B8E;
	s25 =	sld [smem:$0x3FFE];
	[sflag:s24] =	ssyncadd.s32 $0xFFFFFFFF  }
0x1d: {  	s27 =	simm.s32 $execute0_lowered;
	[smem:$0x3FD2] =	sst s26  }
0x1e: {  	s4 =	sshll.u32 s27, $0x1;
	_ =	strace $0x80000049;
	[dreg:$0x1] =	wrdreg $0xFFFFFFFF  }
0x1f: {  	s28 =	simm.s32 $_size_execute0_lowered;
	s1 =	sadd.s32 s1, s4;
	[dreg:$0x0] =	wrdreg $0x0  }
0x20: {  	s4 =	sshll.u32 s28, $0x1;
	[dreg:$0x2] =	wrdreg s1  }
0x21: {  	[dreg:$0x3] =	wrdreg s4  }
0x22: {  	[dreg:$0x4] =	wrdreg $0xC0  }
0x23: {  	_ =	task [dreg:s6], $0x5FFFF  }
0x24: {  	[dreg:$0x1] =	wrdreg $0xFFFFFFFF  }
0x25: {  	[dreg:$0x0] =	wrdreg $0x60  }
0x26: {  	[dreg:$0x2] =	wrdreg s25  }
0x27: {  	[dreg:$0x3] =	wrdreg $0x9  }
0x28: {  	_ =	task.clear_ibuf [dreg:s6], $0x4FFFF;
	_ =	strace $0x90000049  }
0x29: {  	s29 =	simm.s32 $0x9;
	_ =	strace $0x8000004B  }
0x2a: {  	_ =	swait.ge [sflag:s29], $0x1  }
0x2b: {  	[sflag:s29] =	ssyncadd.s32 $0xFFFFFFFF  }
0x2c: {  	_ =	strace $0x9000004B  }
0x2d: {  	_ =	sfence  }
0x2e: {  	s30 =	sld [smem:$0x0];
	_ =	sdelay $0x2  }
0x2f: {  	s31 =	sshll.u32 s3, $0xD;
	s3 =	sshrl.u32 s3, $0x2  }
0x30: {  	s2 =	sand.u32 $0x4000, s31;
	s1 =	sadd.s32 s3, s30  }
0x31: {  	s0 =	sor.u32 s2, s0;
	s1 =	sshll.u32 s1, $0x11  }
0x32: {  	s0 =	sor.u32 s1, s0  }
0x33: {  	s0 =	sadd.s32 $0x8F2B, s0  }
0x34: {  	[sflag:s0] =	ssyncadd.remote.s32 $0x1  }
0x35: {  	_ =	sfence.sel $0xFFFF  }
0x36: {  	[dreg:$0x0] =	wrdreg $0xFFFFFFFF;
	(pc) =	sbr.abs _section_cstart, $3  }
0x37: {  	[dreg:$0x1] =	wrdreg $0xFFFFFFFF  }
0x38: {  	_ =	task.clear_ibuf [dreg:s6], $0x2FFFF;
	_ =	strace $0x9FFFFFFF  }
0x39: {  	(tm) =	ssettm $0x7FFFFFFF  }
tec
execute0_lowered:
.L_overlay_start_1:
0x0: {  	(tag) =	ssettag $0x1  }
0x1: {  	s0 =	stileid.u32;
	s1 =	srdreg.scid  }
0x2: {  	s4 =	rddreg [dreg:$0x0];
	s7 =	simm.s32 $0x1;
	s31 =	simm.s32 $0x2  }
0x3: {  	s14 =	simm.s32 $0x0;
	s2 =	sshll.u32 s0, $0x4;
	s1 =	sshll.u32 s1, $0x8  }
0x4: {  	s9 =	simm.s32 $0x4000;
	s15 =	simm.s32 $0x0;
	s1 =	sor.u32 s2, s1  }
0x5: {  	s16 =	simm.s32 $0x0;
	s10 =	simm.s32 $0x0;
	s2 =	sand.u32 $0x180, s1  }
0x6: {  	s13 =	simm.s32 $0x0;
	s3 =	sadd.s32 $0x19400, s4;
	s5 =	ssub.s32 $0x800, s2  }
0x7: {  	s4 =	sadd.s32 $0x119400, s4;
	s1 =	rddreg [dreg:$0x1];
	s6 =	sand.u32 $0x180, s5  }
.Ltmp0:
0x8: {  	_ =	strace $0x8000004A;
	p0 =	sne.s32 s6, $0x0;
	(pc) =	sbr.rel .LBB1_1-.Ltmp0, $4  }
0x9: {  	s11 =	smov.u32 s2;
	s8 =	sshrl.u32 s5, $0x9;
	s7 =	simm.s32 @!p0 $0x0  }
0xa: {  	s5 =	sand.u32 $0x7, s0;
	s6 =	simm.s32 $0x1;
	s7 =	sadd.s32 s7, s8  }
0xb: {  	s12 =	smov.u32 s5;
	[sflag:s6] =	ssyncpa.u1 $0x0;
	s7 =	sshll.u32 s7, $0x2  }
0xc: {  	p0 =	por $0x0, $0x0;
	[sflag:s31] =	ssyncpa.u1 $0x0;
	s8 =	sor.u32 $0x1, s7  }
.LBB1_4:
0xd: {  	v5 =	vld [tilespmem:s20+$0xFFFFFFD0];
	[tilespmem:s19+$0x2040 ss:$0x81] =	vst.msk $0xffff, v1  }
0xe: {  	v58 =	vld [tilespmem:s20+$0xFFFFFFE0];
	[tilespmem:s19+$0x2850 ss:$0x81] =	vst.msk $0xffff, v2  }
0xf: {  	s21 =	sshra.s32 s21, $0x2;
	v59 =	vld [tilespmem:s20+$0xFFFFFFF0];
	[tilespmem:s19+$0x3060 ss:$0x81] =	vst.msk $0xffff, v3  }
0x10: {  	v60 =	vld [tilespmem:s20+$0x0];
	[tilespmem:s19+$0x0 ss:$0x81] =	vst.msk $0xffff, v0;
	s18 =	sadd.s32 s21, s18  }
0x11: {  	v61 =	vld [tilespmem:s20+$0x10];
	[tilespmem:s18+$0x3870 ss:$0x81] =	vst.msk $0xffff, v4  }
0x12: {  	v62 =	vld [tilespmem:s20+$0x20];
	[tilespmem:s18+$0x810 ss:$0x81] =	vst.msk $0xffff, v5  }
0x13: {  	s16 =	sshll.u32 s16, $0x7;
	v63 =	vld [tilespmem:s20+$0xFFFFFFC0];
	s28 =	sand.u32 $0x78, s15;
	[tilespmem:s18+$0x1020 ss:$0x81] =	vst.msk $0xffff, v58  }
0x14: {  	s29 =	sshll.u32 s15, $0x3;
	s30 =	sand.u32 $0x700, s15;
	s16 =	sand.u32 $0x380, s16;
	[tilespmem:s18+$0x1830 ss:$0x81] =	vst.msk $0xffff, v59  }
0x15: {  	s14 =	sshll.u32 s14, $0xB;
	s20 =	sand.u32 $0x400, s29;
	s16 =	sor.u32 s16, s28;
	[tilespmem:s18+$0x2040 ss:$0x81] =	vst.msk $0xffff, v60  }
0x16: {  	s31 =	sand.u32 $0x7, s15;
	s19 =	sadd.s32 s4, s30;
	s16 =	sor.u32 s20, s16;
	[tilespmem:s18+$0x2850 ss:$0x81] =	vst.msk $0xffff, v61  }
0x17: {  	s15 =	sshll.u32 s31, $0x12;
	s14 =	sadd.s32 s14, s19;
	s16 =	sshrl.u32 s16, $0x3;
	[tilespmem:s18+$0x3060 ss:$0x81] =	vst.msk $0xffff, v62  }
0x18: {  	s15 =	sor.u32 $0x80, s15;
	[tilespmem:s18+$0x0 ss:$0x81] =	vst.msk $0xffff, v63;
	s14 =	sadd.s32 s16, s14  }
0x19: {  	[hbm4b:s14+s15] =	stream.strided.scatter [tilespmem:s17], [sflag:$0x2], $0x4000, s9, s15, $0x20;
	[tilespmem:$0x10100] =	vst v63  }
.LBB1_5:
0x1a: {  	s17 =	sadd.s32 $0x80, s10  }
0x1b: {  	s14 =	sadd.s32 $0x200, s11;
	s18 =	smov.u32 s11;
	p2 =	sgt.s32 s17, $0x1FF  }
0x1c: {  	s18 =	smov.u32 @p2 s14  }
0x1d: {  	s20 =	smov.u32 s12;
	s14 =	sadd.s32 $0x8, s12;
	p3 =	sgt.s32 s18, $0x7FF  }
0x1e: {  	s20 =	smov.u32 @p3 s14  }
0x1f: {  	s17 =	simm.s32 @p2 $0x0;
	p2 =	sgt.s32 s20, $0x7  }
0x20: {  	p1 =	slt.u32 s13, $0x2;
	s20 =	smov.u32 @p2 s5;
	p2 =	sne.s32 s13, s8  }
.Ltmp1:
0x21: {  	s19 =	simm.s32 @!p1 $0x2;
	(pc) =	sbr.rel @!p2 .LBB1_6-.Ltmp1, $4  }
0x22: {  	s15 =	smov.u32 s11;
	s16 =	smov.u32 s12;
	_ =	swait.ge @!p1 [sflag:s19], $0x4000  }
0x23: {  	p0 =	por !p0, !p0;
	[sflag:s19] =	ssyncset.done @!p1 $0x0;
	s18 =	smov.u32 @p3 s2  }
0x24: {  	s14 =	smov.u32 s10;
	[sflag:s19] =	ssyncadd.s32 @!p1 $0xFFFFC000;
	s10 =	smov.u32 s17  }
0x25: {  	s11 =	smov.u32 s18;
	s13 =	sadd.s32 $0x1, s13;
	s12 =	smov.u32 s20  }
.LBB1_1:
0x26: {  	p1 =	sge.u32 s13, s7  }
0x27: {  	s31 =	sadd.s32 $0xFFFFFFFF, s13;
	s17 =	sxor.u32 @!p1 $0xFFFFFFFF, s13  }
0x28: {  	s18 =	sshll.u32 @!p1 s11, $0x9;
	s19 =	sshll.u32 @!p1 s10, $0x3;
	s20 =	sshll.u32 @!p1 s11, $0x7  }
0x29: {  	s21 =	sand.u32 @!p1 $0x78, s10;
	s18 =	sand.u32 @!p1 $0xFF000, s18;
	s19 =	sand.u32 @!p1 $0xFFC00, s19  }
0x2a: {  	s17 =	sshll.u32 @!p1 s17, $0xE;
	s18 =	sadd.s32 @!p1 s18, s19;
	s19 =	sand.u32 @!p1 $0x200, s20  }
0x2b: {  	s17 =	sand.u32 @!p1 $0x4000, s17;
	s18 =	sor.u32 @!p1 s19, s18;
	s19 =	sand.u32 @!p1 $0x180, s20  }
0x2c: {  	s20 =	sshll.u32 @!p1 s12, $0x11;
	s19 =	sor.u32 @!p1 s21, s19;
	s18 =	sshrl.u32 @!p1 s18, $0x3  }
0x2d: {  	s20 =	sadd.s32 @!p1 s3, s20;
	s21 =	sand.u32 @!p1 $0x7, s10;
	s19 =	sshrl.u32 @!p1 s19, $0x3  }
0x2e: {  	s18 =	sand.u32 @!p1 $0x1FFC0, s18;
	s19 =	sadd.s32 @!p1 s19, s20;
	s20 =	sshll.u32 @!p1 s21, $0x12  }
0x2f: {  	s18 =	sadd.s32 @!p1 s18, s19;
	s19 =	sor.u32 @!p1 $0x400, s20;
	s20 =	simm.s32 @!p1 $0x1000  }
0x30: {  	[tilespmem:s17], [sflag:$0x1] =	stream.strided.gather @!p1 [hbm4b:s18+s19], $0x4000, s20, s19, $0x38;
	[tilespmem:$0x10100] =	vst v63  }
0x31: {  	p1 =	sge.u32 s31, s7  }
.Ltmp2:
0x32: {  	_ = 	snop;
	(pc) =	sbr.rel @p1 .LBB1_5-.Ltmp2, $1  }
0x33: {  	_ =	sdelay $0x3  }
0x34: {  	s17 =	simm.s32 $0x1  }
0x35: {  	_ =	swait.ge [sflag:s6], $0x4000;
	s17 =	simm.s32 @!p0 $0x0  }
0x36: {  	[sflag:s6] =	ssyncset.done $0x0;
	s18 =	sshll.u32 s17, $0xE  }
0x37: {  	[sflag:s6] =	ssyncadd.s32 $0xFFFFC000;
	s20 =	sor.u32 $0x40, s18  }
0x38: {  	s17 =	smul.u32 $0x10200, s17;
	v0 =	vld [tilespmem:s20+$0x30]  }
0x39: {  	v3 =	vld [tilespmem:s20+$0xFFFFFFD0]  }
0x3a: {  	s17 =	sshrl.u32 s17, $0x2;
	v4 =	vld [tilespmem:s20+$0xFFFFFFE0]  }
0x3b: {  	v5 =	vld [tilespmem:s20+$0xFFFFFFF0];
	s18 =	sor.u32 $0x8000, s17  }
0x3c: {  	s31 =	sand.u32 $0x1, s13;
	v1 =	vld [tilespmem:s20+$0x0];
	s19 =	sadd.s32 $0x0, s18  }
0x3d: {  	v2 =	vld [tilespmem:s20+$0x10];
	s17 =	smul.u32 $0x10200, s31;
	[tilespmem:s19+$0x3870 ss:$0x81] =	vst.msk $0xffff, v0  }
0x3e: {  	[tilespmem:s19+$0x810 ss:$0x81] =	vst.msk $0xffff, v3;
	v3 =	vld [tilespmem:s20+$0x20]  }
0x3f: {  	s17 =	sshrl.u32 s17, $0x2;
	v0 =	vld [tilespmem:s20+$0xFFFFFFC0];
	[tilespmem:s19+$0x1020 ss:$0x81] =	vst.msk $0xffff, v4;
	s20 =	sadd.s32 $0x80, s20  }
0x40: {  	s21 =	simm.s32 $0x4;
	s22 =	simm.s32 $0x8;
	s17 =	sor.u32 $0x8000, s17;
	[tilespmem:s19+$0x1830 ss:$0x81] =	vst.msk $0xffff, v5;
	v4 =	vld [tilespmem:s20+$0x30]  }
.LBB1_3:
0x41: {  	p1 =	sne.s32 s22, $0x1FC;
	v5 =	vld [tilespmem:s20+$0xFFFFFFD0];
	[tilespmem:s19+$0x2040 ss:$0x81] =	vst.msk $0xffff, v1  }
0x42: {  	v6 =	vld [tilespmem:s20+$0xFFFFFFE0];
	[tilespmem:s19+$0x2850 ss:$0x81] =	vst.msk $0xffff, v2  }
0x43: {  	s23 =	sshra.s32 s21, $0x2;
	s21 =	smov.u32 s22;
	v7 =	vld [tilespmem:s20+$0xFFFFFFF0];
	[tilespmem:s19+$0x3060 ss:$0x81] =	vst.msk $0xffff, v3  }
.Ltmp3:
0x44: {  	v1 =	vld [tilespmem:s20+$0x0];
	[tilespmem:s19+$0x0 ss:$0x81] =	vst.msk $0xffff, v0;
	s19 =	sadd.s32 s23, s18;
	(pc) =	sbr.rel @p1 .LBB1_3-.Ltmp3, $4  }
0x45: {  	v2 =	vld [tilespmem:s20+$0x10];
	[tilespmem:s19+$0x3870 ss:$0x81] =	vst.msk $0xffff, v4  }
0x46: {  	[tilespmem:s19+$0x810 ss:$0x81] =	vst.msk $0xffff, v5;
	v3 =	vld [tilespmem:s20+$0x20]  }
0x47: {  	v0 =	vld [tilespmem:s20+$0xFFFFFFC0];
	[tilespmem:s19+$0x1020 ss:$0x81] =	vst.msk $0xffff, v6;
	s20 =	sadd.s32 $0x80, s20  }
0x48: {  	s22 =	sadd.s32 $0x4, s22;
	v4 =	vld [tilespmem:s20+$0x30];
	[tilespmem:s19+$0x1830 ss:$0x81] =	vst.msk $0xffff, v7  }
.Ltmp4:
0x49: {  	_ = 	snop;
	(pc) =	sbr.rel .LBB1_4-.Ltmp4, $1  }
0x4a: {  	_ =	sdelay $0x3  }
.LBB1_6:
0x4b: {  	_ =	sfence.sel $0x180000  }
0x4c: {  	s2 =	simm.s32 $0x1;
	[bflag:$0x0] =	sbarrier.arrive $0xFFFF  }
0x4d: {  	s31 =	simm.s32 $0x2;
	[sflag:s2] =	ssyncpa.u1 $0x1  }
0x4e: {  	[sflag:s31] =	ssyncpa.u1 $0x1  }
0x4f: {  	p0 =	sne.s32 s0, $0x0;
	_ =	strace $0x9000004A  }
0x50: {  	s0 =	sadd.s32 @!p0 $0x100000, s1;
	[bflag:$0x2] =	sbarrier.arrive $0xFFFF  }
0x51: {  	[sflag:s0] =	ssyncadd.tile.s32 @!p0 $0x1;
	_ =	shalt  }
.Lfunc_end1:
_tile_overlayer_lowered:
.L_overlay_start_2:
0x52: {  	(tag) =	ssettag $0x2  }
0x53: {  	s0 =	rddreg [dreg:$0x0];
	s2 =	stileid.u32  }
0x54: {  	s1 =	rddreg [dreg:$0x1];
	p0 =	sne.s32 s2, $0x0  }
0x55: {  	s3 =	rddreg [dreg:$0x2];
	[bflag:$0x3] =	sbarrier.arrive $0xFFFF;
	s2 =	simm.s32 @!p0 $0x1C01  }
0x56: {  	[timem:s3], [sflag:s2] =	dma.local @!p0 [hbm:s0], s1  }
0x57: {  	s0 =	simm.s32 @!p0 $0x1  }
0x58: {  	_ =	swait.ge @!p0 [sflag:s0], s1  }
0x59: {  	s1 =	ssub.s32 @!p0 $0x0, s1;
	[sflag:s0] =	ssyncset.done @!p0 $0x0  }
0x5a: {  	[sflag:s0] =	ssyncadd.s32 @!p0 s1  }
0x5b: {  	[bflag:$0x3] =	sbarrier.arrive $0xFFFF  }
0x5c: {  	_ =	shalt  }

// kernel: sparse-core-data-format-call.cloned.1.call-start
scs
called_computation_lowered:
.L_overlay_start_0:
0x0: {  	s1 =	sld [smem:$0x3FD9]  }
0x1: {  	s2 =	sld [smem:$0x3FFE];
	_ =	sdelay $0x1  }
0x2: {  	s3 =	srdreg.scid  }
0x3: {  	s0 =	sand.u32 $0x1, s3  }
0x4: {  	s17 =	sshll.u32 s0, $0xA;
	s1 =	sadd.s32 s2, s1  }
0x5: {  	s1 =	sadd.s32 s1, s17  }
0x6: {  	[smem:$0x3FC1] =	sst s1  }
0x7: {  	_ = 	snop  }
0x8: {  	(tm) =	ssettm $0x1  }
0x9: {  	s18 =	sld [smem:$0x3FFB];
	_ =	sdelay $0x3  }
0xa: {  	_ =	strace s18  }
0xb: {  	s1 =	sld [smem:$0x3FFC];
	_ =	sdelay $0x3  }
0xc: {  	_ =	strace s1  }
0xd: {  	s1 =	sld [smem:$0x3FFD];
	_ =	sdelay $0x3  }
0xe: {  	_ =	strace s1  }
0xf: {  	_ =	strace $0x8FFFFFFF  }
0x10: {  	s19 =	sld [smem:$0x3FDB];
	_ =	sdelay $0x1  }
0x11: {  	s20 =	simm.s32 $_scs_section_size  }
0x12: {  	s4 =	simm.s32 $_size__tile_overlayer_lowered;
	s5 =	simm.s32 $_tile_overlayer_lowered  }
0x13: {  	s23 =	simm.s32 $0x1BFF;
	s22 =	sshll.u32 s5, $0x1;
	s1 =	sadd.s32 s20, s19  }
0x14: {  	s6 =	simm.s32 $0x0;
	s21 =	sshll.u32 s4, $0x1;
	s4 =	sadd.s32 s22, s1  }
0x15: {  	[timem:s6], [sflag:s23] =	dma.local [hbm:s4], s21  }
0x16: {  	_ =	swait.ge [sflag:s23], s21  }
0x17: {  	s2 =	ssub.s32 $0x0, s21;
	[sflag:s23] =	ssyncset.done $0x0  }
0x18: {  	[sflag:s23] =	ssyncadd.s32 s2;
	_ =	sdelay $0x1  }
0x19: {  	s24 =	simm.s32 $0x1B8B  }
0x1a: {  	_ =	swait.ge [sflag:s24], $0x1  }
0x1b: {  	[sflag:s24] =	ssyncset.done $0x0  }
0x1c: {  	s26 =	simm.s32 $0x1B8E;
	s25 =	sld [smem:$0x3FFE];
	[sflag:s24] =	ssyncadd.s32 $0xFFFFFFFF  }
0x1d: {  	s27 =	simm.s32 $execute0_lowered;
	[smem:$0x3FD2] =	sst s26  }
0x1e: {  	s4 =	sshll.u32 s27, $0x1;
	_ =	strace $0x80000058;
	[dreg:$0x1] =	wrdreg $0xFFFFFFFF  }
0x1f: {  	s28 =	simm.s32 $_size_execute0_lowered;
	s1 =	sadd.s32 s1, s4;
	[dreg:$0x0] =	wrdreg $0x0  }
0x20: {  	s4 =	sshll.u32 s28, $0x1;
	[dreg:$0x2] =	wrdreg s1  }
0x21: {  	[dreg:$0x3] =	wrdreg s4  }
0x22: {  	[dreg:$0x4] =	wrdreg $0xC0  }
0x23: {  	_ =	task [dreg:s6], $0x5FFFF  }
0x24: {  	[dreg:$0x1] =	wrdreg $0xFFFFFFFF  }
0x25: {  	[dreg:$0x0] =	wrdreg $0x60  }
0x26: {  	[dreg:$0x2] =	wrdreg s25  }
0x27: {  	[dreg:$0x3] =	wrdreg $0x9  }
0x28: {  	_ =	task.clear_ibuf [dreg:s6], $0x4FFFF;
	_ =	strace $0x90000058  }
0x29: {  	s29 =	simm.s32 $0x9;
	_ =	strace $0x8000005A  }
0x2a: {  	_ =	swait.ge [sflag:s29], $0x1  }
0x2b: {  	[sflag:s29] =	ssyncadd.s32 $0xFFFFFFFF  }
0x2c: {  	_ =	strace $0x9000005A  }
0x2d: {  	_ =	sfence  }
0x2e: {  	s30 =	sld [smem:$0x0];
	_ =	sdelay $0x2  }
0x2f: {  	s31 =	sshll.u32 s3, $0xD;
	s3 =	sshrl.u32 s3, $0x2  }
0x30: {  	s2 =	sand.u32 $0x4000, s31;
	s1 =	sadd.s32 s3, s30  }
0x31: {  	s0 =	sor.u32 s2, s0;
	s1 =	sshll.u32 s1, $0x11  }
0x32: {  	s0 =	sor.u32 s1, s0  }
0x33: {  	s0 =	sadd.s32 $0x8F2B, s0  }
0x34: {  	[sflag:s0] =	ssyncadd.remote.s32 $0x1  }
0x35: {  	_ =	sfence.sel $0xFFFF  }
0x36: {  	[dreg:$0x0] =	wrdreg $0xFFFFFFFF;
	(pc) =	sbr.abs _section_cstart, $3  }
0x37: {  	[dreg:$0x1] =	wrdreg $0xFFFFFFFF  }
0x38: {  	_ =	task.clear_ibuf [dreg:s6], $0x2FFFF;
	_ =	strace $0x9FFFFFFF  }
0x39: {  	(tm) =	ssettm $0x7FFFFFFF  }
tec
execute0_lowered:
.L_overlay_start_1:
0x0: {  	(tag) =	ssettag $0x1  }
0x1: {  	s4 =	rddreg [dreg:$0x0]  }
0x2: {  	s1 =	stileid.u32;
	s0 =	rddreg [dreg:$0x1]  }
0x3: {  	_ =	strace $0x80000059;
	s5 =	srdreg.scid;
	s31 =	simm.s32 $0x2  }
0x4: {  	s16 =	simm.s32 $0x0;
	s9 =	simm.s32 $0x2000;
	s15 =	simm.s32 $0x0  }
0x5: {  	s14 =	simm.s32 $0x0;
	s10 =	simm.s32 $0x0;
	s2 =	sshll.u32 s1, $0x7  }
0x6: {  	s13 =	simm.s32 $0x0;
	s5 =	sshll.u32 s5, $0x4;
	s2 =	sand.u32 $0x380, s2  }
0x7: {  	s3 =	sadd.s32 $0x209600, s4;
	s5 =	sand.u32 $0x10, s5;
	s6 =	ssub.s32 $0x400, s2  }
0x8: {  	s4 =	sadd.s32 $0x9600, s4;
	s5 =	sor.u32 s1, s5;
	s7 =	sand.u32 $0x380, s6  }
.Ltmp0:
0x9: {  	p0 =	sne.s32 s7, $0x0;
	s7 =	simm.s32 $0x1;
	(pc) =	sbr.rel .LBB1_1-.Ltmp0, $4  }
0xa: {  	s12 =	smov.u32 s2;
	s8 =	sshrl.u32 s6, $0xA;
	s7 =	simm.s32 @!p0 $0x0  }
0xb: {  	s5 =	sshrl.u32 s5, $0x3;
	s6 =	simm.s32 $0x1;
	s7 =	sadd.s32 s7, s8  }
0xc: {  	[sflag:s6] =	ssyncpa.u1 $0x0;
	s11 =	smov.u32 s5;
	s7 =	sshll.u32 s7, $0x5  }
0xd: {  	[sflag:s31] =	ssyncpa.u1 $0x0;
	p0 =	por $0x0, $0x0;
	s8 =	sor.u32 $0x1, s7  }
.LBB1_4:
0xe: {  	v5 =	vld [tilespmem:s20+$0xFFFFFFD0];
	[tilespmem:s19+$0x2040 ss:$0x81] =	vst.msk $0xffff, v1  }
0xf: {  	v58 =	vld [tilespmem:s20+$0xFFFFFFE0];
	[tilespmem:s19+$0x2850 ss:$0x81] =	vst.msk $0xffff, v2  }
0x10: {  	s21 =	sshra.s32 s21, $0x2;
	v59 =	vld [tilespmem:s20+$0xFFFFFFF0];
	[tilespmem:s19+$0x3060 ss:$0x81] =	vst.msk $0xffff, v3  }
0x11: {  	v60 =	vld [tilespmem:s20+$0x0];
	[tilespmem:s19+$0x0 ss:$0x81] =	vst.msk $0xffff, v0;
	s18 =	sadd.s32 s21, s18  }
0x12: {  	v61 =	vld [tilespmem:s20+$0x10];
	[tilespmem:s18+$0x3870 ss:$0x81] =	vst.msk $0xffff, v4  }
0x13: {  	v62 =	vld [tilespmem:s20+$0x20];
	s26 =	sshll.u32 s16, $0xA;
	s27 =	sshll.u32 s14, $0x3;
	[tilespmem:s18+$0x810 ss:$0x81] =	vst.msk $0xffff, v5  }
0x14: {  	v63 =	vld [tilespmem:s20+$0xFFFFFFC0];
	s29 =	sshll.u32 s16, $0x7;
	s30 =	sand.u32 $0x78, s14;
	s15 =	sshll.u32 s15, $0x12;
	[tilespmem:s18+$0x1020 ss:$0x81] =	vst.msk $0xffff, v58  }
0x15: {  	s19 =	sand.u32 $0x1FE000, s26;
	s28 =	sand.u32 $0x1FFC00, s27;
	s16 =	sand.u32 $0x380, s29;
	[tilespmem:s18+$0x1830 ss:$0x81] =	vst.msk $0xffff, v59  }
0x16: {  	s31 =	sand.u32 $0x7, s14;
	s19 =	sadd.s32 s28, s19;
	s16 =	sor.u32 s30, s16;
	[tilespmem:s18+$0x2040 ss:$0x81] =	vst.msk $0xffff, v60  }
0x17: {  	s15 =	sadd.s32 s4, s15;
	s19 =	sshrl.u32 s19, $0x3;
	s16 =	sshrl.u32 s16, $0x3;
	[tilespmem:s18+$0x2850 ss:$0x81] =	vst.msk $0xffff, v61  }
0x18: {  	s14 =	sshll.u32 s31, $0x12;
	s19 =	sand.u32 $0x3FF80, s19;
	s15 =	sadd.s32 s16, s15;
	[tilespmem:s18+$0x3060 ss:$0x81] =	vst.msk $0xffff, v62  }
0x19: {  	s14 =	sor.u32 $0x400, s14;
	[tilespmem:s18+$0x0 ss:$0x81] =	vst.msk $0xffff, v63;
	s15 =	sadd.s32 s19, s15  }
0x1a: {  	[hbm4b:s15+s14] =	stream.strided.scatter [tilespmem:s17], [sflag:$0x2], $0x4000, s9, s14, $0x20;
	[tilespmem:$0x10100] =	vst v63  }
.LBB1_5:
0x1b: {  	s17 =	sadd.s32 $0x80, s10  }
0x1c: {  	s14 =	sadd.s32 $0x4, s11;
	s18 =	smov.u32 s11;
	p2 =	sgt.s32 s17, $0x7FF  }
0x1d: {  	s18 =	smov.u32 @p2 s14  }
0x1e: {  	s20 =	smov.u32 s12;
	s14 =	sadd.s32 $0x400, s12;
	p3 =	sgt.s32 s18, $0x7  }
0x1f: {  	s20 =	smov.u32 @p3 s14  }
0x20: {  	s17 =	simm.s32 @p2 $0x0;
	p2 =	sgt.s32 s20, $0x3FF  }
0x21: {  	p1 =	slt.u32 s13, $0x2;
	s20 =	smov.u32 @p2 s2;
	p2 =	sne.s32 s13, s8  }
.Ltmp1:
0x22: {  	s19 =	simm.s32 @!p1 $0x2;
	(pc) =	sbr.rel @!p2 .LBB1_6-.Ltmp1, $4  }
0x23: {  	s16 =	smov.u32 s10;
	s15 =	smov.u32 s11;
	_ =	swait.ge @!p1 [sflag:s19], $0x4000  }
0x24: {  	p0 =	por !p0, !p0;
	[sflag:s19] =	ssyncset.done @!p1 $0x0;
	s10 =	smov.u32 s17  }
0x25: {  	s18 =	smov.u32 @p3 s5;
	s14 =	smov.u32 s12;
	[sflag:s19] =	ssyncadd.s32 @!p1 $0xFFFFC000  }
0x26: {  	s11 =	smov.u32 s18;
	s13 =	sadd.s32 $0x1, s13;
	s12 =	smov.u32 s20  }
.LBB1_1:
0x27: {  	p1 =	sge.u32 s13, s7  }
0x28: {  	s31 =	sadd.s32 $0xFFFFFFFF, s13;
	s17 =	sxor.u32 @!p1 $0xFFFFFFFF, s13;
	s18 =	sshll.u32 @!p1 s11, $0x7  }
0x29: {  	s19 =	sand.u32 @!p1 $0x78, s10;
	s20 =	sshll.u32 @!p1 s10, $0x3;
	s18 =	sand.u32 @!p1 $0x380, s18  }
0x2a: {  	s20 =	sand.u32 @!p1 $0x400, s20;
	s18 =	sor.u32 @!p1 s18, s19;
	s19 =	sshll.u32 @!p1 s12, $0xB  }
0x2b: {  	s18 =	sor.u32 @!p1 s20, s18;
	s20 =	sand.u32 @!p1 $0x700, s10;
	s19 =	sadd.s32 @!p1 s3, s19  }
0x2c: {  	s17 =	sshll.u32 @!p1 s17, $0xE;
	s19 =	sadd.s32 @!p1 s20, s19;
	s20 =	sand.u32 @!p1 $0x7, s10  }
0x2d: {  	s17 =	sand.u32 @!p1 $0x4000, s17;
	s18 =	sshrl.u32 @!p1 s18, $0x3;
	s20 =	sshll.u32 @!p1 s20, $0x12  }
0x2e: {  	s18 =	sadd.s32 @!p1 s18, s19;
	s19 =	sor.u32 @!p1 $0x80, s20;
	s20 =	simm.s32 @!p1 $0x4000  }
0x2f: {  	[tilespmem:s17], [sflag:$0x1] =	stream.strided.gather @!p1 [hbm4b:s18+s19], $0x4000, s20, s19, $0x38;
	[tilespmem:$0x10100] =	vst v63  }
0x30: {  	p1 =	sge.u32 s31, s7  }
.Ltmp2:
0x31: {  	_ = 	snop;
	(pc) =	sbr.rel @p1 .LBB1_5-.Ltmp2, $1  }
0x32: {  	_ =	sdelay $0x3  }
0x33: {  	s17 =	simm.s32 $0x1  }
0x34: {  	_ =	swait.ge [sflag:s6], $0x4000;
	s17 =	simm.s32 @!p0 $0x0  }
0x35: {  	[sflag:s6] =	ssyncset.done $0x0;
	s18 =	sshll.u32 s17, $0xE  }
0x36: {  	[sflag:s6] =	ssyncadd.s32 $0xFFFFC000;
	s20 =	sor.u32 $0x40, s18  }
0x37: {  	s17 =	smul.u32 $0x10200, s17;
	v0 =	vld [tilespmem:s20+$0x30]  }
0x38: {  	v3 =	vld [tilespmem:s20+$0xFFFFFFD0]  }
0x39: {  	s17 =	sshrl.u32 s17, $0x2;
	v4 =	vld [tilespmem:s20+$0xFFFFFFE0]  }
0x3a: {  	v5 =	vld [tilespmem:s20+$0xFFFFFFF0];
	s18 =	sor.u32 $0x8000, s17  }
0x3b: {  	s31 =	sand.u32 $0x1, s13;
	v1 =	vld [tilespmem:s20+$0x0];
	s19 =	sadd.s32 $0x0, s18  }
0x3c: {  	v2 =	vld [tilespmem:s20+$0x10];
	s17 =	smul.u32 $0x10200, s31;
	[tilespmem:s19+$0x3870 ss:$0x81] =	vst.msk $0xffff, v0  }
0x3d: {  	[tilespmem:s19+$0x810 ss:$0x81] =	vst.msk $0xffff, v3;
	v3 =	vld [tilespmem:s20+$0x20]  }
0x3e: {  	s17 =	sshrl.u32 s17, $0x2;
	v0 =	vld [tilespmem:s20+$0xFFFFFFC0];
	[tilespmem:s19+$0x1020 ss:$0x81] =	vst.msk $0xffff, v4;
	s20 =	sadd.s32 $0x80, s20  }
0x3f: {  	s21 =	simm.s32 $0x4;
	s22 =	simm.s32 $0x8;
	s17 =	sor.u32 $0x8000, s17;
	[tilespmem:s19+$0x1830 ss:$0x81] =	vst.msk $0xffff, v5;
	v4 =	vld [tilespmem:s20+$0x30]  }
.LBB1_3:
0x40: {  	p1 =	sne.s32 s22, $0x1FC;
	v5 =	vld [tilespmem:s20+$0xFFFFFFD0];
	[tilespmem:s19+$0x2040 ss:$0x81] =	vst.msk $0xffff, v1  }
0x41: {  	v6 =	vld [tilespmem:s20+$0xFFFFFFE0];
	[tilespmem:s19+$0x2850 ss:$0x81] =	vst.msk $0xffff, v2  }
0x42: {  	s23 =	sshra.s32 s21, $0x2;
	s21 =	smov.u32 s22;
	v7 =	vld [tilespmem:s20+$0xFFFFFFF0];
	[tilespmem:s19+$0x3060 ss:$0x81] =	vst.msk $0xffff, v3  }
.Ltmp3:
0x43: {  	v1 =	vld [tilespmem:s20+$0x0];
	[tilespmem:s19+$0x0 ss:$0x81] =	vst.msk $0xffff, v0;
	s19 =	sadd.s32 s23, s18;
	(pc) =	sbr.rel @p1 .LBB1_3-.Ltmp3, $4  }
0x44: {  	v2 =	vld [tilespmem:s20+$0x10];
	[tilespmem:s19+$0x3870 ss:$0x81] =	vst.msk $0xffff, v4  }
0x45: {  	[tilespmem:s19+$0x810 ss:$0x81] =	vst.msk $0xffff, v5;
	v3 =	vld [tilespmem:s20+$0x20]  }
0x46: {  	v0 =	vld [tilespmem:s20+$0xFFFFFFC0];
	[tilespmem:s19+$0x1020 ss:$0x81] =	vst.msk $0xffff, v6;
	s20 =	sadd.s32 $0x80, s20  }
0x47: {  	s22 =	sadd.s32 $0x4, s22;
	v4 =	vld [tilespmem:s20+$0x30];
	[tilespmem:s19+$0x1830 ss:$0x81] =	vst.msk $0xffff, v7  }
.Ltmp4:
0x48: {  	_ = 	snop;
	(pc) =	sbr.rel .LBB1_4-.Ltmp4, $1  }
0x49: {  	_ =	sdelay $0x3  }
.LBB1_6:
0x4a: {  	_ =	sfence.sel $0x180000  }
0x4b: {  	s2 =	simm.s32 $0x1;
	[bflag:$0x0] =	sbarrier.arrive $0xFFFF  }
0x4c: {  	s31 =	simm.s32 $0x2;
	[sflag:s2] =	ssyncpa.u1 $0x1  }
0x4d: {  	[sflag:s31] =	ssyncpa.u1 $0x1  }
0x4e: {  	p0 =	sne.s32 s1, $0x0;
	_ =	strace $0x90000059  }
0x4f: {  	s0 =	sadd.s32 @!p0 $0x100000, s0;
	[bflag:$0x2] =	sbarrier.arrive $0xFFFF  }
0x50: {  	[sflag:s0] =	ssyncadd.tile.s32 @!p0 $0x1;
	_ =	shalt  }
.Lfunc_end1:
_tile_overlayer_lowered:
.L_overlay_start_2:
0x51: {  	(tag) =	ssettag $0x2  }
0x52: {  	s0 =	rddreg [dreg:$0x0];
	s2 =	stileid.u32  }
0x53: {  	s1 =	rddreg [dreg:$0x1];
	p0 =	sne.s32 s2, $0x0  }
0x54: {  	s3 =	rddreg [dreg:$0x2];
	[bflag:$0x3] =	sbarrier.arrive $0xFFFF;
	s2 =	simm.s32 @!p0 $0x1C01  }
0x55: {  	[timem:s3], [sflag:s2] =	dma.local @!p0 [hbm:s0], s1  }
0x56: {  	s0 =	simm.s32 @!p0 $0x1  }
0x57: {  	_ =	swait.ge @!p0 [sflag:s0], s1  }
0x58: {  	s1 =	ssub.s32 @!p0 $0x0, s1;
	[sflag:s0] =	ssyncset.done @!p0 $0x0  }
0x59: {  	[sflag:s0] =	ssyncadd.s32 @!p0 s1  }
0x5a: {  	[bflag:$0x3] =	sbarrier.arrive $0xFFFF  }
0x5b: {  	_ =	shalt  }

</sc_bundles>
